<compile_context>
chip_gen: v7x
topology: tpu7x:2x2x1
jax: 0.10.2.dev20260603
libtpu: 0.0.44.dev20260713+nightly
codegen_flags: <defaults>
</compile_context>

<pallas_src>
import functools

import jax
import jax.numpy as jnp
import numpy as np
from jax import lax
from jax.experimental import pallas as pl
from jax.experimental.pallas import tpu as pltpu
from jax.experimental.pallas import tpu_sc as plsc

N_NODES = 10000
N_EDGES = 320000
HIDDEN = 128
NUM_HEADS = 8
HEAD_DIM = 16
NC, NS = 2, 16
H_PER_C = NUM_HEADS // NC
QW = H_PER_C * HEAD_DIM
KVW = 2 * QW
ACC_W = 80
CHUNK = 80
E_PER_S = N_EDGES // NS
N_CHUNKS = E_PER_S // CHUNK
ROWS_PER_CHUNKBUF = N_CHUNKS
N_ACC = 10240
ROWS_PER_SUB = N_ACC // NS


def _qkv_body(h_ref, wq_ref, bq_ref, wkv_ref, bkv_ref, q_ref, kv_ref):
    hblk = h_ref[...]
    for c in range(NC):
        q_ref[c] = (
            jnp.dot(hblk, wq_ref[c], preferred_element_type=jnp.float32)
            + bq_ref[c]
        ).astype(jnp.bfloat16)
        kv_ref[c] = (
            jnp.dot(hblk, wkv_ref[c], preferred_element_type=jnp.float32)
            + bkv_ref[c]
        ).astype(jnp.bfloat16)


def _project_qkv(h, wq2, bq2, wkv2, bkv2):
    blk = 2000
    grid = N_NODES // blk
    return pl.pallas_call(
        _qkv_body,
        grid=(grid,),
        in_specs=[
            pl.BlockSpec((blk, HIDDEN), lambda i: (i, 0)),
            pl.BlockSpec((NC, HIDDEN, QW), lambda i: (0, 0, 0)),
            pl.BlockSpec((NC, 1, QW), lambda i: (0, 0, 0)),
            pl.BlockSpec((NC, HIDDEN, KVW), lambda i: (0, 0, 0)),
            pl.BlockSpec((NC, 1, KVW), lambda i: (0, 0, 0)),
        ],
        out_specs=[
            pl.BlockSpec((NC, blk, QW), lambda i: (0, i, 0)),
            pl.BlockSpec((NC, blk, KVW), lambda i: (0, i, 0)),
        ],
        out_shape=[
            jax.ShapeDtypeStruct((NC, N_NODES, QW), jnp.bfloat16),
            jax.ShapeDtypeStruct((NC, N_NODES, KVW), jnp.bfloat16),
        ],
    )(h, wq2, bq2, wkv2, bkv2)


def _edge_body(q_hbm, kv_hbm, src2d_hbm, dst2d_hbm, zeros_hbm, out_hbm,
               sidx, didx, dq0, dq1, kvb0, kvb1, qb0, qb1, crows, acc,
               semk0, semk1, semq0, semq1, sems):
    cid = lax.axis_index("c")
    sid = lax.axis_index("s")
    dq = (dq0, dq1)
    kvb = (kvb0, kvb1)
    qb = (qb0, qb1)
    semk = (semk0, semk1)
    semq = (semq0, semq1)

    rbase = sid * ROWS_PER_SUB
    pltpu.sync_copy(zeros_hbm.at[pl.ds(rbase, ROWS_PER_SUB)],
                    acc.at[pl.ds(rbase, ROWS_PER_SUB)])
    plsc.subcore_barrier()

    irow = sid * ROWS_PER_CHUNKBUF
    pltpu.sync_copy(src2d_hbm.at[pl.ds(irow, ROWS_PER_CHUNKBUF)], sidx)
    pltpu.sync_copy(dst2d_hbm.at[pl.ds(irow, ROWS_PER_CHUNKBUF)], didx)

    roff = jnp.full((16,), cid * N_NODES, jnp.int32)

    def chunk_row(r, carry):
        for i in range(CHUNK // 16):
            sidx[r, pl.ds(i * 16, 16)] = sidx[r, pl.ds(i * 16, 16)] + roff
        return carry

    lax.fori_loop(0, N_CHUNKS, chunk_row, 0)

    lane = lax.iota(jnp.int32, 16)

    def issue_gathers(chunk, b):
        for i in range(CHUNK // 16):
            dq[b][pl.ds(i * 16, 16)] = didx[chunk, pl.ds(i * 16, 16)] + roff
        pltpu.async_copy(kv_hbm.at[sidx.at[chunk]], kvb[b], semk[b])
        pltpu.async_copy(q_hbm.at[dq[b]], qb[b], semq[b])

    def wait_gathers(b):
        pltpu.make_async_copy(kv_hbm.at[sidx.at[0]], kvb[b], semk[b]).wait()
        pltpu.make_async_copy(q_hbm.at[dq[b]], qb[b], semq[b]).wait()

    issue_gathers(0, 0)

    def pair_body(gp, carry):
        for b in (0, 1):
            g = 2 * gp + b
            nb = 1 - b
            issue_gathers(jnp.minimum(g + 1, N_CHUNKS - 1), nb)
            wait_gathers(b)

            kvrows = kvb[b]
            qrows = qb[b]
            cr = crows

            @plsc.parallel_loop(0, CHUNK, 1, unroll=4)
            def _(e):
                den = jnp.zeros((16,), jnp.float32)
                for p in range(H_PER_C // 2):
                    k32 = kvrows[e, pl.ds(p * 32, 32)]
                    q32 = qrows[e, pl.ds(p * 32, 32)]
                    v32 = kvrows[e, pl.ds(QW + p * 32, 32)]
                    kab = plsc.unpack(k32, format=plsc.PackFormat.INTERLEAVED)
                    qab = plsc.unpack(q32, format=plsc.PackFormat.INTERLEAVED)
                    vab = plsc.unpack(v32, format=plsc.PackFormat.INTERLEAVED)
                    for t in range(2):
                        hh = 2 * p + t
                        s = jnp.sum(kab[t] * qab[t]) * 0.25
                        es = jnp.exp(jnp.full((16,), s, jnp.float32))
                        cr[e, pl.ds(hh * HEAD_DIM, HEAD_DIM)] = es * vab[t]
                        den = jnp.where(lane == hh, es, den)
                cr[e, pl.ds(QW, 16)] = den

            pltpu.async_copy(cr, acc.at[didx.at[g]], sems, add=True).wait()
        return carry

    lax.fori_loop(0, N_CHUNKS // 2, pair_body, 0)
    wait_gathers(0)
    plsc.subcore_barrier()
    pltpu.sync_copy(acc.at[pl.ds(rbase, ROWS_PER_SUB)],
                    out_hbm.at[cid, pl.ds(rbase, ROWS_PER_SUB)])


def _edge_accumulate(q2f, kv2f, src2d, dst2d, zeros_acc):
    mesh = plsc.VectorSubcoreMesh(core_axis_name="c", subcore_axis_name="s",
                                  num_cores=NC, num_subcores=NS)
    f = functools.partial(
        pl.kernel,
        out_type=jax.ShapeDtypeStruct((NC, N_ACC, ACC_W), jnp.float32),
        mesh=mesh,
        scratch_types=[
            pltpu.VMEM((N_CHUNKS, CHUNK), jnp.int32),
            pltpu.VMEM((N_CHUNKS, CHUNK), jnp.int32),
            pltpu.VMEM((CHUNK,), jnp.int32),
            pltpu.VMEM((CHUNK,), jnp.int32),
            pltpu.VMEM((CHUNK, KVW), jnp.bfloat16),
            pltpu.VMEM((CHUNK, KVW), jnp.bfloat16),
            pltpu.VMEM((CHUNK, QW), jnp.bfloat16),
            pltpu.VMEM((CHUNK, QW), jnp.bfloat16),
            pltpu.VMEM((CHUNK, ACC_W), jnp.float32),
            pltpu.VMEM_SHARED((N_ACC, ACC_W), jnp.float32),
            pltpu.SemaphoreType.DMA,
            pltpu.SemaphoreType.DMA,
            pltpu.SemaphoreType.DMA,
            pltpu.SemaphoreType.DMA,
            pltpu.SemaphoreType.DMA,
        ],
        compiler_params=pltpu.CompilerParams(needs_layout_passes=False,
                                             use_tc_tiling_on_sc=False),
    )(_edge_body)
    return f(q2f, kv2f, src2d, dst2d, zeros_acc)


def _finalize_body(p_ref, sel_ref, out_ref):
    parts = []
    for c in range(NC):
        p = p_ref[c]
        den = jnp.dot(p[:, QW:QW + H_PER_C], sel_ref[...],
                      preferred_element_type=jnp.float32)
        parts.append(p[:, :QW] / den)
    out_ref[...] = jnp.concatenate(parts, axis=1)


def _finalize(partials, sel):
    blk = 2000
    grid = N_NODES // blk
    return pl.pallas_call(
        _finalize_body,
        grid=(grid,),
        in_specs=[
            pl.BlockSpec((NC, blk, ACC_W), lambda i: (0, i, 0)),
            pl.BlockSpec((H_PER_C, QW), lambda i: (0, 0)),
        ],
        out_specs=pl.BlockSpec((blk, HIDDEN), lambda i: (i, 0)),
        out_shape=jax.ShapeDtypeStruct((N_NODES, HIDDEN), jnp.float32),
    )(partials, sel)


def kernel(h, edge_index, WQ_w, WQ_b, WK_w, WK_b, WV_w, WV_b):
    src2d = edge_index[0].astype(jnp.int32).reshape(N_EDGES // CHUNK, CHUNK)
    dst2d = edge_index[1].astype(jnp.int32).reshape(N_EDGES // CHUNK, CHUNK)
    wqt = WQ_w.T
    wkt = WK_w.T
    wvt = WV_w.T
    perm = np.array([(2 * (j // 32) + (j % 2)) * HEAD_DIM + (j % 32) // 2
                     for j in range(QW)])
    wq2 = jnp.stack([wqt[:, c * QW:(c + 1) * QW][:, perm] for c in range(NC)])
    bq2 = jnp.stack([WQ_b[c * QW:(c + 1) * QW][perm].reshape(1, QW)
                     for c in range(NC)])
    wkv2 = jnp.stack([
        jnp.concatenate([wkt[:, c * QW:(c + 1) * QW][:, perm],
                         wvt[:, c * QW:(c + 1) * QW][:, perm]], axis=1)
        for c in range(NC)])
    bkv2 = jnp.stack([
        jnp.concatenate([WK_b[c * QW:(c + 1) * QW][perm],
                         WV_b[c * QW:(c + 1) * QW][perm]]).reshape(1, KVW)
        for c in range(NC)])
    sel = jnp.asarray(np.kron(np.eye(H_PER_C, dtype=np.float32),
                              np.ones((1, HEAD_DIM), np.float32)))
    zeros_acc = jnp.zeros((N_ACC, ACC_W), jnp.float32)

    q2, kv2 = _project_qkv(h, wq2, bq2, wkv2, bkv2)
    q2f = q2.reshape(NC * N_NODES, QW)
    kv2f = kv2.reshape(NC * N_NODES, KVW)
    partials = _edge_accumulate(q2f, kv2f, src2d, dst2d, zeros_acc)
    out2d = _finalize(partials, sel)
    return out2d.reshape(N_NODES, NUM_HEADS, HEAD_DIM)

# --- scband reference (transcript-rebuilt; emitter-appended) ---
"""Pipeline reference for scband-graph-mha-layer-31928786879183 (READ-ONLY COPY).

The authoritative reference and input builder live on the scoring server;
editing this copy changes nothing except your own understanding.
"""

import jax, jax.numpy as jnp
import numpy as np

N_NODES = 10000
N_EDGES = 320000
HIDDEN = 128
NUM_HEADS = 8
HEAD_DIM = 16


def setup_inputs(seed: int = 0) -> dict:
    key = jax.random.key(seed)
    ks = jax.random.split(key, 8)
    h = jax.random.normal(ks[0], (N_NODES, HIDDEN), dtype=jnp.float32)
    edge_index = jax.random.randint(ks[1], (2, N_EDGES), 0, N_NODES, dtype=jnp.int32).astype(jnp.int64)
    scale = 1.0 / np.sqrt(HIDDEN)
    # torch nn.Linear convention: weight [out_features, in_features], bias [out_features]
    WQ_w = jax.random.normal(ks[2], (NUM_HEADS * HEAD_DIM, HIDDEN), dtype=jnp.float32) * scale
    WQ_b = jax.random.normal(ks[3], (NUM_HEADS * HEAD_DIM,), dtype=jnp.float32) * 0.01
    WK_w = jax.random.normal(ks[4], (NUM_HEADS * HEAD_DIM, HIDDEN), dtype=jnp.float32) * scale
    WK_b = jax.random.normal(ks[5], (NUM_HEADS * HEAD_DIM,), dtype=jnp.float32) * 0.01
    WV_w = jax.random.normal(ks[6], (NUM_HEADS * HEAD_DIM, HIDDEN), dtype=jnp.float32) * scale
    WV_b = jax.random.normal(ks[7], (NUM_HEADS * HEAD_DIM,), dtype=jnp.float32) * 0.01
    return {"h": h, "edge_index": edge_index, "WQ_w": WQ_w, "WQ_b": WQ_b,
            "WK_w": WK_w, "WK_b": WK_b, "WV_w": WV_w, "WV_b": WV_b}


def reference(h, edge_index, WQ_w, WQ_b, WK_w, WK_b, WV_w, WV_b):
    # Linear projections (torch: y = x @ W.T + b)
    Q = (h @ WQ_w.T + WQ_b).reshape(-1, NUM_HEADS, HEAD_DIM)
    K = (h @ WK_w.T + WK_b).reshape(-1, NUM_HEADS, HEAD_DIM)
    V = (h @ WV_w.T + WV_b).reshape(-1, NUM_HEADS, HEAD_DIM)
    src = edge_index[0]
    dst = edge_index[1]
    # message_func: qikj = sum(K[src] * Q[dst], dim=2).unsqueeze(2); expij = exp(qikj / sqrt(head_dim))
    qikj = jnp.sum(K[src] * Q[dst], axis=2, keepdims=True)  # [E, H, 1]
    expij = jnp.exp(qikj / jnp.sqrt(jnp.float32(HEAD_DIM)))  # [E, H, 1]
    vj = V[src]  # [E, H, HEAD_DIM]
    # reduce_func: per dst node, numerator = sum(expij * vj), denominator = sum(expij)
    numerator = jax.ops.segment_sum(expij * vj, dst, num_segments=N_NODES)  # [N, H, HEAD_DIM]
    denominator = jax.ops.segment_sum(expij, dst, num_segments=N_NODES)     # [N, H, 1]
    gMHA = numerator / denominator
    return gMHA

if __name__ == "__main__":
    import jax
    _d = setup_inputs()
    print(jax.jit(kernel)(*tuple(_d.values())))

</pallas_src>

<mosaic_0001>
#map = affine_map<(d0, d1) -> (0, 0)>
#map1 = affine_map<(d0, d1) -> (0, 0, 0)>
module attributes {stable_mosaic.version = 14 : i64} {
  func.func @_edge_body(%arg0: i32, %arg1: i32, %arg2: memref<20000x64xbf16, #tpu.memory_space<hbm>>, %arg3: memref<20000x128xbf16, #tpu.memory_space<hbm>>, %arg4: memref<4000x80xi32, #tpu.memory_space<hbm>>, %arg5: memref<4000x80xi32, #tpu.memory_space<hbm>>, %arg6: memref<10240x80xf32, #tpu.memory_space<hbm>>, %arg7: memref<2x10240x80xf32, #tpu.memory_space<hbm>>, %arg8: memref<250x80xi32, #tpu.memory_space<vmem>>, %arg9: memref<250x80xi32, #tpu.memory_space<vmem>>, %arg10: memref<80xi32, #tpu.memory_space<vmem>>, %arg11: memref<80xi32, #tpu.memory_space<vmem>>, %arg12: memref<80x128xbf16, #tpu.memory_space<vmem>>, %arg13: memref<80x128xbf16, #tpu.memory_space<vmem>>, %arg14: memref<80x64xbf16, #tpu.memory_space<vmem>>, %arg15: memref<80x64xbf16, #tpu.memory_space<vmem>>, %arg16: memref<80x80xf32, #tpu.memory_space<vmem>>, %arg17: memref<10240x80xf32, #tpu.memory_space<vmem_shared>>, %arg18: memref<!tpu.dma_semaphore, #tpu.memory_space<semaphore_mem>>, %arg19: memref<!tpu.dma_semaphore, #tpu.memory_space<semaphore_mem>>, %arg20: memref<!tpu.dma_semaphore, #tpu.memory_space<semaphore_mem>>, %arg21: memref<!tpu.dma_semaphore, #tpu.memory_space<semaphore_mem>>, %arg22: memref<!tpu.dma_semaphore, #tpu.memory_space<semaphore_mem>>) attributes {dimension_semantics = [#tpu.dimension_semantics<core_parallel>, #tpu.dimension_semantics<subcore_parallel>], iteration_bounds = array<i64: 2, 16>, scalar_prefetch = 0 : i64, scratch_operands = 15 : i64, tpu.core_type = #tpu.core_type<sc_vector_subcore>, window_params = [{transform_indices = #map}, {transform_indices = #map}, {transform_indices = #map}, {transform_indices = #map}, {transform_indices = #map}, {transform_indices = #map1}]} {
    %mul3A = arith.constant 640 : i32
    %mul3A_0 = arith.muli %arg1, %mul3A : i32
    "tpu.region"() ({
      %run_scoped3A = tpu.sem_alloc : memref<!tpu.dma_semaphore, #tpu.memory_space<semaphore_mem>>
      %dma_start3A_67 = arith.constant 0 : i32
      %dma_start3A_68 = tpu.memref_slice %arg17[%mul3A_0, %dma_start3A_67] : memref<10240x80xf32, #tpu.memory_space<vmem_shared>> -> memref<640x80xf32, #tpu.memory_space<vmem_shared>>
      %dma_start3A_69 = arith.constant 0 : i32
      %dma_start3A_70 = tpu.memref_slice %arg6[%mul3A_0, %dma_start3A_69] : memref<10240x80xf32, #tpu.memory_space<hbm>> -> memref<640x80xf32, #tpu.memory_space<hbm>>
      tpu.enqueue_dma source(%dma_start3A_70 : memref<640x80xf32, #tpu.memory_space<hbm>>) target(%dma_start3A_68 : memref<640x80xf32, #tpu.memory_space<vmem_shared>>) target_semaphore(%run_scoped3A : memref<!tpu.dma_semaphore, #tpu.memory_space<semaphore_mem>>)
      %dma_wait3A_71 = arith.constant 0 : i32
      %dma_wait3A_72 = tpu.memref_slice %arg17[%mul3A_0, %dma_wait3A_71] : memref<10240x80xf32, #tpu.memory_space<vmem_shared>> -> memref<640x80xf32, #tpu.memory_space<vmem_shared>>
      %dma_wait3A_73 = arith.constant 0 : i32
      %dma_wait3A_74 = tpu.memref_slice %arg6[%mul3A_0, %dma_wait3A_73] : memref<10240x80xf32, #tpu.memory_space<hbm>> -> memref<640x80xf32, #tpu.memory_space<hbm>>
      tpu.wait_dma2 semaphore(%run_scoped3A : memref<!tpu.dma_semaphore, #tpu.memory_space<semaphore_mem>>) src(%dma_wait3A_74 : memref<640x80xf32, #tpu.memory_space<hbm>>) dst(%dma_wait3A_72 : memref<640x80xf32, #tpu.memory_space<vmem_shared>>)
      tpu.yield
    }) : () -> ()
    %barrier3A = arith.constant 0 : index
    tpu.barrier barrier_id(%barrier3A)
    %mul3A_1 = arith.constant 250 : i32
    %mul3A_2 = arith.muli %arg1, %mul3A_1 : i32
    "tpu.region"() ({
      %run_scoped3A = tpu.sem_alloc : memref<!tpu.dma_semaphore, #tpu.memory_space<semaphore_mem>>
      %dma_start3A_67 = arith.constant 0 : i32
      %dma_start3A_68 = tpu.memref_slice %arg4[%mul3A_2, %dma_start3A_67] : memref<4000x80xi32, #tpu.memory_space<hbm>> -> memref<250x80xi32, #tpu.memory_space<hbm>>
      %dma_start3A_69 = arith.constant 0 : i32
      %dma_start3A_70 = tpu.memref_slice %arg4[%mul3A_2, %dma_start3A_69] : memref<4000x80xi32, #tpu.memory_space<hbm>> -> memref<250x80xi32, #tpu.memory_space<hbm>>
      tpu.enqueue_dma source(%dma_start3A_70 : memref<250x80xi32, #tpu.memory_space<hbm>>) target(%arg8 : memref<250x80xi32, #tpu.memory_space<vmem>>) target_semaphore(%run_scoped3A : memref<!tpu.dma_semaphore, #tpu.memory_space<semaphore_mem>>)
      %dma_wait3A_71 = arith.constant 0 : i32
      %dma_wait3A_72 = tpu.memref_slice %arg4[%mul3A_2, %dma_wait3A_71] : memref<4000x80xi32, #tpu.memory_space<hbm>> -> memref<250x80xi32, #tpu.memory_space<hbm>>
      %dma_wait3A_73 = arith.constant 0 : i32
      %dma_wait3A_74 = tpu.memref_slice %arg4[%mul3A_2, %dma_wait3A_73] : memref<4000x80xi32, #tpu.memory_space<hbm>> -> memref<250x80xi32, #tpu.memory_space<hbm>>
      tpu.wait_dma2 semaphore(%run_scoped3A : memref<!tpu.dma_semaphore, #tpu.memory_space<semaphore_mem>>) src(%dma_wait3A_74 : memref<250x80xi32, #tpu.memory_space<hbm>>) dst(%arg8 : memref<250x80xi32, #tpu.memory_space<vmem>>)
      tpu.yield
    }) : () -> ()
    "tpu.region"() ({
      %run_scoped3A = tpu.sem_alloc : memref<!tpu.dma_semaphore, #tpu.memory_space<semaphore_mem>>
      %dma_start3A_67 = arith.constant 0 : i32
      %dma_start3A_68 = tpu.memref_slice %arg5[%mul3A_2, %dma_start3A_67] : memref<4000x80xi32, #tpu.memory_space<hbm>> -> memref<250x80xi32, #tpu.memory_space<hbm>>
      %dma_start3A_69 = arith.constant 0 : i32
      %dma_start3A_70 = tpu.memref_slice %arg5[%mul3A_2, %dma_start3A_69] : memref<4000x80xi32, #tpu.memory_space<hbm>> -> memref<250x80xi32, #tpu.memory_space<hbm>>
      tpu.enqueue_dma source(%dma_start3A_70 : memref<250x80xi32, #tpu.memory_space<hbm>>) target(%arg9 : memref<250x80xi32, #tpu.memory_space<vmem>>) target_semaphore(%run_scoped3A : memref<!tpu.dma_semaphore, #tpu.memory_space<semaphore_mem>>)
      %dma_wait3A_71 = arith.constant 0 : i32
      %dma_wait3A_72 = tpu.memref_slice %arg5[%mul3A_2, %dma_wait3A_71] : memref<4000x80xi32, #tpu.memory_space<hbm>> -> memref<250x80xi32, #tpu.memory_space<hbm>>
      %dma_wait3A_73 = arith.constant 0 : i32
      %dma_wait3A_74 = tpu.memref_slice %arg5[%mul3A_2, %dma_wait3A_73] : memref<4000x80xi32, #tpu.memory_space<hbm>> -> memref<250x80xi32, #tpu.memory_space<hbm>>
      tpu.wait_dma2 semaphore(%run_scoped3A : memref<!tpu.dma_semaphore, #tpu.memory_space<semaphore_mem>>) src(%dma_wait3A_74 : memref<250x80xi32, #tpu.memory_space<hbm>>) dst(%arg9 : memref<250x80xi32, #tpu.memory_space<vmem>>)
      tpu.yield
    }) : () -> ()
    %mul3A_3 = arith.constant 10000 : i32
    %mul3A_4 = arith.muli %arg0, %mul3A_3 : i32
    %broadcast_in_dim3A = vector.broadcast %mul3A_4 : i32 to vector<16xi32>
    %scan3A = arith.constant 0 : i32
    %scan3A_5 = arith.constant 0 : i32
    %scan3A_6 = arith.constant 250 : i32
    %scan3A_7 = arith.addi %scan3A_5, %scan3A_6 : i32
    %scan3A_8 = arith.constant 1 : i32
    scf.for %scan3A_67 = %scan3A_5 to %scan3A_7 step %scan3A_8  : i32 {
      %get3A_68 = arith.index_cast %scan3A_67 : i32 to index
      %get3A_69 = arith.constant 0 : index
      %get3A_70 = tpu.vector_load %arg8[%get3A_68, %get3A_69] {strides = array<i32>} : memref<250x80xi32, #tpu.memory_space<vmem>>, vector<16xi32>,
      %add3A_71 = arith.addi %get3A_70, %broadcast_in_dim3A : vector<16xi32>
      %swap3A_72 = arith.index_cast %scan3A_67 : i32 to index
      %swap3A_73 = arith.constant 0 : index
      %swap3A_74 = tpu.vector_load %arg8[%swap3A_72, %swap3A_73] {strides = array<i32>} : memref<250x80xi32, #tpu.memory_space<vmem>>, vector<16xi32>,
      tpu.vector_store %arg8[%swap3A_72, %swap3A_73], %add3A_71 {strides = array<i32>} : memref<250x80xi32, #tpu.memory_space<vmem>>, vector<16xi32>,
      %get3A_75 = arith.index_cast %scan3A_67 : i32 to index
      %get3A_76 = arith.constant 16 : index
      %get3A_77 = tpu.vector_load %arg8[%get3A_75, %get3A_76] {strides = array<i32>} : memref<250x80xi32, #tpu.memory_space<vmem>>, vector<16xi32>,
      %add3A_78 = arith.addi %get3A_77, %broadcast_in_dim3A : vector<16xi32>
      %swap3A_79 = arith.index_cast %scan3A_67 : i32 to index
      %swap3A_80 = arith.constant 16 : index
      %swap3A_81 = tpu.vector_load %arg8[%swap3A_79, %swap3A_80] {strides = array<i32>} : memref<250x80xi32, #tpu.memory_space<vmem>>, vector<16xi32>,
      tpu.vector_store %arg8[%swap3A_79, %swap3A_80], %add3A_78 {strides = array<i32>} : memref<250x80xi32, #tpu.memory_space<vmem>>, vector<16xi32>,
      %get3A_82 = arith.index_cast %scan3A_67 : i32 to index
      %get3A_83 = arith.constant 32 : index
      %get3A_84 = tpu.vector_load %arg8[%get3A_82, %get3A_83] {strides = array<i32>} : memref<250x80xi32, #tpu.memory_space<vmem>>, vector<16xi32>,
      %add3A_85 = arith.addi %get3A_84, %broadcast_in_dim3A : vector<16xi32>
      %swap3A_86 = arith.index_cast %scan3A_67 : i32 to index
      %swap3A_87 = arith.constant 32 : index
      %swap3A_88 = tpu.vector_load %arg8[%swap3A_86, %swap3A_87] {strides = array<i32>} : memref<250x80xi32, #tpu.memory_space<vmem>>, vector<16xi32>,
      tpu.vector_store %arg8[%swap3A_86, %swap3A_87], %add3A_85 {strides = array<i32>} : memref<250x80xi32, #tpu.memory_space<vmem>>, vector<16xi32>,
      %get3A_89 = arith.index_cast %scan3A_67 : i32 to index
      %get3A_90 = arith.constant 48 : index
      %get3A_91 = tpu.vector_load %arg8[%get3A_89, %get3A_90] {strides = array<i32>} : memref<250x80xi32, #tpu.memory_space<vmem>>, vector<16xi32>,
      %add3A_92 = arith.addi %get3A_91, %broadcast_in_dim3A : vector<16xi32>
      %swap3A_93 = arith.index_cast %scan3A_67 : i32 to index
      %swap3A_94 = arith.constant 48 : index
      %swap3A_95 = tpu.vector_load %arg8[%swap3A_93, %swap3A_94] {strides = array<i32>} : memref<250x80xi32, #tpu.memory_space<vmem>>, vector<16xi32>,
      tpu.vector_store %arg8[%swap3A_93, %swap3A_94], %add3A_92 {strides = array<i32>} : memref<250x80xi32, #tpu.memory_space<vmem>>, vector<16xi32>,
      %get3A_96 = arith.index_cast %scan3A_67 : i32 to index
      %get3A_97 = arith.constant 64 : index
      %get3A_98 = tpu.vector_load %arg8[%get3A_96, %get3A_97] {strides = array<i32>} : memref<250x80xi32, #tpu.memory_space<vmem>>, vector<16xi32>,
      %add3A_99 = arith.addi %get3A_98, %broadcast_in_dim3A : vector<16xi32>
      %swap3A_100 = arith.index_cast %scan3A_67 : i32 to index
      %swap3A_101 = arith.constant 64 : index
      %swap3A_102 = tpu.vector_load %arg8[%swap3A_100, %swap3A_101] {strides = array<i32>} : memref<250x80xi32, #tpu.memory_space<vmem>>, vector<16xi32>,
      tpu.vector_store %arg8[%swap3A_100, %swap3A_101], %add3A_99 {strides = array<i32>} : memref<250x80xi32, #tpu.memory_space<vmem>>, vector<16xi32>,
    }
    %scan3A_9 = arith.constant 250 : i32
    %iota3A = tpu.iota {dimensions = array<i32: 0>} : vector<16xi32>
    %get3A = arith.constant 0 : i32
    %get3A_10 = arith.index_cast %get3A : i32 to index
    %get3A_11 = arith.constant 0 : index
    %get3A_12 = tpu.vector_load %arg9[%get3A_10, %get3A_11] {strides = array<i32>} : memref<250x80xi32, #tpu.memory_space<vmem>>, vector<16xi32>,
    %add3A = arith.addi %get3A_12, %broadcast_in_dim3A : vector<16xi32>
    %swap3A = arith.constant 0 : index
    %swap3A_13 = tpu.vector_load %arg10[%swap3A] {strides = array<i32>} : memref<80xi32, #tpu.memory_space<vmem>>, vector<16xi32>,
    tpu.vector_store %arg10[%swap3A], %add3A {strides = array<i32>} : memref<80xi32, #tpu.memory_space<vmem>>, vector<16xi32>,
    %get3A_14 = arith.constant 0 : i32
    %get3A_15 = arith.index_cast %get3A_14 : i32 to index
    %get3A_16 = arith.constant 16 : index
    %get3A_17 = tpu.vector_load %arg9[%get3A_15, %get3A_16] {strides = array<i32>} : memref<250x80xi32, #tpu.memory_space<vmem>>, vector<16xi32>,
    %add3A_18 = arith.addi %get3A_17, %broadcast_in_dim3A : vector<16xi32>
    %swap3A_19 = arith.constant 16 : index
    %swap3A_20 = tpu.vector_load %arg10[%swap3A_19] {strides = array<i32>} : memref<80xi32, #tpu.memory_space<vmem>>, vector<16xi32>,
    tpu.vector_store %arg10[%swap3A_19], %add3A_18 {strides = array<i32>} : memref<80xi32, #tpu.memory_space<vmem>>, vector<16xi32>,
    %get3A_21 = arith.constant 0 : i32
    %get3A_22 = arith.index_cast %get3A_21 : i32 to index
    %get3A_23 = arith.constant 32 : index
    %get3A_24 = tpu.vector_load %arg9[%get3A_22, %get3A_23] {strides = array<i32>} : memref<250x80xi32, #tpu.memory_space<vmem>>, vector<16xi32>,
    %add3A_25 = arith.addi %get3A_24, %broadcast_in_dim3A : vector<16xi32>
    %swap3A_26 = arith.constant 32 : index
    %swap3A_27 = tpu.vector_load %arg10[%swap3A_26] {strides = array<i32>} : memref<80xi32, #tpu.memory_space<vmem>>, vector<16xi32>,
    tpu.vector_store %arg10[%swap3A_26], %add3A_25 {strides = array<i32>} : memref<80xi32, #tpu.memory_space<vmem>>, vector<16xi32>,
    %get3A_28 = arith.constant 0 : i32
    %get3A_29 = arith.index_cast %get3A_28 : i32 to index
    %get3A_30 = arith.constant 48 : index
    %get3A_31 = tpu.vector_load %arg9[%get3A_29, %get3A_30] {strides = array<i32>} : memref<250x80xi32, #tpu.memory_space<vmem>>, vector<16xi32>,
    %add3A_32 = arith.addi %get3A_31, %broadcast_in_dim3A : vector<16xi32>
    %swap3A_33 = arith.constant 48 : index
    %swap3A_34 = tpu.vector_load %arg10[%swap3A_33] {strides = array<i32>} : memref<80xi32, #tpu.memory_space<vmem>>, vector<16xi32>,
    tpu.vector_store %arg10[%swap3A_33], %add3A_32 {strides = array<i32>} : memref<80xi32, #tpu.memory_space<vmem>>, vector<16xi32>,
    %get3A_35 = arith.constant 0 : i32
    %get3A_36 = arith.index_cast %get3A_35 : i32 to index
    %get3A_37 = arith.constant 64 : index
    %get3A_38 = tpu.vector_load %arg9[%get3A_36, %get3A_37] {strides = array<i32>} : memref<250x80xi32, #tpu.memory_space<vmem>>, vector<16xi32>,
    %add3A_39 = arith.addi %get3A_38, %broadcast_in_dim3A : vector<16xi32>
    %swap3A_40 = arith.constant 64 : index
    %swap3A_41 = tpu.vector_load %arg10[%swap3A_40] {strides = array<i32>} : memref<80xi32, #tpu.memory_space<vmem>>, vector<16xi32>,
    tpu.vector_store %arg10[%swap3A_40], %add3A_39 {strides = array<i32>} : memref<80xi32, #tpu.memory_space<vmem>>, vector<16xi32>,
    %dma_start3A = arith.constant 0 : i32
    %dma_start3A_42 = arith.constant 0 : i32
    %dma_start3A_43 = tpu.memref_slice %arg8[%dma_start3A, %dma_start3A_42] : memref<250x80xi32, #tpu.memory_space<vmem>> -> memref<1x80xi32, #tpu.memory_space<vmem>>
    %dma_start3A_44 = tpu.memref_squeeze %dma_start3A_43 : memref<1x80xi32, #tpu.memory_space<vmem>> -> memref<80xi32, #tpu.memory_space<vmem>>
    %dma_start3A_45 = arith.constant 0 : i32
    %dma_start3A_46 = arith.constant 0 : i32
    %dma_start3A_47 = tpu.memref_slice %arg3[%dma_start3A_45, %dma_start3A_46] : memref<20000x128xbf16, #tpu.memory_space<hbm>> -> memref<20000x128xbf16, #tpu.memory_space<hbm>>
    tpu.enqueue_indirect_dma source(%dma_start3A_47 : memref<20000x128xbf16, #tpu.memory_space<hbm>>) target(%arg12 : memref<80x128xbf16, #tpu.memory_space<vmem>>) offsets(%dma_start3A_44 : memref<80xi32, #tpu.memory_space<vmem>>) semaphore(%arg18 : memref<!tpu.dma_semaphore, #tpu.memory_space<semaphore_mem>>)
    %dma_start3A_48 = arith.constant 0 : i32
    %dma_start3A_49 = arith.constant 0 : i32
    %dma_start3A_50 = tpu.memref_slice %arg2[%dma_start3A_48, %dma_start3A_49] : memref<20000x64xbf16, #tpu.memory_space<hbm>> -> memref<20000x64xbf16, #tpu.memory_space<hbm>>
    tpu.enqueue_indirect_dma source(%dma_start3A_50 : memref<20000x64xbf16, #tpu.memory_space<hbm>>) target(%arg14 : memref<80x64xbf16, #tpu.memory_space<vmem>>) offsets(%arg10 : memref<80xi32, #tpu.memory_space<vmem>>) semaphore(%arg20 : memref<!tpu.dma_semaphore, #tpu.memory_space<semaphore_mem>>)
    %scan3A_51 = arith.constant 0 : i32
    %scan3A_52 = arith.constant 0 : i32
    %scan3A_53 = arith.constant 125 : i32
    %scan3A_54 = arith.addi %scan3A_52, %scan3A_53 : i32
    %scan3A_55 = arith.constant 1 : i32
    scf.for %scan3A_67 = %scan3A_52 to %scan3A_54 step %scan3A_55  : i32 {
      %mul3A_68 = arith.constant 2 : i32
      %mul3A_69 = arith.muli %mul3A_68, %scan3A_67 : i32
      %add3A_70 = arith.constant 0 : i32
      %add3A_71 = arith.addi %mul3A_69, %add3A_70 : i32
      %add3A_72 = arith.constant 1 : i32
      %add3A_73 = arith.addi %add3A_71, %add3A_72 : i32
      %min3A = arith.constant 249 : i32
      %min3A_74 = arith.minsi %add3A_73, %min3A : i32
      %get3A_75 = arith.index_cast %min3A_74 : i32 to index
      %get3A_76 = arith.constant 0 : index
      %get3A_77 = tpu.vector_load %arg9[%get3A_75, %get3A_76] {strides = array<i32>} : memref<250x80xi32, #tpu.memory_space<vmem>>, vector<16xi32>,
      %add3A_78 = arith.addi %get3A_77, %broadcast_in_dim3A : vector<16xi32>
      %swap3A_79 = arith.constant 0 : index
      %swap3A_80 = tpu.vector_load %arg11[%swap3A_79] {strides = array<i32>} : memref<80xi32, #tpu.memory_space<vmem>>, vector<16xi32>,
      tpu.vector_store %arg11[%swap3A_79], %add3A_78 {strides = array<i32>} : memref<80xi32, #tpu.memory_space<vmem>>, vector<16xi32>,
      %get3A_81 = arith.index_cast %min3A_74 : i32 to index
      %get3A_82 = arith.constant 16 : index
      %get3A_83 = tpu.vector_load %arg9[%get3A_81, %get3A_82] {strides = array<i32>} : memref<250x80xi32, #tpu.memory_space<vmem>>, vector<16xi32>,
      %add3A_84 = arith.addi %get3A_83, %broadcast_in_dim3A : vector<16xi32>
      %swap3A_85 = arith.constant 16 : index
      %swap3A_86 = tpu.vector_load %arg11[%swap3A_85] {strides = array<i32>} : memref<80xi32, #tpu.memory_space<vmem>>, vector<16xi32>,
      tpu.vector_store %arg11[%swap3A_85], %add3A_84 {strides = array<i32>} : memref<80xi32, #tpu.memory_space<vmem>>, vector<16xi32>,
      %get3A_87 = arith.index_cast %min3A_74 : i32 to index
      %get3A_88 = arith.constant 32 : index
      %get3A_89 = tpu.vector_load %arg9[%get3A_87, %get3A_88] {strides = array<i32>} : memref<250x80xi32, #tpu.memory_space<vmem>>, vector<16xi32>,
      %add3A_90 = arith.addi %get3A_89, %broadcast_in_dim3A : vector<16xi32>
      %swap3A_91 = arith.constant 32 : index
      %swap3A_92 = tpu.vector_load %arg11[%swap3A_91] {strides = array<i32>} : memref<80xi32, #tpu.memory_space<vmem>>, vector<16xi32>,
      tpu.vector_store %arg11[%swap3A_91], %add3A_90 {strides = array<i32>} : memref<80xi32, #tpu.memory_space<vmem>>, vector<16xi32>,
      %get3A_93 = arith.index_cast %min3A_74 : i32 to index
      %get3A_94 = arith.constant 48 : index
      %get3A_95 = tpu.vector_load %arg9[%get3A_93, %get3A_94] {strides = array<i32>} : memref<250x80xi32, #tpu.memory_space<vmem>>, vector<16xi32>,
      %add3A_96 = arith.addi %get3A_95, %broadcast_in_dim3A : vector<16xi32>
      %swap3A_97 = arith.constant 48 : index
      %swap3A_98 = tpu.vector_load %arg11[%swap3A_97] {strides = array<i32>} : memref<80xi32, #tpu.memory_space<vmem>>, vector<16xi32>,
      tpu.vector_store %arg11[%swap3A_97], %add3A_96 {strides = array<i32>} : memref<80xi32, #tpu.memory_space<vmem>>, vector<16xi32>,
      %get3A_99 = arith.index_cast %min3A_74 : i32 to index
      %get3A_100 = arith.constant 64 : index
      %get3A_101 = tpu.vector_load %arg9[%get3A_99, %get3A_100] {strides = array<i32>} : memref<250x80xi32, #tpu.memory_space<vmem>>, vector<16xi32>,
      %add3A_102 = arith.addi %get3A_101, %broadcast_in_dim3A : vector<16xi32>
      %swap3A_103 = arith.constant 64 : index
      %swap3A_104 = tpu.vector_load %arg11[%swap3A_103] {strides = array<i32>} : memref<80xi32, #tpu.memory_space<vmem>>, vector<16xi32>,
      tpu.vector_store %arg11[%swap3A_103], %add3A_102 {strides = array<i32>} : memref<80xi32, #tpu.memory_space<vmem>>, vector<16xi32>,
      %dma_start3A_105 = arith.constant 0 : i32
      %dma_start3A_106 = tpu.memref_slice %arg8[%min3A_74, %dma_start3A_105] : memref<250x80xi32, #tpu.memory_space<vmem>> -> memref<1x80xi32, #tpu.memory_space<vmem>>
      %dma_start3A_107 = tpu.memref_squeeze %dma_start3A_106 : memref<1x80xi32, #tpu.memory_space<vmem>> -> memref<80xi32, #tpu.memory_space<vmem>>
      %dma_start3A_108 = arith.constant 0 : i32
      %dma_start3A_109 = arith.constant 0 : i32
      %dma_start3A_110 = tpu.memref_slice %arg3[%dma_start3A_108, %dma_start3A_109] : memref<20000x128xbf16, #tpu.memory_space<hbm>> -> memref<20000x128xbf16, #tpu.memory_space<hbm>>
      tpu.enqueue_indirect_dma source(%dma_start3A_110 : memref<20000x128xbf16, #tpu.memory_space<hbm>>) target(%arg13 : memref<80x128xbf16, #tpu.memory_space<vmem>>) offsets(%dma_start3A_107 : memref<80xi32, #tpu.memory_space<vmem>>) semaphore(%arg19 : memref<!tpu.dma_semaphore, #tpu.memory_space<semaphore_mem>>)
      %dma_start3A_111 = arith.constant 0 : i32
      %dma_start3A_112 = arith.constant 0 : i32
      %dma_start3A_113 = tpu.memref_slice %arg2[%dma_start3A_111, %dma_start3A_112] : memref<20000x64xbf16, #tpu.memory_space<hbm>> -> memref<20000x64xbf16, #tpu.memory_space<hbm>>
      tpu.enqueue_indirect_dma source(%dma_start3A_113 : memref<20000x64xbf16, #tpu.memory_space<hbm>>) target(%arg15 : memref<80x64xbf16, #tpu.memory_space<vmem>>) offsets(%arg11 : memref<80xi32, #tpu.memory_space<vmem>>) semaphore(%arg21 : memref<!tpu.dma_semaphore, #tpu.memory_space<semaphore_mem>>)
      %dma_wait3A_114 = arith.constant 0 : i32
      %dma_wait3A_115 = arith.constant 0 : i32
      %dma_wait3A_116 = tpu.memref_slice %arg8[%dma_wait3A_114, %dma_wait3A_115] : memref<250x80xi32, #tpu.memory_space<vmem>> -> memref<1x80xi32, #tpu.memory_space<vmem>>
      %dma_wait3A_117 = tpu.memref_squeeze %dma_wait3A_116 : memref<1x80xi32, #tpu.memory_space<vmem>> -> memref<80xi32, #tpu.memory_space<vmem>>
      %dma_wait3A_118 = arith.constant 0 : i32
      %dma_wait3A_119 = arith.constant 0 : i32
      %dma_wait3A_120 = tpu.memref_slice %arg3[%dma_wait3A_118, %dma_wait3A_119] : memref<20000x128xbf16, #tpu.memory_space<hbm>> -> memref<20000x128xbf16, #tpu.memory_space<hbm>>
      tpu.wait_indirect_dma semaphore(%arg18 : memref<!tpu.dma_semaphore, #tpu.memory_space<semaphore_mem>>) src(%dma_wait3A_120 : memref<20000x128xbf16, #tpu.memory_space<hbm>>) dst(%arg12 : memref<80x128xbf16, #tpu.memory_space<vmem>>)
      %dma_wait3A_121 = arith.constant 0 : i32
      %dma_wait3A_122 = arith.constant 0 : i32
      %dma_wait3A_123 = tpu.memref_slice %arg2[%dma_wait3A_121, %dma_wait3A_122] : memref<20000x64xbf16, #tpu.memory_space<hbm>> -> memref<20000x64xbf16, #tpu.memory_space<hbm>>
      tpu.wait_indirect_dma semaphore(%arg20 : memref<!tpu.dma_semaphore, #tpu.memory_space<semaphore_mem>>) src(%dma_wait3A_123 : memref<20000x64xbf16, #tpu.memory_space<hbm>>) dst(%arg14 : memref<80x64xbf16, #tpu.memory_space<vmem>>)
      %parallel_loop3A = arith.constant 0 : i32
      %parallel_loop3A_124 = arith.constant 80 : i32
      %parallel_loop3A_125 = arith.constant 1 : i32
      scf.for %parallel_loop3A_210 = %parallel_loop3A to %parallel_loop3A_124 step %parallel_loop3A_125  : i32 {
        %parallel_loop3A_211 = arith.constant 0.000000e+00 : f32
        %parallel_loop3A_212 = vector.broadcast %parallel_loop3A_211 : f32 to vector<16xf32>
        %parallel_loop3A_213 = arith.index_cast %parallel_loop3A_210 : i32 to index
        %parallel_loop3A_214 = arith.constant 0 : index
        %parallel_loop3A_215 = tpu.vector_load %arg12[%parallel_loop3A_213, %parallel_loop3A_214] {strides = array<i32>} : memref<80x128xbf16, #tpu.memory_space<vmem>>, vector<32xbf16>,
        %parallel_loop3A_216 = arith.index_cast %parallel_loop3A_210 : i32 to index
        %parallel_loop3A_217 = arith.constant 0 : index
        %parallel_loop3A_218 = tpu.vector_load %arg14[%parallel_loop3A_216, %parallel_loop3A_217] {strides = array<i32>} : memref<80x64xbf16, #tpu.memory_space<vmem>>, vector<32xbf16>,
        %parallel_loop3A_219 = arith.index_cast %parallel_loop3A_210 : i32 to index
        %parallel_loop3A_220 = arith.constant 64 : index
        %parallel_loop3A_221 = tpu.vector_load %arg12[%parallel_loop3A_219, %parallel_loop3A_220] {strides = array<i32>} : memref<80x128xbf16, #tpu.memory_space<vmem>>, vector<32xbf16>,
        %parallel_loop3A_222 = tpu.unpack_subelements %parallel_loop3A_215, 0 {pack_format = #tpu.pack_format<interleaved>} : vector<32xbf16> -> vector<16xf32>
        %parallel_loop3A_223 = tpu.unpack_subelements %parallel_loop3A_215, 1 {pack_format = #tpu.pack_format<interleaved>} : vector<32xbf16> -> vector<16xf32>
        %parallel_loop3A_224 = tpu.unpack_subelements %parallel_loop3A_218, 0 {pack_format = #tpu.pack_format<interleaved>} : vector<32xbf16> -> vector<16xf32>
        %parallel_loop3A_225 = tpu.unpack_subelements %parallel_loop3A_218, 1 {pack_format = #tpu.pack_format<interleaved>} : vector<32xbf16> -> vector<16xf32>
        %parallel_loop3A_226 = tpu.unpack_subelements %parallel_loop3A_221, 0 {pack_format = #tpu.pack_format<interleaved>} : vector<32xbf16> -> vector<16xf32>
        %parallel_loop3A_227 = tpu.unpack_subelements %parallel_loop3A_221, 1 {pack_format = #tpu.pack_format<interleaved>} : vector<32xbf16> -> vector<16xf32>
        %parallel_loop3A_228 = arith.mulf %parallel_loop3A_222, %parallel_loop3A_224 : vector<16xf32>
        %parallel_loop3A_229 = arith.constant true
        %parallel_loop3A_230 = vector.broadcast %parallel_loop3A_229 : i1 to vector<16xi1>
        %parallel_loop3A_231 = tpu.scan <sum>, %parallel_loop3A_228 masked %parallel_loop3A_230 : vector<16xf32>, vector<16xi1> -> vector<16xf32>
        %parallel_loop3A_232 = vector.extract %parallel_loop3A_231[15] : f32 from vector<16xf32>
        %parallel_loop3A_233 = arith.constant 2.500000e-01 : f32
        %parallel_loop3A_234 = arith.mulf %parallel_loop3A_232, %parallel_loop3A_233 : f32
        %parallel_loop3A_235 = vector.broadcast %parallel_loop3A_234 : f32 to vector<16xf32>
        %parallel_loop3A_236 = math.exp %parallel_loop3A_235 : vector<16xf32>
        %parallel_loop3A_237 = arith.mulf %parallel_loop3A_236, %parallel_loop3A_226 : vector<16xf32>
        %parallel_loop3A_238 = arith.index_cast %parallel_loop3A_210 : i32 to index
        %parallel_loop3A_239 = arith.constant 0 : index
        %parallel_loop3A_240 = tpu.vector_load %arg16[%parallel_loop3A_238, %parallel_loop3A_239] {strides = array<i32>} : memref<80x80xf32, #tpu.memory_space<vmem>>, vector<16xf32>,
        tpu.vector_store %arg16[%parallel_loop3A_238, %parallel_loop3A_239], %parallel_loop3A_237 {strides = array<i32>} : memref<80x80xf32, #tpu.memory_space<vmem>>, vector<16xf32>,
        %parallel_loop3A_241 = arith.constant 0 : i32
        %parallel_loop3A_242 = vector.broadcast %parallel_loop3A_241 : i32 to vector<16xi32>
        %parallel_loop3A_243 = arith.cmpi eq, %iota3A, %parallel_loop3A_242 : vector<16xi32>
        %parallel_loop3A_244 = arith.select %parallel_loop3A_243, %parallel_loop3A_236, %parallel_loop3A_212 : vector<16xi1>, vector<16xf32>
        %parallel_loop3A_245 = arith.mulf %parallel_loop3A_223, %parallel_loop3A_225 : vector<16xf32>
        %parallel_loop3A_246 = arith.constant true
        %parallel_loop3A_247 = vector.broadcast %parallel_loop3A_246 : i1 to vector<16xi1>
        %parallel_loop3A_248 = tpu.scan <sum>, %parallel_loop3A_245 masked %parallel_loop3A_247 : vector<16xf32>, vector<16xi1> -> vector<16xf32>
        %parallel_loop3A_249 = vector.extract %parallel_loop3A_248[15] : f32 from vector<16xf32>
        %parallel_loop3A_250 = arith.constant 2.500000e-01 : f32
        %parallel_loop3A_251 = arith.mulf %parallel_loop3A_249, %parallel_loop3A_250 : f32
        %parallel_loop3A_252 = vector.broadcast %parallel_loop3A_251 : f32 to vector<16xf32>
        %parallel_loop3A_253 = math.exp %parallel_loop3A_252 : vector<16xf32>
        %parallel_loop3A_254 = arith.mulf %parallel_loop3A_253, %parallel_loop3A_227 : vector<16xf32>
        %parallel_loop3A_255 = arith.index_cast %parallel_loop3A_210 : i32 to index
        %parallel_loop3A_256 = arith.constant 16 : index
        %parallel_loop3A_257 = tpu.vector_load %arg16[%parallel_loop3A_255, %parallel_loop3A_256] {strides = array<i32>} : memref<80x80xf32, #tpu.memory_space<vmem>>, vector<16xf32>,
        tpu.vector_store %arg16[%parallel_loop3A_255, %parallel_loop3A_256], %parallel_loop3A_254 {strides = array<i32>} : memref<80x80xf32, #tpu.memory_space<vmem>>, vector<16xf32>,
        %parallel_loop3A_258 = arith.constant 1 : i32
        %parallel_loop3A_259 = vector.broadcast %parallel_loop3A_258 : i32 to vector<16xi32>
        %parallel_loop3A_260 = arith.cmpi eq, %iota3A, %parallel_loop3A_259 : vector<16xi32>
        %parallel_loop3A_261 = arith.select %parallel_loop3A_260, %parallel_loop3A_253, %parallel_loop3A_244 : vector<16xi1>, vector<16xf32>
        %parallel_loop3A_262 = arith.index_cast %parallel_loop3A_210 : i32 to index
        %parallel_loop3A_263 = arith.constant 32 : index
        %parallel_loop3A_264 = tpu.vector_load %arg12[%parallel_loop3A_262, %parallel_loop3A_263] {strides = array<i32>} : memref<80x128xbf16, #tpu.memory_space<vmem>>, vector<32xbf16>,
        %parallel_loop3A_265 = arith.index_cast %parallel_loop3A_210 : i32 to index
        %parallel_loop3A_266 = arith.constant 32 : index
        %parallel_loop3A_267 = tpu.vector_load %arg14[%parallel_loop3A_265, %parallel_loop3A_266] {strides = array<i32>} : memref<80x64xbf16, #tpu.memory_space<vmem>>, vector<32xbf16>,
        %parallel_loop3A_268 = arith.index_cast %parallel_loop3A_210 : i32 to index
        %parallel_loop3A_269 = arith.constant 96 : index
        %parallel_loop3A_270 = tpu.vector_load %arg12[%parallel_loop3A_268, %parallel_loop3A_269] {strides = array<i32>} : memref<80x128xbf16, #tpu.memory_space<vmem>>, vector<32xbf16>,
        %parallel_loop3A_271 = tpu.unpack_subelements %parallel_loop3A_264, 0 {pack_format = #tpu.pack_format<interleaved>} : vector<32xbf16> -> vector<16xf32>
        %parallel_loop3A_272 = tpu.unpack_subelements %parallel_loop3A_264, 1 {pack_format = #tpu.pack_format<interleaved>} : vector<32xbf16> -> vector<16xf32>
        %parallel_loop3A_273 = tpu.unpack_subelements %parallel_loop3A_267, 0 {pack_format = #tpu.pack_format<interleaved>} : vector<32xbf16> -> vector<16xf32>
        %parallel_loop3A_274 = tpu.unpack_subelements %parallel_loop3A_267, 1 {pack_format = #tpu.pack_format<interleaved>} : vector<32xbf16> -> vector<16xf32>
        %parallel_loop3A_275 = tpu.unpack_subelements %parallel_loop3A_270, 0 {pack_format = #tpu.pack_format<interleaved>} : vector<32xbf16> -> vector<16xf32>
        %parallel_loop3A_276 = tpu.unpack_subelements %parallel_loop3A_270, 1 {pack_format = #tpu.pack_format<interleaved>} : vector<32xbf16> -> vector<16xf32>
        %parallel_loop3A_277 = arith.mulf %parallel_loop3A_271, %parallel_loop3A_273 : vector<16xf32>
        %parallel_loop3A_278 = arith.constant true
        %parallel_loop3A_279 = vector.broadcast %parallel_loop3A_278 : i1 to vector<16xi1>
        %parallel_loop3A_280 = tpu.scan <sum>, %parallel_loop3A_277 masked %parallel_loop3A_279 : vector<16xf32>, vector<16xi1> -> vector<16xf32>
        %parallel_loop3A_281 = vector.extract %parallel_loop3A_280[15] : f32 from vector<16xf32>
        %parallel_loop3A_282 = arith.constant 2.500000e-01 : f32
        %parallel_loop3A_283 = arith.mulf %parallel_loop3A_281, %parallel_loop3A_282 : f32
        %parallel_loop3A_284 = vector.broadcast %parallel_loop3A_283 : f32 to vector<16xf32>
        %parallel_loop3A_285 = math.exp %parallel_loop3A_284 : vector<16xf32>
        %parallel_loop3A_286 = arith.mulf %parallel_loop3A_285, %parallel_loop3A_275 : vector<16xf32>
        %parallel_loop3A_287 = arith.index_cast %parallel_loop3A_210 : i32 to index
        %parallel_loop3A_288 = arith.constant 32 : index
        %parallel_loop3A_289 = tpu.vector_load %arg16[%parallel_loop3A_287, %parallel_loop3A_288] {strides = array<i32>} : memref<80x80xf32, #tpu.memory_space<vmem>>, vector<16xf32>,
        tpu.vector_store %arg16[%parallel_loop3A_287, %parallel_loop3A_288], %parallel_loop3A_286 {strides = array<i32>} : memref<80x80xf32, #tpu.memory_space<vmem>>, vector<16xf32>,
        %parallel_loop3A_290 = arith.constant 2 : i32
        %parallel_loop3A_291 = vector.broadcast %parallel_loop3A_290 : i32 to vector<16xi32>
        %parallel_loop3A_292 = arith.cmpi eq, %iota3A, %parallel_loop3A_291 : vector<16xi32>
        %parallel_loop3A_293 = arith.select %parallel_loop3A_292, %parallel_loop3A_285, %parallel_loop3A_261 : vector<16xi1>, vector<16xf32>
        %parallel_loop3A_294 = arith.mulf %parallel_loop3A_272, %parallel_loop3A_274 : vector<16xf32>
        %parallel_loop3A_295 = arith.constant true
        %parallel_loop3A_296 = vector.broadcast %parallel_loop3A_295 : i1 to vector<16xi1>
        %parallel_loop3A_297 = tpu.scan <sum>, %parallel_loop3A_294 masked %parallel_loop3A_296 : vector<16xf32>, vector<16xi1> -> vector<16xf32>
        %parallel_loop3A_298 = vector.extract %parallel_loop3A_297[15] : f32 from vector<16xf32>
        %parallel_loop3A_299 = arith.constant 2.500000e-01 : f32
        %parallel_loop3A_300 = arith.mulf %parallel_loop3A_298, %parallel_loop3A_299 : f32
        %parallel_loop3A_301 = vector.broadcast %parallel_loop3A_300 : f32 to vector<16xf32>
        %parallel_loop3A_302 = math.exp %parallel_loop3A_301 : vector<16xf32>
        %parallel_loop3A_303 = arith.mulf %parallel_loop3A_302, %parallel_loop3A_276 : vector<16xf32>
        %parallel_loop3A_304 = arith.index_cast %parallel_loop3A_210 : i32 to index
        %parallel_loop3A_305 = arith.constant 48 : index
        %parallel_loop3A_306 = tpu.vector_load %arg16[%parallel_loop3A_304, %parallel_loop3A_305] {strides = array<i32>} : memref<80x80xf32, #tpu.memory_space<vmem>>, vector<16xf32>,
        tpu.vector_store %arg16[%parallel_loop3A_304, %parallel_loop3A_305], %parallel_loop3A_303 {strides = array<i32>} : memref<80x80xf32, #tpu.memory_space<vmem>>, vector<16xf32>,
        %parallel_loop3A_307 = arith.constant 3 : i32
        %parallel_loop3A_308 = vector.broadcast %parallel_loop3A_307 : i32 to vector<16xi32>
        %parallel_loop3A_309 = arith.cmpi eq, %iota3A, %parallel_loop3A_308 : vector<16xi32>
        %parallel_loop3A_310 = arith.select %parallel_loop3A_309, %parallel_loop3A_302, %parallel_loop3A_293 : vector<16xi1>, vector<16xf32>
        %parallel_loop3A_311 = arith.index_cast %parallel_loop3A_210 : i32 to index
        %parallel_loop3A_312 = arith.constant 64 : index
        %parallel_loop3A_313 = tpu.vector_load %arg16[%parallel_loop3A_311, %parallel_loop3A_312] {strides = array<i32>} : memref<80x80xf32, #tpu.memory_space<vmem>>, vector<16xf32>,
        tpu.vector_store %arg16[%parallel_loop3A_311, %parallel_loop3A_312], %parallel_loop3A_310 {strides = array<i32>} : memref<80x80xf32, #tpu.memory_space<vmem>>, vector<16xf32>,
      } {sc.loop_unroll_factor = 4 : i64, sc.parallel_access}
      %dma_start3A_126 = arith.constant 0 : i32
      %dma_start3A_127 = tpu.memref_slice %arg9[%add3A_71, %dma_start3A_126] : memref<250x80xi32, #tpu.memory_space<vmem>> -> memref<1x80xi32, #tpu.memory_space<vmem>>
      %dma_start3A_128 = tpu.memref_squeeze %dma_start3A_127 : memref<1x80xi32, #tpu.memory_space<vmem>> -> memref<80xi32, #tpu.memory_space<vmem>>
      %dma_start3A_129 = arith.constant 0 : i32
      %dma_start3A_130 = arith.constant 0 : i32
      %dma_start3A_131 = tpu.memref_slice %arg17[%dma_start3A_129, %dma_start3A_130] : memref<10240x80xf32, #tpu.memory_space<vmem_shared>> -> memref<10240x80xf32, #tpu.memory_space<vmem_shared>>
      tpu.enqueue_indirect_dma source(%arg16 : memref<80x80xf32, #tpu.memory_space<vmem>>) target(%dma_start3A_131 : memref<10240x80xf32, #tpu.memory_space<vmem_shared>>) offsets(%dma_start3A_128 : memref<80xi32, #tpu.memory_space<vmem>>) semaphore(%arg22 : memref<!tpu.dma_semaphore, #tpu.memory_space<semaphore_mem>>) {add = true}
      %dma_wait3A_132 = arith.constant 0 : i32
      %dma_wait3A_133 = tpu.memref_slice %arg9[%add3A_71, %dma_wait3A_132] : memref<250x80xi32, #tpu.memory_space<vmem>> -> memref<1x80xi32, #tpu.memory_space<vmem>>
      %dma_wait3A_134 = tpu.memref_squeeze %dma_wait3A_133 : memref<1x80xi32, #tpu.memory_space<vmem>> -> memref<80xi32, #tpu.memory_space<vmem>>
      %dma_wait3A_135 = arith.constant 0 : i32
      %dma_wait3A_136 = arith.constant 0 : i32
      %dma_wait3A_137 = tpu.memref_slice %arg17[%dma_wait3A_135, %dma_wait3A_136] : memref<10240x80xf32, #tpu.memory_space<vmem_shared>> -> memref<10240x80xf32, #tpu.memory_space<vmem_shared>>
      tpu.wait_indirect_dma semaphore(%arg22 : memref<!tpu.dma_semaphore, #tpu.memory_space<semaphore_mem>>) src(%arg16 : memref<80x80xf32, #tpu.memory_space<vmem>>) dst(%dma_wait3A_137 : memref<10240x80xf32, #tpu.memory_space<vmem_shared>>)
      %mul3A_138 = arith.constant 2 : i32
      %mul3A_139 = arith.muli %mul3A_138, %scan3A_67 : i32
      %add3A_140 = arith.constant 1 : i32
      %add3A_141 = arith.addi %mul3A_139, %add3A_140 : i32
      %add3A_142 = arith.constant 1 : i32
      %add3A_143 = arith.addi %add3A_141, %add3A_142 : i32
      %min3A_144 = arith.constant 249 : i32
      %min3A_145 = arith.minsi %add3A_143, %min3A_144 : i32
      %get3A_146 = arith.index_cast %min3A_145 : i32 to index
      %get3A_147 = arith.constant 0 : index
      %get3A_148 = tpu.vector_load %arg9[%get3A_146, %get3A_147] {strides = array<i32>} : memref<250x80xi32, #tpu.memory_space<vmem>>, vector<16xi32>,
      %add3A_149 = arith.addi %get3A_148, %broadcast_in_dim3A : vector<16xi32>
      %swap3A_150 = arith.constant 0 : index
      %swap3A_151 = tpu.vector_load %arg10[%swap3A_150] {strides = array<i32>} : memref<80xi32, #tpu.memory_space<vmem>>, vector<16xi32>,
      tpu.vector_store %arg10[%swap3A_150], %add3A_149 {strides = array<i32>} : memref<80xi32, #tpu.memory_space<vmem>>, vector<16xi32>,
      %get3A_152 = arith.index_cast %min3A_145 : i32 to index
      %get3A_153 = arith.constant 16 : index
      %get3A_154 = tpu.vector_load %arg9[%get3A_152, %get3A_153] {strides = array<i32>} : memref<250x80xi32, #tpu.memory_space<vmem>>, vector<16xi32>,
      %add3A_155 = arith.addi %get3A_154, %broadcast_in_dim3A : vector<16xi32>
      %swap3A_156 = arith.constant 16 : index
      %swap3A_157 = tpu.vector_load %arg10[%swap3A_156] {strides = array<i32>} : memref<80xi32, #tpu.memory_space<vmem>>, vector<16xi32>,
      tpu.vector_store %arg10[%swap3A_156], %add3A_155 {strides = array<i32>} : memref<80xi32, #tpu.memory_space<vmem>>, vector<16xi32>,
      %get3A_158 = arith.index_cast %min3A_145 : i32 to index
      %get3A_159 = arith.constant 32 : index
      %get3A_160 = tpu.vector_load %arg9[%get3A_158, %get3A_159] {strides = array<i32>} : memref<250x80xi32, #tpu.memory_space<vmem>>, vector<16xi32>,
      %add3A_161 = arith.addi %get3A_160, %broadcast_in_dim3A : vector<16xi32>
      %swap3A_162 = arith.constant 32 : index
      %swap3A_163 = tpu.vector_load %arg10[%swap3A_162] {strides = array<i32>} : memref<80xi32, #tpu.memory_space<vmem>>, vector<16xi32>,
      tpu.vector_store %arg10[%swap3A_162], %add3A_161 {strides = array<i32>} : memref<80xi32, #tpu.memory_space<vmem>>, vector<16xi32>,
      %get3A_164 = arith.index_cast %min3A_145 : i32 to index
      %get3A_165 = arith.constant 48 : index
      %get3A_166 = tpu.vector_load %arg9[%get3A_164, %get3A_165] {strides = array<i32>} : memref<250x80xi32, #tpu.memory_space<vmem>>, vector<16xi32>,
      %add3A_167 = arith.addi %get3A_166, %broadcast_in_dim3A : vector<16xi32>
      %swap3A_168 = arith.constant 48 : index
      %swap3A_169 = tpu.vector_load %arg10[%swap3A_168] {strides = array<i32>} : memref<80xi32, #tpu.memory_space<vmem>>, vector<16xi32>,
      tpu.vector_store %arg10[%swap3A_168], %add3A_167 {strides = array<i32>} : memref<80xi32, #tpu.memory_space<vmem>>, vector<16xi32>,
      %get3A_170 = arith.index_cast %min3A_145 : i32 to index
      %get3A_171 = arith.constant 64 : index
      %get3A_172 = tpu.vector_load %arg9[%get3A_170, %get3A_171] {strides = array<i32>} : memref<250x80xi32, #tpu.memory_space<vmem>>, vector<16xi32>,
      %add3A_173 = arith.addi %get3A_172, %broadcast_in_dim3A : vector<16xi32>
      %swap3A_174 = arith.constant 64 : index
      %swap3A_175 = tpu.vector_load %arg10[%swap3A_174] {strides = array<i32>} : memref<80xi32, #tpu.memory_space<vmem>>, vector<16xi32>,
      tpu.vector_store %arg10[%swap3A_174], %add3A_173 {strides = array<i32>} : memref<80xi32, #tpu.memory_space<vmem>>, vector<16xi32>,
      %dma_start3A_176 = arith.constant 0 : i32
      %dma_start3A_177 = tpu.memref_slice %arg8[%min3A_145, %dma_start3A_176] : memref<250x80xi32, #tpu.memory_space<vmem>> -> memref<1x80xi32, #tpu.memory_space<vmem>>
      %dma_start3A_178 = tpu.memref_squeeze %dma_start3A_177 : memref<1x80xi32, #tpu.memory_space<vmem>> -> memref<80xi32, #tpu.memory_space<vmem>>
      %dma_start3A_179 = arith.constant 0 : i32
      %dma_start3A_180 = arith.constant 0 : i32
      %dma_start3A_181 = tpu.memref_slice %arg3[%dma_start3A_179, %dma_start3A_180] : memref<20000x128xbf16, #tpu.memory_space<hbm>> -> memref<20000x128xbf16, #tpu.memory_space<hbm>>
      tpu.enqueue_indirect_dma source(%dma_start3A_181 : memref<20000x128xbf16, #tpu.memory_space<hbm>>) target(%arg12 : memref<80x128xbf16, #tpu.memory_space<vmem>>) offsets(%dma_start3A_178 : memref<80xi32, #tpu.memory_space<vmem>>) semaphore(%arg18 : memref<!tpu.dma_semaphore, #tpu.memory_space<semaphore_mem>>)
      %dma_start3A_182 = arith.constant 0 : i32
      %dma_start3A_183 = arith.constant 0 : i32
      %dma_start3A_184 = tpu.memref_slice %arg2[%dma_start3A_182, %dma_start3A_183] : memref<20000x64xbf16, #tpu.memory_space<hbm>> -> memref<20000x64xbf16, #tpu.memory_space<hbm>>
      tpu.enqueue_indirect_dma source(%dma_start3A_184 : memref<20000x64xbf16, #tpu.memory_space<hbm>>) target(%arg14 : memref<80x64xbf16, #tpu.memory_space<vmem>>) offsets(%arg10 : memref<80xi32, #tpu.memory_space<vmem>>) semaphore(%arg20 : memref<!tpu.dma_semaphore, #tpu.memory_space<semaphore_mem>>)
      %dma_wait3A_185 = arith.constant 0 : i32
      %dma_wait3A_186 = arith.constant 0 : i32
      %dma_wait3A_187 = tpu.memref_slice %arg8[%dma_wait3A_185, %dma_wait3A_186] : memref<250x80xi32, #tpu.memory_space<vmem>> -> memref<1x80xi32, #tpu.memory_space<vmem>>
      %dma_wait3A_188 = tpu.memref_squeeze %dma_wait3A_187 : memref<1x80xi32, #tpu.memory_space<vmem>> -> memref<80xi32, #tpu.memory_space<vmem>>
      %dma_wait3A_189 = arith.constant 0 : i32
      %dma_wait3A_190 = arith.constant 0 : i32
      %dma_wait3A_191 = tpu.memref_slice %arg3[%dma_wait3A_189, %dma_wait3A_190] : memref<20000x128xbf16, #tpu.memory_space<hbm>> -> memref<20000x128xbf16, #tpu.memory_space<hbm>>
      tpu.wait_indirect_dma semaphore(%arg19 : memref<!tpu.dma_semaphore, #tpu.memory_space<semaphore_mem>>) src(%dma_wait3A_191 : memref<20000x128xbf16, #tpu.memory_space<hbm>>) dst(%arg13 : memref<80x128xbf16, #tpu.memory_space<vmem>>)
      %dma_wait3A_192 = arith.constant 0 : i32
      %dma_wait3A_193 = arith.constant 0 : i32
      %dma_wait3A_194 = tpu.memref_slice %arg2[%dma_wait3A_192, %dma_wait3A_193] : memref<20000x64xbf16, #tpu.memory_space<hbm>> -> memref<20000x64xbf16, #tpu.memory_space<hbm>>
      tpu.wait_indirect_dma semaphore(%arg21 : memref<!tpu.dma_semaphore, #tpu.memory_space<semaphore_mem>>) src(%dma_wait3A_194 : memref<20000x64xbf16, #tpu.memory_space<hbm>>) dst(%arg15 : memref<80x64xbf16, #tpu.memory_space<vmem>>)
      %parallel_loop3A_195 = arith.constant 0 : i32
      %parallel_loop3A_196 = arith.constant 80 : i32
      %parallel_loop3A_197 = arith.constant 1 : i32
      scf.for %parallel_loop3A_210 = %parallel_loop3A_195 to %parallel_loop3A_196 step %parallel_loop3A_197  : i32 {
        %parallel_loop3A_211 = arith.constant 0.000000e+00 : f32
        %parallel_loop3A_212 = vector.broadcast %parallel_loop3A_211 : f32 to vector<16xf32>
        %parallel_loop3A_213 = arith.index_cast %parallel_loop3A_210 : i32 to index
        %parallel_loop3A_214 = arith.constant 0 : index
        %parallel_loop3A_215 = tpu.vector_load %arg13[%parallel_loop3A_213, %parallel_loop3A_214] {strides = array<i32>} : memref<80x128xbf16, #tpu.memory_space<vmem>>, vector<32xbf16>,
        %parallel_loop3A_216 = arith.index_cast %parallel_loop3A_210 : i32 to index
        %parallel_loop3A_217 = arith.constant 0 : index
        %parallel_loop3A_218 = tpu.vector_load %arg15[%parallel_loop3A_216, %parallel_loop3A_217] {strides = array<i32>} : memref<80x64xbf16, #tpu.memory_space<vmem>>, vector<32xbf16>,
        %parallel_loop3A_219 = arith.index_cast %parallel_loop3A_210 : i32 to index
        %parallel_loop3A_220 = arith.constant 64 : index
        %parallel_loop3A_221 = tpu.vector_load %arg13[%parallel_loop3A_219, %parallel_loop3A_220] {strides = array<i32>} : memref<80x128xbf16, #tpu.memory_space<vmem>>, vector<32xbf16>,
        %parallel_loop3A_222 = tpu.unpack_subelements %parallel_loop3A_215, 0 {pack_format = #tpu.pack_format<interleaved>} : vector<32xbf16> -> vector<16xf32>
        %parallel_loop3A_223 = tpu.unpack_subelements %parallel_loop3A_215, 1 {pack_format = #tpu.pack_format<interleaved>} : vector<32xbf16> -> vector<16xf32>
        %parallel_loop3A_224 = tpu.unpack_subelements %parallel_loop3A_218, 0 {pack_format = #tpu.pack_format<interleaved>} : vector<32xbf16> -> vector<16xf32>
        %parallel_loop3A_225 = tpu.unpack_subelements %parallel_loop3A_218, 1 {pack_format = #tpu.pack_format<interleaved>} : vector<32xbf16> -> vector<16xf32>
        %parallel_loop3A_226 = tpu.unpack_subelements %parallel_loop3A_221, 0 {pack_format = #tpu.pack_format<interleaved>} : vector<32xbf16> -> vector<16xf32>
        %parallel_loop3A_227 = tpu.unpack_subelements %parallel_loop3A_221, 1 {pack_format = #tpu.pack_format<interleaved>} : vector<32xbf16> -> vector<16xf32>
        %parallel_loop3A_228 = arith.mulf %parallel_loop3A_222, %parallel_loop3A_224 : vector<16xf32>
        %parallel_loop3A_229 = arith.constant true
        %parallel_loop3A_230 = vector.broadcast %parallel_loop3A_229 : i1 to vector<16xi1>
        %parallel_loop3A_231 = tpu.scan <sum>, %parallel_loop3A_228 masked %parallel_loop3A_230 : vector<16xf32>, vector<16xi1> -> vector<16xf32>
        %parallel_loop3A_232 = vector.extract %parallel_loop3A_231[15] : f32 from vector<16xf32>
        %parallel_loop3A_233 = arith.constant 2.500000e-01 : f32
        %parallel_loop3A_234 = arith.mulf %parallel_loop3A_232, %parallel_loop3A_233 : f32
        %parallel_loop3A_235 = vector.broadcast %parallel_loop3A_234 : f32 to vector<16xf32>
        %parallel_loop3A_236 = math.exp %parallel_loop3A_235 : vector<16xf32>
        %parallel_loop3A_237 = arith.mulf %parallel_loop3A_236, %parallel_loop3A_226 : vector<16xf32>
        %parallel_loop3A_238 = arith.index_cast %parallel_loop3A_210 : i32 to index
        %parallel_loop3A_239 = arith.constant 0 : index
        %parallel_loop3A_240 = tpu.vector_load %arg16[%parallel_loop3A_238, %parallel_loop3A_239] {strides = array<i32>} : memref<80x80xf32, #tpu.memory_space<vmem>>, vector<16xf32>,
        tpu.vector_store %arg16[%parallel_loop3A_238, %parallel_loop3A_239], %parallel_loop3A_237 {strides = array<i32>} : memref<80x80xf32, #tpu.memory_space<vmem>>, vector<16xf32>,
        %parallel_loop3A_241 = arith.constant 0 : i32
        %parallel_loop3A_242 = vector.broadcast %parallel_loop3A_241 : i32 to vector<16xi32>
        %parallel_loop3A_243 = arith.cmpi eq, %iota3A, %parallel_loop3A_242 : vector<16xi32>
        %parallel_loop3A_244 = arith.select %parallel_loop3A_243, %parallel_loop3A_236, %parallel_loop3A_212 : vector<16xi1>, vector<16xf32>
        %parallel_loop3A_245 = arith.mulf %parallel_loop3A_223, %parallel_loop3A_225 : vector<16xf32>
        %parallel_loop3A_246 = arith.constant true
        %parallel_loop3A_247 = vector.broadcast %parallel_loop3A_246 : i1 to vector<16xi1>
        %parallel_loop3A_248 = tpu.scan <sum>, %parallel_loop3A_245 masked %parallel_loop3A_247 : vector<16xf32>, vector<16xi1> -> vector<16xf32>
        %parallel_loop3A_249 = vector.extract %parallel_loop3A_248[15] : f32 from vector<16xf32>
        %parallel_loop3A_250 = arith.constant 2.500000e-01 : f32
        %parallel_loop3A_251 = arith.mulf %parallel_loop3A_249, %parallel_loop3A_250 : f32
        %parallel_loop3A_252 = vector.broadcast %parallel_loop3A_251 : f32 to vector<16xf32>
        %parallel_loop3A_253 = math.exp %parallel_loop3A_252 : vector<16xf32>
        %parallel_loop3A_254 = arith.mulf %parallel_loop3A_253, %parallel_loop3A_227 : vector<16xf32>
        %parallel_loop3A_255 = arith.index_cast %parallel_loop3A_210 : i32 to index
        %parallel_loop3A_256 = arith.constant 16 : index
        %parallel_loop3A_257 = tpu.vector_load %arg16[%parallel_loop3A_255, %parallel_loop3A_256] {strides = array<i32>} : memref<80x80xf32, #tpu.memory_space<vmem>>, vector<16xf32>,
        tpu.vector_store %arg16[%parallel_loop3A_255, %parallel_loop3A_256], %parallel_loop3A_254 {strides = array<i32>} : memref<80x80xf32, #tpu.memory_space<vmem>>, vector<16xf32>,
        %parallel_loop3A_258 = arith.constant 1 : i32
        %parallel_loop3A_259 = vector.broadcast %parallel_loop3A_258 : i32 to vector<16xi32>
        %parallel_loop3A_260 = arith.cmpi eq, %iota3A, %parallel_loop3A_259 : vector<16xi32>
        %parallel_loop3A_261 = arith.select %parallel_loop3A_260, %parallel_loop3A_253, %parallel_loop3A_244 : vector<16xi1>, vector<16xf32>
        %parallel_loop3A_262 = arith.index_cast %parallel_loop3A_210 : i32 to index
        %parallel_loop3A_263 = arith.constant 32 : index
        %parallel_loop3A_264 = tpu.vector_load %arg13[%parallel_loop3A_262, %parallel_loop3A_263] {strides = array<i32>} : memref<80x128xbf16, #tpu.memory_space<vmem>>, vector<32xbf16>,
        %parallel_loop3A_265 = arith.index_cast %parallel_loop3A_210 : i32 to index
        %parallel_loop3A_266 = arith.constant 32 : index
        %parallel_loop3A_267 = tpu.vector_load %arg15[%parallel_loop3A_265, %parallel_loop3A_266] {strides = array<i32>} : memref<80x64xbf16, #tpu.memory_space<vmem>>, vector<32xbf16>,
        %parallel_loop3A_268 = arith.index_cast %parallel_loop3A_210 : i32 to index
        %parallel_loop3A_269 = arith.constant 96 : index
        %parallel_loop3A_270 = tpu.vector_load %arg13[%parallel_loop3A_268, %parallel_loop3A_269] {strides = array<i32>} : memref<80x128xbf16, #tpu.memory_space<vmem>>, vector<32xbf16>,
        %parallel_loop3A_271 = tpu.unpack_subelements %parallel_loop3A_264, 0 {pack_format = #tpu.pack_format<interleaved>} : vector<32xbf16> -> vector<16xf32>
        %parallel_loop3A_272 = tpu.unpack_subelements %parallel_loop3A_264, 1 {pack_format = #tpu.pack_format<interleaved>} : vector<32xbf16> -> vector<16xf32>
        %parallel_loop3A_273 = tpu.unpack_subelements %parallel_loop3A_267, 0 {pack_format = #tpu.pack_format<interleaved>} : vector<32xbf16> -> vector<16xf32>
        %parallel_loop3A_274 = tpu.unpack_subelements %parallel_loop3A_267, 1 {pack_format = #tpu.pack_format<interleaved>} : vector<32xbf16> -> vector<16xf32>
        %parallel_loop3A_275 = tpu.unpack_subelements %parallel_loop3A_270, 0 {pack_format = #tpu.pack_format<interleaved>} : vector<32xbf16> -> vector<16xf32>
        %parallel_loop3A_276 = tpu.unpack_subelements %parallel_loop3A_270, 1 {pack_format = #tpu.pack_format<interleaved>} : vector<32xbf16> -> vector<16xf32>
        %parallel_loop3A_277 = arith.mulf %parallel_loop3A_271, %parallel_loop3A_273 : vector<16xf32>
        %parallel_loop3A_278 = arith.constant true
        %parallel_loop3A_279 = vector.broadcast %parallel_loop3A_278 : i1 to vector<16xi1>
        %parallel_loop3A_280 = tpu.scan <sum>, %parallel_loop3A_277 masked %parallel_loop3A_279 : vector<16xf32>, vector<16xi1> -> vector<16xf32>
        %parallel_loop3A_281 = vector.extract %parallel_loop3A_280[15] : f32 from vector<16xf32>
        %parallel_loop3A_282 = arith.constant 2.500000e-01 : f32
        %parallel_loop3A_283 = arith.mulf %parallel_loop3A_281, %parallel_loop3A_282 : f32
        %parallel_loop3A_284 = vector.broadcast %parallel_loop3A_283 : f32 to vector<16xf32>
        %parallel_loop3A_285 = math.exp %parallel_loop3A_284 : vector<16xf32>
        %parallel_loop3A_286 = arith.mulf %parallel_loop3A_285, %parallel_loop3A_275 : vector<16xf32>
        %parallel_loop3A_287 = arith.index_cast %parallel_loop3A_210 : i32 to index
        %parallel_loop3A_288 = arith.constant 32 : index
        %parallel_loop3A_289 = tpu.vector_load %arg16[%parallel_loop3A_287, %parallel_loop3A_288] {strides = array<i32>} : memref<80x80xf32, #tpu.memory_space<vmem>>, vector<16xf32>,
        tpu.vector_store %arg16[%parallel_loop3A_287, %parallel_loop3A_288], %parallel_loop3A_286 {strides = array<i32>} : memref<80x80xf32, #tpu.memory_space<vmem>>, vector<16xf32>,
        %parallel_loop3A_290 = arith.constant 2 : i32
        %parallel_loop3A_291 = vector.broadcast %parallel_loop3A_290 : i32 to vector<16xi32>
        %parallel_loop3A_292 = arith.cmpi eq, %iota3A, %parallel_loop3A_291 : vector<16xi32>
        %parallel_loop3A_293 = arith.select %parallel_loop3A_292, %parallel_loop3A_285, %parallel_loop3A_261 : vector<16xi1>, vector<16xf32>
        %parallel_loop3A_294 = arith.mulf %parallel_loop3A_272, %parallel_loop3A_274 : vector<16xf32>
        %parallel_loop3A_295 = arith.constant true
        %parallel_loop3A_296 = vector.broadcast %parallel_loop3A_295 : i1 to vector<16xi1>
        %parallel_loop3A_297 = tpu.scan <sum>, %parallel_loop3A_294 masked %parallel_loop3A_296 : vector<16xf32>, vector<16xi1> -> vector<16xf32>
        %parallel_loop3A_298 = vector.extract %parallel_loop3A_297[15] : f32 from vector<16xf32>
        %parallel_loop3A_299 = arith.constant 2.500000e-01 : f32
        %parallel_loop3A_300 = arith.mulf %parallel_loop3A_298, %parallel_loop3A_299 : f32
        %parallel_loop3A_301 = vector.broadcast %parallel_loop3A_300 : f32 to vector<16xf32>
        %parallel_loop3A_302 = math.exp %parallel_loop3A_301 : vector<16xf32>
        %parallel_loop3A_303 = arith.mulf %parallel_loop3A_302, %parallel_loop3A_276 : vector<16xf32>
        %parallel_loop3A_304 = arith.index_cast %parallel_loop3A_210 : i32 to index
        %parallel_loop3A_305 = arith.constant 48 : index
        %parallel_loop3A_306 = tpu.vector_load %arg16[%parallel_loop3A_304, %parallel_loop3A_305] {strides = array<i32>} : memref<80x80xf32, #tpu.memory_space<vmem>>, vector<16xf32>,
        tpu.vector_store %arg16[%parallel_loop3A_304, %parallel_loop3A_305], %parallel_loop3A_303 {strides = array<i32>} : memref<80x80xf32, #tpu.memory_space<vmem>>, vector<16xf32>,
        %parallel_loop3A_307 = arith.constant 3 : i32
        %parallel_loop3A_308 = vector.broadcast %parallel_loop3A_307 : i32 to vector<16xi32>
        %parallel_loop3A_309 = arith.cmpi eq, %iota3A, %parallel_loop3A_308 : vector<16xi32>
        %parallel_loop3A_310 = arith.select %parallel_loop3A_309, %parallel_loop3A_302, %parallel_loop3A_293 : vector<16xi1>, vector<16xf32>
        %parallel_loop3A_311 = arith.index_cast %parallel_loop3A_210 : i32 to index
        %parallel_loop3A_312 = arith.constant 64 : index
        %parallel_loop3A_313 = tpu.vector_load %arg16[%parallel_loop3A_311, %parallel_loop3A_312] {strides = array<i32>} : memref<80x80xf32, #tpu.memory_space<vmem>>, vector<16xf32>,
        tpu.vector_store %arg16[%parallel_loop3A_311, %parallel_loop3A_312], %parallel_loop3A_310 {strides = array<i32>} : memref<80x80xf32, #tpu.memory_space<vmem>>, vector<16xf32>,
      } {sc.loop_unroll_factor = 4 : i64, sc.parallel_access}
      %dma_start3A_198 = arith.constant 0 : i32
      %dma_start3A_199 = tpu.memref_slice %arg9[%add3A_141, %dma_start3A_198] : memref<250x80xi32, #tpu.memory_space<vmem>> -> memref<1x80xi32, #tpu.memory_space<vmem>>
      %dma_start3A_200 = tpu.memref_squeeze %dma_start3A_199 : memref<1x80xi32, #tpu.memory_space<vmem>> -> memref<80xi32, #tpu.memory_space<vmem>>
      %dma_start3A_201 = arith.constant 0 : i32
      %dma_start3A_202 = arith.constant 0 : i32
      %dma_start3A_203 = tpu.memref_slice %arg17[%dma_start3A_201, %dma_start3A_202] : memref<10240x80xf32, #tpu.memory_space<vmem_shared>> -> memref<10240x80xf32, #tpu.memory_space<vmem_shared>>
      tpu.enqueue_indirect_dma source(%arg16 : memref<80x80xf32, #tpu.memory_space<vmem>>) target(%dma_start3A_203 : memref<10240x80xf32, #tpu.memory_space<vmem_shared>>) offsets(%dma_start3A_200 : memref<80xi32, #tpu.memory_space<vmem>>) semaphore(%arg22 : memref<!tpu.dma_semaphore, #tpu.memory_space<semaphore_mem>>) {add = true}
      %dma_wait3A_204 = arith.constant 0 : i32
      %dma_wait3A_205 = tpu.memref_slice %arg9[%add3A_141, %dma_wait3A_204] : memref<250x80xi32, #tpu.memory_space<vmem>> -> memref<1x80xi32, #tpu.memory_space<vmem>>
      %dma_wait3A_206 = tpu.memref_squeeze %dma_wait3A_205 : memref<1x80xi32, #tpu.memory_space<vmem>> -> memref<80xi32, #tpu.memory_space<vmem>>
      %dma_wait3A_207 = arith.constant 0 : i32
      %dma_wait3A_208 = arith.constant 0 : i32
      %dma_wait3A_209 = tpu.memref_slice %arg17[%dma_wait3A_207, %dma_wait3A_208] : memref<10240x80xf32, #tpu.memory_space<vmem_shared>> -> memref<10240x80xf32, #tpu.memory_space<vmem_shared>>
      tpu.wait_indirect_dma semaphore(%arg22 : memref<!tpu.dma_semaphore, #tpu.memory_space<semaphore_mem>>) src(%arg16 : memref<80x80xf32, #tpu.memory_space<vmem>>) dst(%dma_wait3A_209 : memref<10240x80xf32, #tpu.memory_space<vmem_shared>>)
    }
    %scan3A_56 = arith.constant 125 : i32
    %dma_wait3A = arith.constant 0 : i32
    %dma_wait3A_57 = arith.constant 0 : i32
    %dma_wait3A_58 = tpu.memref_slice %arg8[%dma_wait3A, %dma_wait3A_57] : memref<250x80xi32, #tpu.memory_space<vmem>> -> memref<1x80xi32, #tpu.memory_space<vmem>>
    %dma_wait3A_59 = tpu.memref_squeeze %dma_wait3A_58 : memref<1x80xi32, #tpu.memory_space<vmem>> -> memref<80xi32, #tpu.memory_space<vmem>>
    %dma_wait3A_60 = arith.constant 0 : i32
    %dma_wait3A_61 = arith.constant 0 : i32
    %dma_wait3A_62 = tpu.memref_slice %arg3[%dma_wait3A_60, %dma_wait3A_61] : memref<20000x128xbf16, #tpu.memory_space<hbm>> -> memref<20000x128xbf16, #tpu.memory_space<hbm>>
    tpu.wait_indirect_dma semaphore(%arg18 : memref<!tpu.dma_semaphore, #tpu.memory_space<semaphore_mem>>) src(%dma_wait3A_62 : memref<20000x128xbf16, #tpu.memory_space<hbm>>) dst(%arg12 : memref<80x128xbf16, #tpu.memory_space<vmem>>)
    %dma_wait3A_63 = arith.constant 0 : i32
    %dma_wait3A_64 = arith.constant 0 : i32
    %dma_wait3A_65 = tpu.memref_slice %arg2[%dma_wait3A_63, %dma_wait3A_64] : memref<20000x64xbf16, #tpu.memory_space<hbm>> -> memref<20000x64xbf16, #tpu.memory_space<hbm>>
    tpu.wait_indirect_dma semaphore(%arg20 : memref<!tpu.dma_semaphore, #tpu.memory_space<semaphore_mem>>) src(%dma_wait3A_65 : memref<20000x64xbf16, #tpu.memory_space<hbm>>) dst(%arg14 : memref<80x64xbf16, #tpu.memory_space<vmem>>)
    %barrier3A_66 = arith.constant 0 : index
    tpu.barrier barrier_id(%barrier3A_66)
    "tpu.region"() ({
      %run_scoped3A = tpu.sem_alloc : memref<!tpu.dma_semaphore, #tpu.memory_space<semaphore_mem>>
      %dma_start3A_67 = arith.constant 0 : i32
      %dma_start3A_68 = tpu.memref_slice %arg7[%arg0, %mul3A_0, %dma_start3A_67] : memref<2x10240x80xf32, #tpu.memory_space<hbm>> -> memref<1x640x80xf32, #tpu.memory_space<hbm>>
      %dma_start3A_69 = tpu.memref_squeeze %dma_start3A_68 : memref<1x640x80xf32, #tpu.memory_space<hbm>> -> memref<640x80xf32, #tpu.memory_space<hbm>>
      %dma_start3A_70 = arith.constant 0 : i32
      %dma_start3A_71 = tpu.memref_slice %arg17[%mul3A_0, %dma_start3A_70] : memref<10240x80xf32, #tpu.memory_space<vmem_shared>> -> memref<640x80xf32, #tpu.memory_space<vmem_shared>>
      tpu.enqueue_dma source(%dma_start3A_71 : memref<640x80xf32, #tpu.memory_space<vmem_shared>>) target(%dma_start3A_69 : memref<640x80xf32, #tpu.memory_space<hbm>>) target_semaphore(%run_scoped3A : memref<!tpu.dma_semaphore, #tpu.memory_space<semaphore_mem>>)
      %dma_wait3A_72 = arith.constant 0 : i32
      %dma_wait3A_73 = tpu.memref_slice %arg7[%arg0, %mul3A_0, %dma_wait3A_72] : memref<2x10240x80xf32, #tpu.memory_space<hbm>> -> memref<1x640x80xf32, #tpu.memory_space<hbm>>
      %dma_wait3A_74 = tpu.memref_squeeze %dma_wait3A_73 : memref<1x640x80xf32, #tpu.memory_space<hbm>> -> memref<640x80xf32, #tpu.memory_space<hbm>>
      %dma_wait3A_75 = arith.constant 0 : i32
      %dma_wait3A_76 = tpu.memref_slice %arg17[%mul3A_0, %dma_wait3A_75] : memref<10240x80xf32, #tpu.memory_space<vmem_shared>> -> memref<640x80xf32, #tpu.memory_space<vmem_shared>>
      tpu.wait_dma2 semaphore(%run_scoped3A : memref<!tpu.dma_semaphore, #tpu.memory_space<semaphore_mem>>) src(%dma_wait3A_76 : memref<640x80xf32, #tpu.memory_space<vmem_shared>>) dst(%dma_wait3A_74 : memref<640x80xf32, #tpu.memory_space<hbm>>)
      tpu.yield
    }) : () -> ()
    return
  }
}

module attributes {stable_mosaic.version = 14 : i64} {
  func.func @_qkv_body(%arg0: i32, %arg1: memref<2000x128xf32, #tpu.memory_space<vmem>>, %arg2: memref<2x128x64xf32, #tpu.memory_space<vmem>>, %arg3: memref<2x1x64xf32, #tpu.memory_space<vmem>>, %arg4: memref<2x128x128xf32, #tpu.memory_space<vmem>>, %arg5: memref<2x1x128xf32, #tpu.memory_space<vmem>>, %arg6: memref<2x2000x64xbf16, #tpu.memory_space<vmem>>, %arg7: memref<2x2000x128xbf16, #tpu.memory_space<vmem>>) attributes {dimension_semantics = [#tpu.dimension_semantics<arbitrary>], iteration_bounds = array<i64: 5>, scalar_prefetch = 0 : i64, scratch_operands = 0 : i64, tpu.core_type = #tpu.core_type<tc>, window_params = [{transform_indices = @transform_0, window_bounds = array<i64: 2000, 128>}, {pipeline_mode = #tpu.pipeline_mode<synchronous>, transform_indices = @transform_1, window_bounds = array<i64: 2, 128, 64>}, {pipeline_mode = #tpu.pipeline_mode<synchronous>, transform_indices = @transform_2, window_bounds = array<i64: 2, 1, 64>}, {pipeline_mode = #tpu.pipeline_mode<synchronous>, transform_indices = @transform_3, window_bounds = array<i64: 2, 128, 128>}, {pipeline_mode = #tpu.pipeline_mode<synchronous>, transform_indices = @transform_4, window_bounds = array<i64: 2, 1, 128>}, {transform_indices = @transform_5, window_bounds = array<i64: 2, 2000, 64>}, {transform_indices = @transform_6, window_bounds = array<i64: 2, 2000, 128>}]} {
    %get3A = arith.constant 0 : index
    %get3A_0 = arith.constant 0 : index
    %get3A_1 = vector.load %arg1[%get3A, %get3A_0] : memref<2000x128xf32, #tpu.memory_space<vmem>>, vector<2000x128xf32>
    %get3A_2 = arith.constant 0 : index
    %get3A_3 = arith.constant 0 : index
    %get3A_4 = arith.constant 0 : index
    %get3A_5 = vector.load %arg2[%get3A_2, %get3A_3, %get3A_4] : memref<2x128x64xf32, #tpu.memory_space<vmem>>, vector<1x128x64xf32>
    %get3A_6 = vector.shape_cast %get3A_5 : vector<1x128x64xf32> to vector<128x64xf32>
    %dot_general3A = arith.constant dense<0.000000e+00> : vector<2000x64xf32>
    %dot_general3A_7 = tpu.matmul %get3A_1, %get3A_6, %dot_general3A {dimension_numbers = #tpu.dot_dimension_numbers<[1], [0], [0], [1], [0, 0, 1, 1], [], []>, transpose_lhs_hint = false} : vector<2000x128xf32>, vector<128x64xf32>, vector<2000x64xf32> -> vector<2000x64xf32>
    %get3A_8 = arith.constant 0 : index
    %get3A_9 = arith.constant 0 : index
    %get3A_10 = arith.constant 0 : index
    %get3A_11 = vector.load %arg3[%get3A_8, %get3A_9, %get3A_10] : memref<2x1x64xf32, #tpu.memory_space<vmem>>, vector<1x1x64xf32>
    %get3A_12 = vector.shape_cast %get3A_11 : vector<1x1x64xf32> to vector<1x64xf32>
    %add3A = vector.broadcast %get3A_12 : vector<1x64xf32> to vector<2000x64xf32>
    %add3A_13 = arith.addf %dot_general3A_7, %add3A : vector<2000x64xf32>
    %convert_element_type3A = arith.truncf %add3A_13 : vector<2000x64xf32> to vector<2000x64xbf16>
    %swap3A = arith.constant 0 : index
    %swap3A_14 = arith.constant 0 : index
    %swap3A_15 = arith.constant 0 : index
    %swap3A_16 = vector.load %arg6[%swap3A, %swap3A_14, %swap3A_15] : memref<2x2000x64xbf16, #tpu.memory_space<vmem>>, vector<1x2000x64xbf16>
    %swap3A_17 = vector.shape_cast %swap3A_16 : vector<1x2000x64xbf16> to vector<2000x64xbf16>
    %swap3A_18 = vector.shape_cast %convert_element_type3A : vector<2000x64xbf16> to vector<1x2000x64xbf16>
    tpu.vector_store %arg6[%swap3A, %swap3A_14, %swap3A_15], %swap3A_18 {strides = array<i32>} : memref<2x2000x64xbf16, #tpu.memory_space<vmem>>, vector<1x2000x64xbf16>,
    %get3A_19 = arith.constant 0 : index
    %get3A_20 = arith.constant 0 : index
    %get3A_21 = arith.constant 0 : index
    %get3A_22 = vector.load %arg4[%get3A_19, %get3A_20, %get3A_21] : memref<2x128x128xf32, #tpu.memory_space<vmem>>, vector<1x128x128xf32>
    %get3A_23 = vector.shape_cast %get3A_22 : vector<1x128x128xf32> to vector<128x128xf32>
    %dot_general3A_24 = arith.constant dense<0.000000e+00> : vector<2000x128xf32>
    %dot_general3A_25 = tpu.matmul %get3A_1, %get3A_23, %dot_general3A_24 {dimension_numbers = #tpu.dot_dimension_numbers<[1], [0], [0], [1], [0, 0, 1, 1], [], []>, transpose_lhs_hint = false} : vector<2000x128xf32>, vector<128x128xf32>, vector<2000x128xf32> -> vector<2000x128xf32>
    %get3A_26 = arith.constant 0 : index
    %get3A_27 = arith.constant 0 : index
    %get3A_28 = arith.constant 0 : index
    %get3A_29 = vector.load %arg5[%get3A_26, %get3A_27, %get3A_28] : memref<2x1x128xf32, #tpu.memory_space<vmem>>, vector<1x1x128xf32>
    %get3A_30 = vector.shape_cast %get3A_29 : vector<1x1x128xf32> to vector<1x128xf32>
    %add3A_31 = vector.broadcast %get3A_30 : vector<1x128xf32> to vector<2000x128xf32>
    %add3A_32 = arith.addf %dot_general3A_25, %add3A_31 : vector<2000x128xf32>
    %convert_element_type3A_33 = arith.truncf %add3A_32 : vector<2000x128xf32> to vector<2000x128xbf16>
    %swap3A_34 = arith.constant 0 : index
    %swap3A_35 = arith.constant 0 : index
    %swap3A_36 = arith.constant 0 : index
    %swap3A_37 = vector.load %arg7[%swap3A_34, %swap3A_35, %swap3A_36] : memref<2x2000x128xbf16, #tpu.memory_space<vmem>>, vector<1x2000x128xbf16>
    %swap3A_38 = vector.shape_cast %swap3A_37 : vector<1x2000x128xbf16> to vector<2000x128xbf16>
    %swap3A_39 = vector.shape_cast %convert_element_type3A_33 : vector<2000x128xbf16> to vector<1x2000x128xbf16>
    tpu.vector_store %arg7[%swap3A_34, %swap3A_35, %swap3A_36], %swap3A_39 {strides = array<i32>} : memref<2x2000x128xbf16, #tpu.memory_space<vmem>>, vector<1x2000x128xbf16>,
    %get3A_40 = arith.constant 1 : index
    %get3A_41 = arith.constant 0 : index
    %get3A_42 = arith.constant 0 : index
    %get3A_43 = vector.load %arg2[%get3A_40, %get3A_41, %get3A_42] : memref<2x128x64xf32, #tpu.memory_space<vmem>>, vector<1x128x64xf32>
    %get3A_44 = vector.shape_cast %get3A_43 : vector<1x128x64xf32> to vector<128x64xf32>
    %dot_general3A_45 = arith.constant dense<0.000000e+00> : vector<2000x64xf32>
    %dot_general3A_46 = tpu.matmul %get3A_1, %get3A_44, %dot_general3A_45 {dimension_numbers = #tpu.dot_dimension_numbers<[1], [0], [0], [1], [0, 0, 1, 1], [], []>, transpose_lhs_hint = false} : vector<2000x128xf32>, vector<128x64xf32>, vector<2000x64xf32> -> vector<2000x64xf32>
    %get3A_47 = arith.constant 1 : index
    %get3A_48 = arith.constant 0 : index
    %get3A_49 = arith.constant 0 : index
    %get3A_50 = vector.load %arg3[%get3A_47, %get3A_48, %get3A_49] : memref<2x1x64xf32, #tpu.memory_space<vmem>>, vector<1x1x64xf32>
    %get3A_51 = vector.shape_cast %get3A_50 : vector<1x1x64xf32> to vector<1x64xf32>
    %add3A_52 = vector.broadcast %get3A_51 : vector<1x64xf32> to vector<2000x64xf32>
    %add3A_53 = arith.addf %dot_general3A_46, %add3A_52 : vector<2000x64xf32>
    %convert_element_type3A_54 = arith.truncf %add3A_53 : vector<2000x64xf32> to vector<2000x64xbf16>
    %swap3A_55 = arith.constant 1 : index
    %swap3A_56 = arith.constant 0 : index
    %swap3A_57 = arith.constant 0 : index
    %swap3A_58 = vector.load %arg6[%swap3A_55, %swap3A_56, %swap3A_57] : memref<2x2000x64xbf16, #tpu.memory_space<vmem>>, vector<1x2000x64xbf16>
    %swap3A_59 = vector.shape_cast %swap3A_58 : vector<1x2000x64xbf16> to vector<2000x64xbf16>
    %swap3A_60 = vector.shape_cast %convert_element_type3A_54 : vector<2000x64xbf16> to vector<1x2000x64xbf16>
    tpu.vector_store %arg6[%swap3A_55, %swap3A_56, %swap3A_57], %swap3A_60 {strides = array<i32>} : memref<2x2000x64xbf16, #tpu.memory_space<vmem>>, vector<1x2000x64xbf16>,
    %get3A_61 = arith.constant 1 : index
    %get3A_62 = arith.constant 0 : index
    %get3A_63 = arith.constant 0 : index
    %get3A_64 = vector.load %arg4[%get3A_61, %get3A_62, %get3A_63] : memref<2x128x128xf32, #tpu.memory_space<vmem>>, vector<1x128x128xf32>
    %get3A_65 = vector.shape_cast %get3A_64 : vector<1x128x128xf32> to vector<128x128xf32>
    %dot_general3A_66 = arith.constant dense<0.000000e+00> : vector<2000x128xf32>
    %dot_general3A_67 = tpu.matmul %get3A_1, %get3A_65, %dot_general3A_66 {dimension_numbers = #tpu.dot_dimension_numbers<[1], [0], [0], [1], [0, 0, 1, 1], [], []>, transpose_lhs_hint = false} : vector<2000x128xf32>, vector<128x128xf32>, vector<2000x128xf32> -> vector<2000x128xf32>
    %get3A_68 = arith.constant 1 : index
    %get3A_69 = arith.constant 0 : index
    %get3A_70 = arith.constant 0 : index
    %get3A_71 = vector.load %arg5[%get3A_68, %get3A_69, %get3A_70] : memref<2x1x128xf32, #tpu.memory_space<vmem>>, vector<1x1x128xf32>
    %get3A_72 = vector.shape_cast %get3A_71 : vector<1x1x128xf32> to vector<1x128xf32>
    %add3A_73 = vector.broadcast %get3A_72 : vector<1x128xf32> to vector<2000x128xf32>
    %add3A_74 = arith.addf %dot_general3A_67, %add3A_73 : vector<2000x128xf32>
    %convert_element_type3A_75 = arith.truncf %add3A_74 : vector<2000x128xf32> to vector<2000x128xbf16>
    %swap3A_76 = arith.constant 1 : index
    %swap3A_77 = arith.constant 0 : index
    %swap3A_78 = arith.constant 0 : index
    %swap3A_79 = vector.load %arg7[%swap3A_76, %swap3A_77, %swap3A_78] : memref<2x2000x128xbf16, #tpu.memory_space<vmem>>, vector<1x2000x128xbf16>
    %swap3A_80 = vector.shape_cast %swap3A_79 : vector<1x2000x128xbf16> to vector<2000x128xbf16>
    %swap3A_81 = vector.shape_cast %convert_element_type3A_75 : vector<2000x128xbf16> to vector<1x2000x128xbf16>
    tpu.vector_store %arg7[%swap3A_76, %swap3A_77, %swap3A_78], %swap3A_81 {strides = array<i32>} : memref<2x2000x128xbf16, #tpu.memory_space<vmem>>, vector<1x2000x128xbf16>,
    return
  }
  func.func @transform_0(%arg0: i32) -> (i32, i32) {
    %c0_i32 = arith.constant 0 : i32
    %c0_i32_0 = arith.constant 0 : i32
    return %arg0, %c0_i32 : i32, i32
  }
  func.func @transform_1(%arg0: i32) -> (i32, i32, i32) {
    %c0_i32 = arith.constant 0 : i32
    %c0_i32_0 = arith.constant 0 : i32
    %c0_i32_1 = arith.constant 0 : i32
    %c0_i32_2 = arith.constant 0 : i32
    return %c0_i32, %c0_i32_0, %c0_i32_1 : i32, i32, i32
  }
  func.func @transform_2(%arg0: i32) -> (i32, i32, i32) {
    %c0_i32 = arith.constant 0 : i32
    %c0_i32_0 = arith.constant 0 : i32
    %c0_i32_1 = arith.constant 0 : i32
    %c0_i32_2 = arith.constant 0 : i32
    return %c0_i32, %c0_i32_0, %c0_i32_1 : i32, i32, i32
  }
  func.func @transform_3(%arg0: i32) -> (i32, i32, i32) {
    %c0_i32 = arith.constant 0 : i32
    %c0_i32_0 = arith.constant 0 : i32
    %c0_i32_1 = arith.constant 0 : i32
    %c0_i32_2 = arith.constant 0 : i32
    return %c0_i32, %c0_i32_0, %c0_i32_1 : i32, i32, i32
  }
  func.func @transform_4(%arg0: i32) -> (i32, i32, i32) {
    %c0_i32 = arith.constant 0 : i32
    %c0_i32_0 = arith.constant 0 : i32
    %c0_i32_1 = arith.constant 0 : i32
    %c0_i32_2 = arith.constant 0 : i32
    return %c0_i32, %c0_i32_0, %c0_i32_1 : i32, i32, i32
  }
  func.func @transform_5(%arg0: i32) -> (i32, i32, i32) {
    %c0_i32 = arith.constant 0 : i32
    %c0_i32_0 = arith.constant 0 : i32
    %c0_i32_1 = arith.constant 0 : i32
    return %c0_i32, %arg0, %c0_i32_0 : i32, i32, i32
  }
  func.func @transform_6(%arg0: i32) -> (i32, i32, i32) {
    %c0_i32 = arith.constant 0 : i32
    %c0_i32_0 = arith.constant 0 : i32
    %c0_i32_1 = arith.constant 0 : i32
    return %c0_i32, %arg0, %c0_i32_0 : i32, i32, i32
  }
}

module attributes {stable_mosaic.version = 14 : i64} {
  func.func @_finalize_body(%arg0: i32, %arg1: memref<2x2000x80xf32, #tpu.memory_space<vmem>>, %arg2: memref<4x64xf32, #tpu.memory_space<vmem>>, %arg3: memref<2000x128xf32, #tpu.memory_space<vmem>>) attributes {dimension_semantics = [#tpu.dimension_semantics<arbitrary>], iteration_bounds = array<i64: 5>, scalar_prefetch = 0 : i64, scratch_operands = 0 : i64, tpu.core_type = #tpu.core_type<tc>, window_params = [{transform_indices = @transform_0, window_bounds = array<i64: 2, 2000, 80>}, {pipeline_mode = #tpu.pipeline_mode<synchronous>, transform_indices = @transform_1, window_bounds = array<i64: 4, 64>}, {transform_indices = @transform_2, window_bounds = array<i64: 2000, 128>}]} {
    %get3A = arith.constant 0 : index
    %get3A_0 = arith.constant 0 : index
    %get3A_1 = arith.constant 0 : index
    %get3A_2 = vector.load %arg1[%get3A, %get3A_0, %get3A_1] : memref<2x2000x80xf32, #tpu.memory_space<vmem>>, vector<1x2000x80xf32>
    %get3A_3 = vector.shape_cast %get3A_2 : vector<1x2000x80xf32> to vector<2000x80xf32>
    %slice3A = vector.extract_strided_slice %get3A_3 {offsets = [0, 64], sizes = [2000, 4], strides = [1, 1]} : vector<2000x80xf32> to vector<2000x4xf32>
    %get3A_4 = arith.constant 0 : index
    %get3A_5 = arith.constant 0 : index
    %get3A_6 = vector.load %arg2[%get3A_4, %get3A_5] : memref<4x64xf32, #tpu.memory_space<vmem>>, vector<4x64xf32>
    %dot_general3A = arith.constant dense<0.000000e+00> : vector<2000x64xf32>
    %dot_general3A_7 = tpu.matmul %slice3A, %get3A_6, %dot_general3A {dimension_numbers = #tpu.dot_dimension_numbers<[1], [0], [0], [1], [0, 0, 1, 1], [], []>, transpose_lhs_hint = false} : vector<2000x4xf32>, vector<4x64xf32>, vector<2000x64xf32> -> vector<2000x64xf32>
    %slice3A_8 = vector.extract_strided_slice %get3A_3 {offsets = [0, 0], sizes = [2000, 64], strides = [1, 1]} : vector<2000x80xf32> to vector<2000x64xf32>
    %div3A = arith.divf %slice3A_8, %dot_general3A_7 : vector<2000x64xf32>
    %get3A_9 = arith.constant 1 : index
    %get3A_10 = arith.constant 0 : index
    %get3A_11 = arith.constant 0 : index
    %get3A_12 = vector.load %arg1[%get3A_9, %get3A_10, %get3A_11] : memref<2x2000x80xf32, #tpu.memory_space<vmem>>, vector<1x2000x80xf32>
    %get3A_13 = vector.shape_cast %get3A_12 : vector<1x2000x80xf32> to vector<2000x80xf32>
    %slice3A_14 = vector.extract_strided_slice %get3A_13 {offsets = [0, 64], sizes = [2000, 4], strides = [1, 1]} : vector<2000x80xf32> to vector<2000x4xf32>
    %get3A_15 = arith.constant 0 : index
    %get3A_16 = arith.constant 0 : index
    %get3A_17 = vector.load %arg2[%get3A_15, %get3A_16] : memref<4x64xf32, #tpu.memory_space<vmem>>, vector<4x64xf32>
    %dot_general3A_18 = arith.constant dense<0.000000e+00> : vector<2000x64xf32>
    %dot_general3A_19 = tpu.matmul %slice3A_14, %get3A_17, %dot_general3A_18 {dimension_numbers = #tpu.dot_dimension_numbers<[1], [0], [0], [1], [0, 0, 1, 1], [], []>, transpose_lhs_hint = false} : vector<2000x4xf32>, vector<4x64xf32>, vector<2000x64xf32> -> vector<2000x64xf32>
    %slice3A_20 = vector.extract_strided_slice %get3A_13 {offsets = [0, 0], sizes = [2000, 64], strides = [1, 1]} : vector<2000x80xf32> to vector<2000x64xf32>
    %div3A_21 = arith.divf %slice3A_20, %dot_general3A_19 : vector<2000x64xf32>
    %concatenate3A = tpu.concatenate %div3A, %div3A_21 in 1 : vector<2000x64xf32>, vector<2000x64xf32> -> vector<2000x128xf32>
    %swap3A = arith.constant 0 : index
    %swap3A_22 = arith.constant 0 : index
    %swap3A_23 = vector.load %arg3[%swap3A, %swap3A_22] : memref<2000x128xf32, #tpu.memory_space<vmem>>, vector<2000x128xf32>
    tpu.vector_store %arg3[%swap3A, %swap3A_22], %concatenate3A {strides = array<i32>} : memref<2000x128xf32, #tpu.memory_space<vmem>>, vector<2000x128xf32>,
    return
  }
  func.func @transform_0(%arg0: i32) -> (i32, i32, i32) {
    %c0_i32 = arith.constant 0 : i32
    %c0_i32_0 = arith.constant 0 : i32
    %c0_i32_1 = arith.constant 0 : i32
    return %c0_i32, %arg0, %c0_i32_0 : i32, i32, i32
  }
  func.func @transform_1(%arg0: i32) -> (i32, i32) {
    %c0_i32 = arith.constant 0 : i32
    %c0_i32_0 = arith.constant 0 : i32
    %c0_i32_1 = arith.constant 0 : i32
    return %c0_i32, %c0_i32_0 : i32, i32
  }
  func.func @transform_2(%arg0: i32) -> (i32, i32) {
    %c0_i32 = arith.constant 0 : i32
    %c0_i32_0 = arith.constant 0 : i32
    return %arg0, %c0_i32 : i32, i32
  }
}

</mosaic_0001>

<sc_bundles>
// kernel: kernel.5.cloned.1.call-start
scs
__scs_entry_jumppad:
0x0: {  	(pc) =	sbr.rel $0x88, $3  }
0x1: {  	(tag) =	ssettag $0x0;
	lr =	simm.s32 $0x1  }
0x2: {  	[smem:$0x3F99] =	sst lr;
	_ =	strace $0xD0000000  }
0x3: {  	_ = 	snop  }
0x4: {  	_ = 	snop  }
0x5: {  	_ = 	snop  }
0x6: {  	_ = 	snop  }
0x7: {  	_ = 	snop  }
__scs_overlays_trampoline_lowered:
0x8: {  	[smem:$0x3FA8] =	sst s0  }
0x9: {  	[smem:$0x3FA9] =	sst s1  }
0xa: {  	[smem:$0x3FAA] =	sst s2  }
0xb: {  	[smem:$0x3FAB] =	sst s3  }
0xc: {  	[smem:$0x3FAC] =	sst s4  }
0xd: {  	[smem:$0x3FAD] =	sst s5  }
0xe: {  	[smem:$0x3FAE] =	sst s6  }
0xf: {  	[smem:$0x3FAF] =	sst s7  }
0x10: {  	[smem:$0x3FB0] =	sst s8  }
0x11: {  	[smem:$0x3FB1] =	sst s9;
	s0 =	simm.s32 @!p0 $0x0  }
0x12: {  	s1 =	sld [smem:$0x3F97];
	s0 =	simm.s32 @p0 $0x1  }
0x13: {  	[smem:$0x3FB2] =	sst s0;
	s0 =	simm.s32 @!p1 $0x0  }
0x14: {  	s2 =	sld [smem:$0x3F96];
	s0 =	simm.s32 @p1 $0x1  }
0x15: {  	[smem:$0x3FB3] =	sst s0;
	s0 =	simm.s32 @!p2 $0x0  }
0x16: {  	s3 =	sld [smem:$0x3FDB];
	s0 =	simm.s32 @p2 $0x1  }
0x17: {  	s4 =	simm.s32 $0x1BF5;
	[smem:$0x3FB5] =	sst s0  }
0x18: {  	s0 =	sld [smem:$0x3F98];
	_ =	swait.ge [sflag:s4], $0x0  }
0x19: {  	s7 =	sld [smem:$0x3F99]  }
0x1a: {  	s8 =	sadd.s32 $0xFFFFE003, lr  }
0x1b: {  	s9 =	sadd.s32 $0xFFFFFEF7, lr;
	s5 =	simm.s32 $0xFFFFFFFF;
	p2 =	slt.u32 s8, $0xFFFFF086  }
0x1c: {  	p1 =	slt.u32 s9, $0xF7A;
	s5 =	simm.s32 @!p2 $0x0  }
0x1d: {  	s5 =	simm.s32 @p1 $0x1;
	p0 =	seq.s32 s7, s2  }
0x1e: {  	s7 =	smul.u32 @!p0 $0xF7A, s2;
	p2 =	seq.s32 @!p0 s5, $0x0  }
0x1f: {  	s9 =	smul.u32 $0xF7A, s1;
	s8 =	simm.s32 @!p0 $0x1BF5;
	p2 =	por !p2, p0  }
0x20: {  	[sflag:s8] =	ssyncset.s32 @!p0 $0xFFFFF086;
	s6 =	sadd.s32 @!p0 s3, s7;
	s7 =	simm.s32 @!p0 $0x108  }
0x21: {  	s3 =	sadd.s32 s3, s9;
	s6 =	sadd.s32 @!p0 $0x88, s6;
	s7 =	simm.s32 @p2 $0x1082  }
0x22: {  	[simem:s7], [sflag:s8] =	dma.local @!p0 [hbm:s6], $0xF7A  }
0x23: {  	s9 =	sor.u32 $0xD0000000, s2;
	s6 =	simm.s32 $0x108;
	_ =	swait.ge @!p0 [sflag:s8], $0x0  }
0x24: {  	s3 =	sadd.s32 $0x88, s3;
	s6 =	simm.s32 @!p1 $0x1082;
	[sflag:s4] =	ssyncset.s32 $0xFFFFF086  }
0x25: {  	[simem:s6], [sflag:s4] =	dma.local [hbm:s3], $0xF7A  }
0x26: {  	[smem:$0x3F99] =	sst s1;
	(tag) =	ssettag s2;
	_ =	strace s9  }
0x27: {  	s1 =	sld [smem:$0x3FA9]  }
0x28: {  	s2 =	sld [smem:$0x3FAA]  }
0x29: {  	s4 =	sld [smem:$0x3FAC]  }
0x2a: {  	p0 =	seq.s32 s5, $0x0;
	s5 =	sld [smem:$0x3FAD]  }
0x2b: {  	s6 =	sld [smem:$0x3FAE]  }
0x2c: {  	s7 =	sld [smem:$0x3FAF]  }
0x2d: {  	s3 =	simm.s32 $0x108;
	s8 =	sld [smem:$0x3FB0]  }
0x2e: {  	s3 =	simm.s32 @!p0 $0x1082;
	s9 =	sld [smem:$0x3FB1]  }
0x2f: {  	lr =	sadd.s32 s0, s3;
	s0 =	sld [smem:$0x3FA8]  }
0x30: {  	s3 =	sld [smem:$0x3FAB]  }
0x31: {  	[smem:$0x3FB4] =	sst s10  }
0x32: {  	s10 =	sld [smem:$0x3FB2];
	_ =	sdelay $0x3  }
0x33: {  	p0 =	seq.s32 s10, $0x1;
	s10 =	sld [smem:$0x3FB4];
	_ =	sdelay $0x3  }
0x34: {  	[smem:$0x3FB4] =	sst s10  }
0x35: {  	s10 =	sld [smem:$0x3FB3];
	_ =	sdelay $0x3  }
0x36: {  	p1 =	seq.s32 s10, $0x1;
	s10 =	sld [smem:$0x3FB4];
	_ =	sdelay $0x3  }
0x37: {  	[smem:$0x3FB4] =	sst s10  }
0x38: {  	s10 =	sld [smem:$0x3FB5]  }
0x39: {  	_ = 	snop;
	(pc) =	sbr.ind lr, $3  }
0x3a: {  	_ = 	snop  }
0x3b: {  	_ = 	snop  }
0x3c: {  	p2 =	seq.s32 s10, $0x1;
	s10 =	sld [smem:$0x3FB4]  }
0x3d: {  	_ =	shalt  }
0x3e: {  	_ =	shalt  }
0x3f: {  	_ =	shalt  }
0x40: {  	_ =	shalt  }
0x41: {  	_ =	shalt  }
0x42: {  	_ =	shalt  }
0x43: {  	_ =	shalt  }
0x44: {  	_ =	shalt  }
0x45: {  	_ =	shalt  }
0x46: {  	_ =	shalt  }
0x47: {  	_ =	shalt  }
0x48: {  	_ =	shalt  }
0x49: {  	_ =	shalt  }
0x4a: {  	_ =	shalt  }
0x4b: {  	_ =	shalt  }
0x4c: {  	_ =	shalt  }
0x4d: {  	_ =	shalt  }
0x4e: {  	_ =	shalt  }
0x4f: {  	_ =	shalt  }
0x50: {  	_ =	shalt  }
0x51: {  	_ =	shalt  }
0x52: {  	_ =	shalt  }
0x53: {  	_ =	shalt  }
0x54: {  	_ =	shalt  }
0x55: {  	_ =	shalt  }
0x56: {  	_ =	shalt  }
0x57: {  	_ =	shalt  }
0x58: {  	_ =	shalt  }
0x59: {  	_ =	shalt  }
0x5a: {  	_ =	shalt  }
0x5b: {  	_ =	shalt  }
0x5c: {  	_ =	shalt  }
0x5d: {  	_ =	shalt  }
0x5e: {  	_ =	shalt  }
0x5f: {  	_ =	shalt  }
0x60: {  	_ =	shalt  }
0x61: {  	_ =	shalt  }
0x62: {  	_ =	shalt  }
0x63: {  	_ =	shalt  }
0x64: {  	_ =	shalt  }
0x65: {  	_ =	shalt  }
0x66: {  	_ =	shalt  }
0x67: {  	_ =	shalt  }
0x68: {  	_ =	shalt  }
0x69: {  	_ =	shalt  }
0x6a: {  	_ =	shalt  }
0x6b: {  	_ =	shalt  }
0x6c: {  	_ =	shalt  }
0x6d: {  	_ =	shalt  }
0x6e: {  	_ =	shalt  }
0x6f: {  	_ =	shalt  }
0x70: {  	_ =	shalt  }
0x71: {  	_ =	shalt  }
0x72: {  	_ =	shalt  }
0x73: {  	_ =	shalt  }
0x74: {  	_ =	shalt  }
0x75: {  	_ =	shalt  }
0x76: {  	_ =	shalt  }
0x77: {  	_ =	shalt  }
0x78: {  	_ =	shalt  }
0x79: {  	_ =	shalt  }
0x7a: {  	_ =	shalt  }
0x7b: {  	_ =	shalt  }
0x7c: {  	_ =	shalt  }
0x7d: {  	_ =	shalt  }
0x7e: {  	_ =	shalt  }
0x7f: {  	_ =	shalt  }
0x80: {  	_ =	shalt  }
0x81: {  	_ =	shalt  }
0x82: {  	_ =	shalt  }
0x83: {  	_ =	shalt  }
0x84: {  	_ =	shalt  }
0x85: {  	_ =	shalt  }
0x86: {  	_ =	shalt  }
0x87: {  	_ =	shalt  }
.Lfunc_end0:
.L_simem_size_0:
called_computation_lowered:
.L_overlay_start_0:
0x88: {  	s2 =	sld [smem:$0x3FD9]  }
0x89: {  	s3 =	sld [smem:$0x3FFE];
	_ =	sdelay $0x1  }
0x8a: {  	s1 =	srdreg.scid  }
0x8b: {  	s0 =	sand.u32 $0x1, s1  }
0x8c: {  	s17 =	sshll.u32 s0, $0xA;
	s2 =	sadd.s32 s3, s2  }
0x8d: {  	s2 =	sadd.s32 s2, s17  }
0x8e: {  	[smem:$0x3FC0] =	sst s2  }
0x8f: {  	_ = 	snop  }
0x90: {  	s2 =	sld [smem:$0x3FD0];
	(tm) =	ssettm $0x1  }
0x91: {  	s18 =	sld [smem:$0x3FFB];
	_ =	sdelay $0x3  }
0x92: {  	_ =	strace s18  }
0x93: {  	s3 =	sld [smem:$0x3FFC];
	_ =	sdelay $0x3  }
0x94: {  	_ =	strace s3  }
0x95: {  	s3 =	sld [smem:$0x3FFD];
	_ =	sdelay $0x3  }
0x96: {  	_ =	strace s3  }
0x97: {  	_ =	strace $0x8FFFFFFF  }
0x98: {  	s19 =	sld [smem:$0x3FDB];
	_ =	sdelay $0x1  }
0x99: {  	s4 =	simm.s32 $_scs_section_size  }
0x9a: {  	s5 =	simm.s32 $_size__tile_overlayer_lowered;
	s6 =	simm.s32 $_tile_overlayer_lowered  }
0x9b: {  	s22 =	simm.s32 $0x1BFF;
	s21 =	sshll.u32 s6, $0x1;
	s3 =	sadd.s32 s4, s19  }
0x9c: {  	s7 =	simm.s32 $0x0;
	s20 =	sshll.u32 s5, $0x1;
	s5 =	sadd.s32 s21, s3  }
0x9d: {  	[timem:s7], [sflag:s22] =	dma.local [hbm:s5], s20  }
0x9e: {  	_ =	swait.ge [sflag:s22], s20  }
0x9f: {  	s4 =	ssub.s32 $0x0, s20;
	[sflag:s22] =	ssyncset.done $0x0  }
0xa0: {  	[sflag:s22] =	ssyncadd.s32 s4;
	_ =	sdelay $0x1  }
0xa1: {  	s23 =	simm.s32 $0x1B8B  }
0xa2: {  	_ =	swait.ge [sflag:s23], $0x1  }
0xa3: {  	[sflag:s23] =	ssyncset.done $0x0  }
0xa4: {  	s25 =	simm.s32 $0x1B8E;
	s24 =	sld [smem:$0x3FFE];
	[sflag:s23] =	ssyncadd.s32 $0xFFFFFFFF  }
0xa5: {  	s26 =	simm.s32 $execute0_lowered;
	[smem:$0x3FD2] =	sst s25  }
0xa6: {  	s5 =	sshll.u32 s26, $0x1;
	_ =	strace $0x80000046;
	[dreg:$0x1] =	wrdreg $0xFFFFFFFF  }
0xa7: {  	s28 =	simm.s32 $_size_execute0_lowered;
	s3 =	sadd.s32 s3, s5;
	[dreg:$0x0] =	wrdreg $0x0  }
0xa8: {  	s5 =	sshll.u32 s28, $0x1;
	[dreg:$0x2] =	wrdreg s3  }
0xa9: {  	[dreg:$0x3] =	wrdreg s5  }
0xaa: {  	[dreg:$0x4] =	wrdreg $0xC0  }
0xab: {  	_ =	task [dreg:s7], $0x5FFFF  }
0xac: {  	[dreg:$0x1] =	wrdreg $0xFFFFFFFF  }
0xad: {  	[dreg:$0x0] =	wrdreg $0x60  }
0xae: {  	[dreg:$0x2] =	wrdreg s24  }
0xaf: {  	[dreg:$0x3] =	wrdreg s2  }
0xb0: {  	[dreg:$0x4] =	wrdreg $0xF1E00  }
0xb1: {  	[dreg:$0x5] =	wrdreg $0x9  }
0xb2: {  	_ =	task.clear_ibuf [dreg:s7], $0x6FFFF;
	_ =	strace $0x90000046  }
0xb3: {  	s29 =	simm.s32 $0x9;
	_ =	strace $0x80000048  }
0xb4: {  	_ =	swait.ge [sflag:s29], $0x1  }
0xb5: {  	[sflag:s29] =	ssyncadd.s32 $0xFFFFFFFF  }
0xb6: {  	_ =	strace $0x90000048  }
0xb7: {  	_ =	sfence  }
0xb8: {  	s30 =	sld [smem:$0x0];
	_ =	sdelay $0x2  }
0xb9: {  	s31 =	sshll.u32 s1, $0xD;
	s1 =	sshrl.u32 s1, $0x2  }
0xba: {  	s3 =	sand.u32 $0x4000, s31;
	s1 =	sadd.s32 s1, s30  }
0xbb: {  	s0 =	sor.u32 s3, s0;
	s1 =	sshll.u32 s1, $0x11  }
0xbc: {  	s0 =	sor.u32 s1, s0  }
0xbd: {  	s0 =	sadd.s32 $0x8F2B, s0  }
0xbe: {  	[sflag:s0] =	ssyncadd.remote.s32 $0x1  }
0xbf: {  	_ =	sfence.sel $0xFFFF  }
0xc0: {  	[dreg:$0x0] =	wrdreg $0xFFFFFFFF;
	(pc) =	sbr.abs _section_cstart, $3  }
0xc1: {  	[dreg:$0x1] =	wrdreg $0xFFFFFFFF  }
0xc2: {  	_ =	task.clear_ibuf [dreg:s7], $0x2FFFF;
	_ =	strace $0x9FFFFFFF  }
0xc3: {  	(tm) =	ssettm $0x7FFFFFFF  }
tec
execute0_lowered:
.L_overlay_start_1:
0x0: {  	(tag) =	ssettag $0x1  }
0x1: {  	s0 =	rddreg [dreg:$0x0]  }
0x2: {  	s2 =	rddreg [dreg:$0x1]  }
0x3: {  	s3 =	rddreg [dreg:$0x2];
	s10 =	stileid.u32  }
0x4: {  	s4 =	srdreg.scid;
	s5 =	simm.s32 $0x0;
	s15 =	simm.s32 $0x50  }
0x5: {  	s16 =	simm.s32 $0x9CE0;
	s17 =	simm.s32 $0x9C40;
	s18 =	simm.s32 $0xC4E0  }
0x6: {  	s21 =	simm.s32 $0xCEE0;
	s22 =	simm.s32 $0x1;
	s23 =	simm.s32 $0x3  }
0x7: {  	s24 =	simm.s32 $0xD8E0;
	s28 =	simm.s32 $0x4;
	s1 =	smul.u32 $0x9C4, s10  }
0x8: {  	s6 =	smul.u32 $0xC800, s10;
	s4 =	sand.u32 $0x1, s4;
	[smem:$0x7FF] =	sst s5  }
0x9: {  	s5 =	sadd.s32 $0x15200, s0;
	s26 =	sshll.u32 s10, $0x6;
	s7 =	smul.u32 $0xC8000, s4  }
0xa: {  	_ =	strace $0x80000047;
	s9 =	ssub.s32 $0x2, s4;
	s30 =	smul.u32 $0x2710, s4  }
0xb: {  	s1 =	sadd.s32 s1, s0;
	s8 =	sshrl.u32 s6, $0x3;
	s25 =	sshrl.u32 s9, $0x1  }
0xc: {  	s7 =	sadd.s32 s6, s7;
	s8 =	sadd.s32 s8, s0;
	s29 =	sadd.s32 $0xB400, s1  }
0xd: {  	s6 =	sadd.s32 s6, s3;
	s1 =	sadd.s32 $0x1600, s1;
	[dreg:$0x6] =	wrdreg s29  }
0xe: {  	s7 =	sshrl.u32 s7, $0x3;
	s8 =	sadd.s32 $0x28C00, s8;
	[dreg:$0x7] =	wrdreg s1  }
0xf: {  	s4 =	sshrl.u32 s6, $0x3;
	s6 =	simm.s32 $0x6;
	[dreg:$0x4] =	wrdreg s8  }
0x10: {  	s0 =	sadd.s32 s7, s0;
	s8 =	sor.u32 $0x1C06, s26;
	[dreg:$0xa] =	wrdreg s4  }
0x11: {  	s7 =	ssub.s32 s9, s25;
	s0 =	sadd.s32 $0x41C00, s0;
	[dreg:$0x5] =	wrdreg s8  }
0x12: {  	vm0 =	vmmov $0x1;
	vm1 =	vcmask $0x310;
	s1 =	simm.s32 $0x0;
	s31 =	smax.u32 s7, $0x1;
	[dreg:$0x8] =	wrdreg s0  }
0x13: {  	vm2 =	vcmask $0x710;
	vm3 =	vcmask $0xB10;
	v0 =	vmov s30;
	s25 =	simm.s32 $0x5;
	s26 =	simm.s32 $0x2;
	[dreg:$0x9] =	wrdreg s31  }
.LBB2_1:
0x14: {  	[dreg:$0xb] =	wrdreg s1  }
0x15: {  	s0 =	rddreg [dreg:$0x4]  }
0x16: {  	[spmem:s4], [sflag:s8] =	dma.local [hbm:s0], $0x1900  }
0x17: {  	_ =	swait.ge [sflag:s6], $0x1900  }
0x18: {  	[sflag:s6] =	ssyncset.done $0x0  }
0x19: {  	[sflag:s6] =	ssyncadd.s32 $0xFFFFE700  }
0x1a: {  	[bflag:$0x0] =	sbarrier.arrive $0xFFFF  }
0x1b: {  	s20 =	simm.s32 $0x0;
	s29 =	rddreg [dreg:$0x6]  }
0x1c: {  	[tilespmem:s20], [sflag:$0x6] =	stream.linear.gather [hbm4b:s29+s20], $0x4E20, $0x38;
	[tilespmem:$0x1B9E0] =	vst v63  }
0x1d: {  	_ =	swait.ge [sflag:s6], $0x4E20  }
0x1e: {  	[sflag:s6] =	ssyncset.done $0x0  }
0x1f: {  	s31 =	simm.s32 $0x4E20;
	s30 =	rddreg [dreg:$0x7];
	[sflag:s6] =	ssyncadd.s32 $0xFFFFB1E0  }
0x20: {  	[tilespmem:s31], [sflag:$0x6] =	stream.linear.gather [hbm4b:s30+s20], $0x4E20, $0x38;
	[tilespmem:$0x1B9E0] =	vst v63  }
0x21: {  	_ =	swait.ge [sflag:s6], $0x4E20  }
0x22: {  	[sflag:s6] =	ssyncset.done $0x0  }
0x23: {  	s0 =	simm.s32 $0x0;
	[sflag:s6] =	ssyncadd.s32 $0xFFFFB1E0  }
0x24: {  	v4 =	vld [tilespmem:s0+$0x0]  }
0x25: {  	v3 =	vld [tilespmem:s0+$0x10]  }
0x26: {  	v2 =	vld [tilespmem:s0+$0x20]  }
0x27: {  	s1 =	simm.s32 $0x140;
	v1 =	vld [tilespmem:s0+$0x30]  }
.LBB2_2:
0x28: {  	p0 =	sne.s32 s1, $0x13740;
	v5 =	vld [tilespmem:s0+$0x40]  }
0x29: {  	v4 =	vadd.s32 v0, v4  }
.Ltmp0:
0x2a: {  	s4 =	sshra.s32 s1, $0x2;
	[tilespmem:s0+$0x0] =	vst v4;
	v3 =	vadd.s32 v0, v3;
	(pc) =	sbr.rel @p0 .LBB2_2-.Ltmp0, $4  }
0x2b: {  	v4 =	vld [tilespmem:s4+$0x0];
	[tilespmem:s0+$0x10] =	vst v3;
	v2 =	vadd.s32 v0, v2  }
0x2c: {  	v3 =	vld [tilespmem:s4+$0x10];
	[tilespmem:s0+$0x20] =	vst v2;
	v1 =	vadd.s32 v0, v1  }
0x2d: {  	v2 =	vld [tilespmem:s4+$0x20];
	[tilespmem:s0+$0x30] =	vst v1;
	v5 =	vadd.s32 v0, v5  }
0x2e: {  	s1 =	sadd.s32 $0x140, s1;
	v1 =	vld [tilespmem:s4+$0x30];
	[tilespmem:s0+$0x40] =	vst v5;
	s0 =	smov.u32 s4  }
0x2f: {  	v5 =	vld [tilespmem:s0+$0x40]  }
0x30: {  	v4 =	vadd.s32 v0, v4  }
0x31: {  	[tilespmem:s0+$0x0] =	vst v4;
	v3 =	vadd.s32 v0, v3  }
0x32: {  	[tilespmem:s0+$0x10] =	vst v3;
	v2 =	vadd.s32 v0, v2  }
0x33: {  	[tilespmem:s0+$0x20] =	vst v2;
	v1 =	vadd.s32 v0, v1  }
0x34: {  	[tilespmem:s0+$0x30] =	vst v1;
	v1 =	vadd.s32 v0, v5  }
0x35: {  	[tilespmem:s0+$0x40] =	vst v1  }
0x36: {  	v1 =	vld [tilespmem:$0x4E20]  }
0x37: {  	v2 =	vld [tilespmem:$0x4E30]  }
0x38: {  	v3 =	vld [tilespmem:$0x4E40]  }
0x39: {  	v4 =	vld [tilespmem:$0x4E50]  }
0x3a: {  	v63 =	vld [tilespmem:$0x4E60]  }
0x3b: {  	v1 =	vadd.s32 v0, v1  }
0x3c: {  	[tilespmem:$0x9C40] =	vst v1;
	v1 =	vadd.s32 v0, v2  }
0x3d: {  	[tilespmem:$0x9C50] =	vst v1;
	v1 =	vadd.s32 v0, v3  }
0x3e: {  	[tilespmem:$0x9C60] =	vst v1;
	v1 =	vadd.s32 v0, v4  }
0x3f: {  	[tilespmem:$0x9C70] =	vst v1;
	v1 =	vadd.s32 v0, v63  }
0x40: {  	s30 =	simm.s32 $0x0;
	[tilespmem:$0x9C80] =	vst v1  }
0x41: {  	[tilespmem:s16], [sflag:$0x1] =	stream.indirect.gather [hbm4b:s2+s15], $0x40, s30, s15, $0xb8;
	[tilespmem:$0x1B9E0] =	vst v63  }
0x42: {  	_ = 	snop  }
0x43: {  	[tilespmem:s18], [sflag:$0x3] =	stream.indirect.gather [hbm4b:s5+s15], $0x20, s17, s15, $0xb8;
	[tilespmem:$0x1B9E0] =	vst v63  }
.LBB2_4:
0x44: {  	s31 =	sshllo.u32 s30, $0x1  }
0x45: {  	s0 =	smul.u32 $0x50, s31;
	_ =	sdelay $0x1  }
0x46: {  	v1 =	vld [tilespmem:s0+$0x4E20];
	_ =	sdelay $0x4  }
0x47: {  	v1 =	vadd.s32 v0, v1  }
0x48: {  	[tilespmem:$0x9C90] =	vst v1  }
0x49: {  	v1 =	vld [tilespmem:s0+$0x4E30];
	_ =	sdelay $0x4  }
0x4a: {  	v1 =	vadd.s32 v0, v1  }
0x4b: {  	[tilespmem:$0x9CA0] =	vst v1  }
0x4c: {  	v1 =	vld [tilespmem:s0+$0x4E40];
	_ =	sdelay $0x4  }
0x4d: {  	v1 =	vadd.s32 v0, v1  }
0x4e: {  	[tilespmem:$0x9CB0] =	vst v1  }
0x4f: {  	v1 =	vld [tilespmem:s0+$0x4E50];
	_ =	sdelay $0x4  }
0x50: {  	v1 =	vadd.s32 v0, v1  }
0x51: {  	[tilespmem:$0x9CC0] =	vst v1  }
0x52: {  	v1 =	vld [tilespmem:s0+$0x4E60];
	_ =	sdelay $0x4  }
0x53: {  	v1 =	vadd.s32 v0, v1  }
0x54: {  	s1 =	simm.s32 $0xB0E0;
	[tilespmem:$0x9CD0] =	vst v1  }
0x55: {  	[tilespmem:s1], [sflag:$0x2] =	stream.indirect.gather [hbm4b:s2+s15], $0x40, s0, s15, $0xb8;
	[tilespmem:$0x1B9E0] =	vst v63  }
0x56: {  	s12 =	simm.s32 $0x9C90  }
0x57: {  	[tilespmem:s21], [sflag:$0x4] =	stream.indirect.gather [hbm4b:s5+s15], $0x20, s12, s15, $0xb8;
	[tilespmem:$0x1B9E0] =	vst v63  }
0x58: {  	_ =	swait.ge [sflag:s22], $0x1400  }
0x59: {  	[sflag:s22] =	ssyncset.done $0x0  }
0x5a: {  	[sflag:s22] =	ssyncadd.s32 $0xFFFFEC00  }
0x5b: {  	_ =	swait.ge [sflag:s23], $0xA00  }
0x5c: {  	[sflag:s23] =	ssyncset.done $0x0  }
0x5d: {  	s6 =	simm.s32 $0x9D60;
	[sflag:s23] =	ssyncadd.s32 $0xFFFFF600  }
0x5e: {  	s4 =	simm.s32 $0xC520;
	v1 =	vld [tilespmem:s6+$0x40]  }
0x5f: {  	v2 =	vld [tilespmem:s4+$0x20];
	_ =	sdelay $0x4  }
0x60: {  	v3 =	vunpack.i.l.bf16.f32 v1;
	v4 =	vunpack.i.l.bf16.f32 v2  }
0x61: {  	v1 =	vunpack.i.u.bf16.f32 v1;
	v2 =	vunpack.i.u.bf16.f32 v2;
	v3 =	vmul.f32 v4, v3  }
0x62: {  	v1 =	vmul.f32 v2, v1  }
0x63: {  	(xrf2) =	vadd.scan.msk.f32 $0xffff, v3  }
0x64: {  	(xrf2) =	vadd.scan.msk.f32 $0xffff, v1;
	_ =	sdelay $0x5  }
0x65: {  	v2 =	vld [tilespmem:s6+$0xFFFFFF80]  }
0x66: {  	v1 =	vld [tilespmem:s4+$0xFFFFFFC0];
	_ =	sdelay $0x1  }
0x67: {  	v3, _, _ =	vpop (xrf2)  }
0x68: {  	v4, _, _ =	vpop (xrf2);
	(v2sf) =	vpush v3, $0xF;
	v3 =	vld [tilespmem:s6+$0xFFFFFFC0]  }
0x69: {  	(v2sf) =	vpush v4, $0xF;
	v4 =	vld [tilespmem:s4+$0xFFFFFFE0]  }
0x6a: {  	v6 =	vunpack.i.l.bf16.f32 v2;
	v5 =	vunpack.i.l.bf16.f32 v1  }
0x6b: {  	v5 =	vmul.f32 v5, v6  }
0x6c: {  	v2 =	vunpack.i.u.bf16.f32 v2;
	v1 =	vunpack.i.u.bf16.f32 v1  }
0x6d: {  	v1 =	vmul.f32 v1, v2;
	(xrf2) =	vadd.scan.msk.f32 $0xffff, v5  }
0x6e: {  	v2 =	vunpack.i.l.bf16.f32 v3;
	v5 =	vunpack.i.l.bf16.f32 v4  }
0x6f: {  	(xrf2) =	vadd.scan.msk.f32 $0xffff, v1;
	v1 =	vmul.f32 v5, v2;
	v5 =	vld [tilespmem:s4+$0x0];
	_ =	sdelay $0x1  }
0x70: {  	v3 =	vunpack.i.u.bf16.f32 v3;
	v4 =	vunpack.i.u.bf16.f32 v4;
	v2 =	vld [tilespmem:s6+$0x0]  }
0x71: {  	v3 =	vmul.f32 v4, v3  }
0x72: {  	(xrf2) =	vadd.scan.msk.f32 $0xffff, v1  }
0x73: {  	(xrf2) =	vadd.scan.msk.f32 $0xffff, v3;
	v3 =	vunpack.i.l.bf16.f32 v5;
	_ =	sdelay $0x1  }
0x74: {  	v1 =	vunpack.i.l.bf16.f32 v2  }
0x75: {  	v1 =	vmul.f32 v3, v1;
	s13 =	spop (v2sf);
	v3, _, _ =	vpop (xrf2)  }
0x76: {  	v2 =	vunpack.i.u.bf16.f32 v2;
	v4 =	vunpack.i.u.bf16.f32 v5;
	s0 =	smul.f32 $2.500000000e-01, s13;
	s14 =	spop (v2sf);
	(v2sf) =	vpush v3, $0xF  }
0x77: {  	v2 =	vmul.f32 v4, v2;
	v3, _, _ =	vpop (xrf2);
	s1 =	smul.f32 $2.500000000e-01, s14  }
0x78: {  	(xrf2) =	vadd.scan.msk.f32 $0xffff, v1;
	(v2sf) =	vpush v3, $0xF;
	v1 =	vmov s0  }
0x79: {  	(xrf2) =	vadd.scan.msk.f32 $0xffff, v2;
	v1 =	vmul.f32 $1.442695020e+00, v1;
	v2 =	vmov s1  }
0x7a: {  	v2 =	vmul.f32 $1.442695020e+00, v2  }
0x7b: {  	v3, _, _ =	vpop (xrf2);
	v1 =	vbroadcast v1, $0x0  }
0x7c: {  	(v2sf) =	vpush v3, $0xF;
	v2 =	vbroadcast v2, $0x0  }
0x7d: {  	v3, _, _ =	vpop (xrf2);
	(erf) = vpow2.f32 v1  }
0x7e: {  	(v2sf) =	vpush v3, $0xF;
	(erf) = vpow2.f32 v2;
	_ =	sdelay $0x2  }
0x7f: {  	v1 =	vld [tilespmem:s6+$0x60]  }
0x80: {  	v2, _, _ =	vpop (xrf2)  }
0x81: {  	(v2sf) =	vpush v2, $0xF;
	v2, _, _ =	vpop (xrf2)  }
0x82: {  	(v2sf) =	vpush v2, $0xF  }
0x83: {  	s19 =	spop (v2sf)  }
0x84: {  	v2 =	vunpack.i.l.bf16.f32 v1;
	v3 =	vpop (erf);
	s7 =	smul.f32 $2.500000000e-01, s19  }
0x85: {  	s1 =	simm.s32 $0x9E60;
	v1 =	vunpack.i.u.bf16.f32 v1;
	s20 =	spop (v2sf);
	v2 =	vmul.f32 v3, v2;
	v4 =	vpop (erf)  }
0x86: {  	s0 =	simm.s32 $0xD980;
	v6 =	vld [tilespmem:s1+$0x40];
	s8 =	smul.f32 $2.500000000e-01, s20;
	v1 =	vmul.f32 v4, v1;
	v5 =	vmov s7;
	s7 =	simm.s32 $0xC5A0  }
0x87: {  	[tilespmem:s0+$0x50] =	vst v2;
	v7 =	vld [tilespmem:s7+$0x20]  }
0x88: {  	v2 =	vmul.f32 $1.442695020e+00, v5;
	v5 =	vmov s8;
	[tilespmem:s0+$0x60] =	vst v1  }
0x89: {  	s29 =	spop (v2sf);
	v1 =	vmul.f32 $1.442695020e+00, v5;
	v5 =	vld [tilespmem:s6+$0x50]  }
0x8a: {  	s8 =	smul.f32 $2.500000000e-01, s29;
	v8 =	vld [tilespmem:s4+$0x30]  }
0x8b: {  	v10 =	vunpack.i.l.bf16.f32 v6;
	v6 =	vunpack.i.u.bf16.f32 v6;
	s9 =	spop (v2sf);
	v2 =	vbroadcast v2, $0x0  }
0x8c: {  	s9 =	smul.f32 $2.500000000e-01, s9;
	v1 =	vbroadcast v1, $0x0;
	v9 =	vmov s8;
	v11 =	vunpack.i.l.bf16.f32 v7  }
0x8d: {  	(erf) = vpow2.f32 v2;
	v7 =	vunpack.i.u.bf16.f32 v7;
	v10 =	vmul.f32 v11, v10  }
0x8e: {  	v2 =	vmul.f32 $1.442695020e+00, v9;
	v9 =	vmov s9;
	v6 =	vmul.f32 v7, v6  }
0x8f: {  	v9 =	vmul.f32 $1.442695020e+00, v9;
	v7 =	vunpack.i.l.bf16.f32 v5;
	v11 =	vunpack.i.l.bf16.f32 v8;
	(xrf2) =	vadd.scan.msk.f32 $0xffff, v10  }
0x90: {  	s10 =	spop (v2sf);
	v5 =	vunpack.i.u.bf16.f32 v5;
	v8 =	vunpack.i.u.bf16.f32 v8;
	v7 =	vmul.f32 v11, v7;
	v10 =	vld [tilespmem:s1+$0xFFFFFF80];
	(xrf2) =	vadd.scan.msk.f32 $0xffff, v6  }
0x91: {  	v12 =	vld [tilespmem:s7+$0xFFFFFFC0];
	v2 =	vbroadcast v2, $0x0;
	s8 =	smul.f32 $2.500000000e-01, s10;
	s11 =	spop (v2sf);
	v5 =	vmul.f32 v8, v5  }
0x92: {  	(erf) = vpow2.f32 v1;
	v1 =	vbroadcast v9, $0x0;
	s9 =	smul.f32 $2.500000000e-01, s11;
	(xrf2) =	vadd.scan.msk.f32 $0xffff, v7;
	v7 =	vld [tilespmem:s7+$0xFFFFFFE0]  }
0x93: {  	(erf) = vpow2.f32 v2;
	v6 =	vmov s8;
	(xrf2) =	vadd.scan.msk.f32 $0xffff, v5  }
0x94: {  	v2 =	vld [tilespmem:s1+$0xFFFFFFC0];
	(erf) = vpow2.f32 v1;
	v5 =	vmul.f32 $1.442695020e+00, v6;
	v6 =	vmov s9  }
0x95: {  	v1 =	vmul.f32 $1.442695020e+00, v6;
	v11 =	vunpack.i.l.bf16.f32 v10;
	v10 =	vunpack.i.u.bf16.f32 v10  }
0x96: {  	v14 =	vld [tilespmem:s7+$0x0];
	v9 =	vunpack.i.l.bf16.f32 v12;
	v6 =	vunpack.i.u.bf16.f32 v12;
	v5 =	vbroadcast v5, $0x0  }
0x97: {  	v8 =	vld [tilespmem:s6+$0xFFFFFFA0];
	v1 =	vbroadcast v1, $0x0;
	v9 =	vmul.f32 v9, v11;
	v12 =	vunpack.i.l.bf16.f32 v7  }
0x98: {  	v11 =	vld [tilespmem:s6+$0xFFFFFFE0];
	(erf) = vpow2.f32 v5;
	v5 =	vmul.f32 v6, v10;
	v10 =	vpop (erf)  }
0x99: {  	v6 =	vld [tilespmem:s6+$0x20];
	(xrf2) =	vadd.scan.msk.f32 $0xffff, v9;
	v9 =	vunpack.i.l.bf16.f32 v2;
	v13, _, _ =	vpop (xrf2)  }
0x9a: {  	v7 =	vunpack.i.u.bf16.f32 v7;
	(erf) = vpow2.f32 v1;
	v1 =	vld [tilespmem:s1+$0x0];
	v9 =	vmul.f32 v12, v9;
	v12, _, _ =	vpop (xrf2)  }
0x9b: {  	v17 =	vunpack.i.l.bf16.f32 v14;
	v2 =	vunpack.i.u.bf16.f32 v2;
	(xrf2) =	vadd.scan.msk.f32 $0xffff, v5;
	(v2sf) =	vpush v13, $0xF;
	v13 =	vpop (erf)  }
0x9c: {  	v2 =	vmul.f32 v7, v2;
	v5 =	vunpack.i.u.bf16.f32 v8;
	v8 =	vunpack.i.l.bf16.f32 v8;
	v15, _, _ =	vpop (xrf2)  }
0x9d: {  	(xrf2) =	vadd.scan.msk.f32 $0xffff, v9;
	v9 =	vunpack.i.u.bf16.f32 v11;
	v8 =	vmul.f32 v10, v8;
	(v2sf) =	vpush v15, $0xF;
	v7, _, _ =	vpop (xrf2)  }
0x9e: {  	v5 =	vmul.f32 v13, v5;
	(xrf2) =	vadd.scan.msk.f32 $0xffff, v2;
	v2 =	vunpack.i.u.bf16.f32 v6;
	(v2sf) =	vpush v7, $0xF  }
0x9f: {  	v15 =	vld [tilespmem:s1+$0xFFFFFFA0];
	v16 =	vunpack.i.l.bf16.f32 v1;
	v7 =	vunpack.i.l.bf16.f32 v11;
	v11 =	vpop (erf);
	(v2sf) =	vpush v12, $0xF  }
0xa0: {  	v6 =	vunpack.i.l.bf16.f32 v6;
	[tilespmem:s0+$0xFFFFFF60] =	vst v8;
	v8 =	vld [tilespmem:s1+$0x20];
	v1 =	vunpack.i.u.bf16.f32 v1;
	v16 =	vmul.f32 v17, v16;
	v20 =	vpop (erf)  }
0xa1: {  	[tilespmem:s0+$0xFFFFFF70] =	vst v5;
	v5 =	vunpack.i.u.bf16.f32 v14;
	v12 =	vld [tilespmem:s1+$0xFFFFFFE0];
	v7 =	vmul.f32 v11, v7;
	v9 =	vmul.f32 v20, v9  }
0xa2: {  	v17 =	vld [tilespmem:s6+$0xFFFFFF90];
	v1 =	vmul.f32 v5, v1;
	v21 =	vpop (erf)  }
0xa3: {  	(xrf2) =	vadd.scan.msk.f32 $0xffff, v16;
	v24 =	vpop (erf);
	v5 =	vmul.f32 v21, v6;
	[tilespmem:s0+$0xFFFFFFB0] =	vst v7;
	v7 =	vld [tilespmem:s4+$0xFFFFFFD0]  }
0xa4: {  	v3 =	vnsel vm0, $0x0, v3;
	v6, _, _ =	vpop (xrf2);
	v2 =	vmul.f32 v24, v2;
	[tilespmem:s0+$0xFFFFFFC0] =	vst v9;
	(xrf2) =	vadd.scan.msk.f32 $0xffff, v1  }
0xa5: {  	v19 =	vunpack.i.l.bf16.f32 v15;
	(v2sf) =	vpush v6, $0xF;
	v6 =	vunpack.i.u.bf16.f32 v15;
	v16 =	vld [tilespmem:s6+$0xFFFFFFD0];
	[tilespmem:s0+$0x0] =	vst v5;
	v9, _, _ =	vpop (xrf2)  }
0xa6: {  	v1 =	vld [tilespmem:s4+$0xFFFFFFF0];
	v5 =	vunpack.i.u.bf16.f32 v8;
	v15 =	vunpack.i.l.bf16.f32 v8;
	[tilespmem:s0+$0x10] =	vst v2;
	(v2sf) =	vpush v9, $0xF  }
0xa7: {  	v8 =	vnsel vm0, $0x0, v10;
	v14 =	vunpack.i.u.bf16.f32 v12;
	v18 =	vunpack.i.l.bf16.f32 v12;
	v2 =	vld [tilespmem:s6+$0x10];
	v9, _, _ =	vpop (xrf2)  }
0xa8: {  	v10 =	vunpack.i.l.bf16.f32 v17;
	v12 =	vld [tilespmem:s4+$0x10];
	v22 =	vunpack.i.l.bf16.f32 v7;
	(v2sf) =	vpush v9, $0xF  }
0xa9: {  	v9 =	vunpack.i.u.bf16.f32 v17;
	v7 =	vunpack.i.u.bf16.f32 v7;
	v17, _, _ =	vpop (xrf2);
	v10 =	vmul.f32 v22, v10  }
0xaa: {  	(v2sf) =	vpush v17, $0xF;
	v7 =	vmul.f32 v7, v9;
	v22 =	vunpack.i.u.bf16.f32 v16  }
0xab: {  	v16 =	vunpack.i.l.bf16.f32 v16;
	v17 =	vunpack.i.u.bf16.f32 v1;
	v1 =	vunpack.i.l.bf16.f32 v1;
	s12 =	spop (v2sf)  }
0xac: {  	v1 =	vmul.f32 v1, v16;
	v17 =	vmul.f32 v17, v22;
	(xrf2) =	vadd.scan.msk.f32 $0xffff, v10;
	v9 =	vunpack.i.u.bf16.f32 v2;
	s4 =	smul.f32 $2.500000000e-01, s12;
	s13 =	spop (v2sf)  }
0xad: {  	v2 =	vunpack.i.l.bf16.f32 v2;
	v16 =	vunpack.i.u.bf16.f32 v12;
	v12 =	vunpack.i.l.bf16.f32 v12;
	v22, _, _ =	vpop (xrf2);
	s8 =	smul.f32 $2.500000000e-01, s13;
	s14 =	spop (v2sf)  }
0xae: {  	v12 =	vmul.f32 v12, v2;
	(v2sf) =	vpush v22, $0xF;
	v2 =	vmov s4;
	s19 =	spop (v2sf);
	s9 =	smul.f32 $2.500000000e-01, s14  }
0xaf: {  	(xrf2) =	vadd.scan.msk.f32 $0xffff, v7;
	v9 =	vmul.f32 v16, v9;
	v7, _, _ =	vpop (xrf2);
	v2 =	vmul.f32 $1.442695020e+00, v2;
	s4 =	smul.f32 $2.500000000e-01, s19;
	v10 =	vmov s8  }
0xb0: {  	v23 =	vld [tilespmem:s6+$0xFFFFFFB0];
	(xrf2) =	vadd.scan.msk.f32 $0xffff, v1;
	(v2sf) =	vpush v7, $0xF;
	v1 =	vmul.f32 $1.442695020e+00, v10;
	v7 =	vmov s9  }
0xb1: {  	v16 =	vld [tilespmem:s6+$0xFFFFFFF0];
	(xrf2) =	vadd.scan.msk.f32 $0xffff, v17;
	v2 =	vbroadcast v2, $0x0;
	v10 =	vmov s4;
	v7 =	vmul.f32 $1.442695020e+00, v7  }
0xb2: {  	v3 =	vsel vm1, v3, v4;
	v10 =	vmul.f32 $1.442695020e+00, v10;
	v1 =	vbroadcast v1, $0x0  }
0xb3: {  	v11 =	vnsel vm0, $0x0, v11;
	v25 =	vld [tilespmem:s6+$0x30];
	(erf) = vpow2.f32 v2;
	v2 =	vbroadcast v7, $0x0  }
0xb4: {  	s20 =	spop (v2sf);
	v7 =	vnsel vm0, $0x0, v21;
	v21 =	vbroadcast v10, $0x0;
	(erf) = vpow2.f32 v1  }
0xb5: {  	v26 =	vsel vm1, v8, v13;
	v17 =	vunpack.i.u.bf16.f32 v23;
	s4 =	smul.f32 $2.500000000e-01, s20;
	s29 =	spop (v2sf);
	(erf) = vpow2.f32 v2  }
0xb6: {  	v23 =	vunpack.i.l.bf16.f32 v23;
	v22 =	vunpack.i.l.bf16.f32 v16;
	v8, _, _ =	vpop (xrf2);
	s8 =	smul.f32 $2.500000000e-01, s29;
	(erf) = vpow2.f32 v21  }
0xb7: {  	(xrf2) =	vadd.scan.msk.f32 $0xffff, v12;
	s14 =	simm.s32 $0x9F60;
	v10 =	vunpack.i.u.bf16.f32 v16;
	(v2sf) =	vpush v8, $0xF;
	v1 =	vmov s4;
	s9 =	spop (v2sf)  }
0xb8: {  	v33 =	vld [tilespmem:s14+$0x0];
	v2 =	vunpack.i.u.bf16.f32 v25;
	v21 =	vmul.f32 $1.442695020e+00, v1;
	s4 =	smul.f32 $2.500000000e-01, s9;
	v16 =	vmov s8  }
0xb9: {  	v13 =	vld [tilespmem:s1+$0x60];
	v1 =	vunpack.i.l.bf16.f32 v25;
	s10 =	spop (v2sf);
	v12 =	vmul.f32 $1.442695020e+00, v16;
	v16 =	vsel vm1, v7, v24;
	v7, _, _ =	vpop (xrf2)  }
0xba: {  	v25 =	vsel vm1, v11, v20;
	s11 =	smul.f32 $2.500000000e-01, s10;
	v11 =	vbroadcast v21, $0x0;
	v20 =	vmov s4;
	v8, _, _ =	vpop (xrf2)  }
0xbb: {  	(xrf2) =	vadd.scan.msk.f32 $0xffff, v9;
	(v2sf) =	vpush v7, $0xF;
	v7 =	vmul.f32 $1.442695020e+00, v20;
	v12 =	vbroadcast v12, $0x0;
	v9, _, _ =	vpop (xrf2)  }
0xbc: {  	(erf) = vpow2.f32 v11;
	(v2sf) =	vpush v8, $0xF;
	v8 =	vmov s11;
	v24 =	vpop (erf)  }
0xbd: {  	v37 =	vunpack.i.u.bf16.f32 v33;
	s8 =	simm.s32 $0xC620;
	v11 =	vld [tilespmem:s14+$0x40];
	v7 =	vbroadcast v7, $0x0;
	v8 =	vmul.f32 $1.442695020e+00, v8;
	s12 =	spop (v2sf);
	v28 =	vpop (erf)  }
0xbe: {  	v4 =	vld [tilespmem:s8+$0x20];
	(v2sf) =	vpush v9, $0xF;
	v9 =	vunpack.i.l.bf16.f32 v13;
	v13 =	vunpack.i.u.bf16.f32 v13;
	s4 =	smul.f32 $2.500000000e-01, s12;
	v29 =	vpop (erf)  }
0xbf: {  	v20 =	vld [tilespmem:s8+$0xFFFFFFC0];
	(erf) = vpow2.f32 v12;
	v9 =	vmul.f32 v24, v9;
	v12 =	vsel vm2, v3, v28;
	v3 =	vpop (erf)  }
0xc0: {  	s13 =	spop (v2sf);
	v8 =	vbroadcast v8, $0x0;
	v21 =	vmov s4;
	s4 =	simm.s32 $0xDAC0;
	v13 =	vmul.f32 v3, v13  }
0xc1: {  	v33 =	vunpack.i.l.bf16.f32 v33;
	(erf) = vpow2.f32 v7;
	s9 =	smul.f32 $2.500000000e-01, s13;
	v27 =	vsel vm3, v12, v29;
	v7, _, _ =	vpop (xrf2);
	v12 =	vld [tilespmem:s14+$0xFFFFFFC0];
	[tilespmem:s4+$0x50] =	vst v9  }
0xc2: {  	(erf) = vpow2.f32 v8;
	v8 =	vunpack.i.l.bf16.f32 v11;
	(v2sf) =	vpush v7, $0xF;
	v7 =	vld [tilespmem:s8+$0xFFFFFFE0];
	[tilespmem:s4+$0x60] =	vst v13  }
0xc3: {  	v21 =	vmul.f32 $1.442695020e+00, v21;
	v9 =	vmov s9;
	v13 =	vunpack.i.l.bf16.f32 v4;
	v30 =	vld [tilespmem:s1+$0x50]  }
0xc4: {  	v32 =	vunpack.i.u.bf16.f32 v20;
	v9 =	vmul.f32 $1.442695020e+00, v9;
	v8 =	vmul.f32 v13, v8;
	v13 =	vld [tilespmem:s7+$0x30]  }
0xc5: {  	v11 =	vunpack.i.u.bf16.f32 v11;
	v21 =	vbroadcast v21, $0x0;
	v4 =	vunpack.i.u.bf16.f32 v4;
	v31, _, _ =	vpop (xrf2)  }
0xc6: {  	v35 =	vld [tilespmem:s14+$0xFFFFFF80];
	v9 =	vbroadcast v9, $0x0;
	v4 =	vmul.f32 v4, v11;
	(v2sf) =	vpush v31, $0xF  }
0xc7: {  	v34 =	vld [tilespmem:s8+$0x0];
	v31 =	vunpack.i.u.bf16.f32 v12;
	v12 =	vunpack.i.l.bf16.f32 v12;
	(erf) = vpow2.f32 v21  }
0xc8: {  	v36 =	vunpack.i.u.bf16.f32 v7;
	v7 =	vunpack.i.l.bf16.f32 v7;
	(erf) = vpow2.f32 v9  }
0xc9: {  	v38 =	vld [tilespmem:s14+$0x20];
	(xrf2) =	vadd.scan.msk.f32 $0xffff, v8;
	v21 =	vmul.f32 v7, v12;
	v7 =	vunpack.i.l.bf16.f32 v30;
	v12 =	vunpack.i.l.bf16.f32 v13  }
0xca: {  	v47 =	vld [tilespmem:s14+$0xFFFFFFE0];
	s19 =	spop (v2sf);
	v48 =	vpop (erf);
	v8 =	vunpack.i.u.bf16.f32 v30;
	v9 =	vunpack.i.u.bf16.f32 v13;
	v7 =	vmul.f32 v12, v7  }
0xcb: {  	v20 =	vunpack.i.l.bf16.f32 v20;
	s9 =	smul.f32 $2.500000000e-01, s19;
	v19 =	vmul.f32 v48, v19;
	(xrf2) =	vadd.scan.msk.f32 $0xffff, v4;
	v8 =	vmul.f32 v9, v8  }
0xcc: {  	v11 =	vld [tilespmem:s14+$0xFFFFFFA0];
	v31 =	vmul.f32 v36, v31;
	v4 =	vunpack.i.u.bf16.f32 v34;
	v13 =	vunpack.i.l.bf16.f32 v35;
	(xrf2) =	vadd.scan.msk.f32 $0xffff, v7  }
0xcd: {  	v49 =	vmov s9;
	v4 =	vmul.f32 v4, v37;
	v20 =	vmul.f32 v20, v13;
	(xrf2) =	vadd.scan.msk.f32 $0xffff, v8  }
0xce: {  	s10 =	spop (v2sf);
	v12 =	vunpack.i.u.bf16.f32 v35;
	v9 =	vunpack.i.l.bf16.f32 v34;
	v34 =	vpop (erf);
	v13 =	vunpack.i.l.bf16.f32 v38  }
0xcf: {  	s10 =	smul.f32 $2.500000000e-01, s10;
	s11 =	spop (v2sf);
	v30 =	vmul.f32 v32, v12;
	v33 =	vmul.f32 v9, v33;
	v9 =	vunpack.i.u.bf16.f32 v47;
	v35 =	vpop (erf)  }
0xd0: {  	s11 =	smul.f32 $2.500000000e-01, s11;
	v12 =	vunpack.i.l.bf16.f32 v47;
	v6 =	vmul.f32 v34, v6;
	v32 =	vnsel vm0, $0x0, v48;
	v36 =	vpop (erf);
	(xrf2) =	vadd.scan.msk.f32 $0xffff, v20  }
0xd1: {  	[tilespmem:s4+$0xFFFFFF60] =	vst v19;
	v7 =	vunpack.i.u.bf16.f32 v11;
	v11 =	vunpack.i.l.bf16.f32 v11;
	v18 =	vmul.f32 v35, v18;
	v20 =	vpop (erf)  }
0xd2: {  	s12 =	spop (v2sf);
	v48 =	vld [tilespmem:s6+$0x70];
	v50 =	vmov s10;
	v35 =	vnsel vm0, $0x0, v35;
	v19 =	vmov s11;
	v40 =	vpop (erf);
	(xrf2) =	vadd.scan.msk.f32 $0xffff, v30  }
0xd3: {  	s12 =	smul.f32 $2.500000000e-01, s12;
	v8 =	vunpack.i.u.bf16.f32 v38;
	v14 =	vmul.f32 v36, v14;
	[tilespmem:s4+$0xFFFFFF70] =	vst v6;
	v30, _, _ =	vpop (xrf2);
	v5 =	vmul.f32 v40, v5  }
0xd4: {  	v6 =	vmul.f32 $1.442695020e+00, v49;
	v51 =	vmul.f32 $1.442695020e+00, v50;
	[tilespmem:s4+$0xFFFFFFB0] =	vst v18;
	(v2sf) =	vpush v30, $0xF  }
0xd5: {  	v39 =	vmov s12;
	v18 =	vmul.f32 $1.442695020e+00, v19;
	v42 =	vld [tilespmem:s7+$0xFFFFFFD0];
	v15 =	vmul.f32 v20, v15;
	[tilespmem:s4+$0xFFFFFFC0] =	vst v14;
	v19, _, _ =	vpop (xrf2)  }
0xd6: {  	v59 =	vld [tilespmem:s1+$0xFFFFFFB0];
	v14 =	vmul.f32 $1.442695020e+00, v39;
	v6 =	vbroadcast v6, $0x0;
	v46 =	vnsel vm0, $0x0, v20;
	v53, _, _ =	vpop (xrf2);
	(xrf2) =	vadd.scan.msk.f32 $0xffff, v21  }
0xd7: {  	s20 =	spop (v2sf);
	v43 =	vld [tilespmem:s1+$0xFFFFFFD0];
	v18 =	vbroadcast v18, $0x0;
	v50 =	vunpack.i.u.bf16.f32 v48;
	[tilespmem:s4+$0x10] =	vst v5;
	(v2sf) =	vpush v53, $0xF;
	v5, _, _ =	vpop (xrf2)  }
0xd8: {  	s9 =	smul.f32 $2.500000000e-01, s20;
	[tilespmem:s4+$0x0] =	vst v15;
	v15 =	vbroadcast v51, $0x0;
	v55 =	vbroadcast v14, $0x0;
	(v2sf) =	vpush v5, $0xF  }
0xd9: {  	v20 =	vsel vm1, v35, v36;
	v30 =	vld [tilespmem:s7+$0xFFFFFFF0];
	(erf) = vpow2.f32 v6;
	v29 =	vmul.f32 v29, v50;
	(xrf2) =	vadd.scan.msk.f32 $0xffff, v31  }
0xda: {  	v41 =	vld [tilespmem:s1+$0xFFFFFF90];
	v52 =	vmov s9;
	v56 =	vunpack.i.l.bf16.f32 v42;
	v57, _, _ =	vpop (xrf2);
	(v2sf) =	vpush v19, $0xF  }
0xdb: {  	v54 =	vld [tilespmem:s1+$0x10];
	(erf) = vpow2.f32 v15;
	v6 =	vunpack.i.l.bf16.f32 v59;
	(v2sf) =	vpush v57, $0xF  }
0xdc: {  	v14 =	vld [tilespmem:s7+$0x10];
	s29 =	spop (v2sf);
	v38 =	vmul.f32 $1.442695020e+00, v52;
	(erf) = vpow2.f32 v18;
	v58 =	vunpack.i.u.bf16.f32 v43;
	(xrf2) =	vadd.scan.msk.f32 $0xffff, v33;
	v61, _, _ =	vpop (xrf2)  }
0xdd: {  	v63 =	vld [tilespmem:s1+$0x30];
	s9 =	smul.f32 $2.500000000e-01, s29;
	v43 =	vunpack.i.l.bf16.f32 v43;
	(erf) = vpow2.f32 v55;
	(v2sf) =	vpush v61, $0xF  }
0xde: {  	v44 =	vunpack.i.u.bf16.f32 v30;
	v30 =	vunpack.i.l.bf16.f32 v30;
	v38 =	vbroadcast v38, $0x0  }
0xdf: {  	v21 =	vmov s9;
	v31 =	vunpack.i.u.bf16.f32 v42;
	v30 =	vmul.f32 v30, v43;
	(xrf2) =	vadd.scan.msk.f32 $0xffff, v4  }
0xe0: {  	v21 =	vmul.f32 $1.442695020e+00, v21;
	v5 =	vunpack.i.u.bf16.f32 v41;
	v60 =	vunpack.i.l.bf16.f32 v54;
	v4, _, _ =	vpop (xrf2)  }
0xe1: {  	v62 =	vunpack.i.l.bf16.f32 v14;
	v19 =	vunpack.i.l.bf16.f32 v41;
	(v2sf) =	vpush v4, $0xF  }
0xe2: {  	v14 =	vunpack.i.u.bf16.f32 v14;
	v18 =	vunpack.i.l.bf16.f32 v63;
	v19 =	vmul.f32 v56, v19  }
0xe3: {  	(erf) = vpow2.f32 v38;
	v31 =	vmul.f32 v31, v5;
	v5 =	vunpack.i.u.bf16.f32 v54;
	s7 =	spop (v2sf);
	v15, _, _ =	vpop (xrf2)  }
0xe4: {  	v41 =	vmul.f32 v44, v58;
	v33 =	vmul.f32 v62, v60;
	(xrf2) =	vadd.scan.msk.f32 $0xffff, v19;
	s6 =	smul.f32 $2.500000000e-01, s7;
	(v2sf) =	vpush v15, $0xF  }
0xe5: {  	v49 =	vmul.f32 v14, v5;
	v5 =	vunpack.i.u.bf16.f32 v59;
	(xrf2) =	vadd.scan.msk.f32 $0xffff, v31;
	v31 =	vunpack.i.l.bf16.f32 v48  }
0xe6: {  	v47 =	vbroadcast v21, $0x0;
	v51, _, _ =	vpop (xrf2);
	v28 =	vmul.f32 v28, v31;
	v31 =	vmov s6;
	s9 =	spop (v2sf)  }
0xe7: {  	v14 =	vunpack.i.u.bf16.f32 v63;
	v54 =	vpop (erf);
	(xrf2) =	vadd.scan.msk.f32 $0xffff, v30;
	v30 =	vmul.f32 $1.442695020e+00, v31;
	(v2sf) =	vpush v51, $0xF;
	s7 =	smul.f32 $2.500000000e-01, s9;
	s10 =	spop (v2sf)  }
0xe8: {  	v21 =	vsel vm1, v32, v34;
	v26 =	vsel vm2, v26, v54;
	v23 =	vmul.f32 v54, v23;
	s9 =	smul.f32 $2.500000000e-01, s10  }
0xe9: {  	v45 =	vld [tilespmem:s1+$0xFFFFFFF0];
	(erf) = vpow2.f32 v47;
	v31, _, _ =	vpop (xrf2);
	v30 =	vbroadcast v30, $0x0;
	(xrf2) =	vadd.scan.msk.f32 $0xffff, v41;
	s11 =	spop (v2sf);
	v52 =	vmov s7  }
0xea: {  	v56 =	vpop (erf);
	(v2sf) =	vpush v31, $0xF;
	s6 =	smul.f32 $2.500000000e-01, s11;
	s12 =	spop (v2sf);
	v31 =	vmul.f32 $1.442695020e+00, v52;
	v53 =	vmov s9  }
0xeb: {  	[tilespmem:s0+$0x80] =	vst v29;
	v29 =	vmul.f32 v56, v17;
	v61 =	vsel vm3, v26, v56;
	s7 =	smul.f32 $2.500000000e-01, s12;
	v32 =	vmul.f32 $1.442695020e+00, v53  }
0xec: {  	(erf) = vpow2.f32 v30;
	s13 =	spop (v2sf);
	v55 =	vmov s6;
	v31 =	vbroadcast v31, $0x0  }
0xed: {  	s6 =	smul.f32 $2.500000000e-01, s13;
	v35 =	vmul.f32 $1.442695020e+00, v55;
	v58 =	vmov s7;
	v30 =	vbroadcast v32, $0x0  }
0xee: {  	[tilespmem:s0+$0x90] =	vst v27;
	v59 =	vpop (erf);
	v19 =	vunpack.i.u.bf16.f32 v45;
	v27 =	vmul.f32 $1.442695020e+00, v58;
	(erf) = vpow2.f32 v31  }
0xef: {  	[tilespmem:s0+$0x70] =	vst v28;
	v57, _, _ =	vpop (xrf2);
	v28 =	vmov s6;
	v35 =	vbroadcast v35, $0x0;
	(erf) = vpow2.f32 v30  }
0xf0: {  	v4 =	vunpack.i.l.bf16.f32 v45;
	(v2sf) =	vpush v57, $0xF;
	v60, _, _ =	vpop (xrf2);
	v28 =	vmul.f32 $1.442695020e+00, v28;
	s19 =	spop (v2sf)  }
0xf1: {  	(xrf2) =	vadd.scan.msk.f32 $0xffff, v33;
	(v2sf) =	vpush v60, $0xF;
	v26, _, _ =	vpop (xrf2);
	v27 =	vbroadcast v27, $0x0;
	(erf) = vpow2.f32 v35;
	s6 =	smul.f32 $2.500000000e-01, s19  }
0xf2: {  	v15 =	vsel vm1, v46, v40;
	(v2sf) =	vpush v26, $0xF;
	v30 =	vsel vm2, v25, v59;
	v31 =	vpop (erf)  }
0xf3: {  	[tilespmem:s0+$0xFFFFFF80] =	vst v23;
	v33 =	vld [tilespmem:s14+$0x60];
	v28 =	vbroadcast v28, $0x0;
	v32, _, _ =	vpop (xrf2);
	(erf) = vpow2.f32 v27;
	s20 =	spop (v2sf);
	v62 =	vmov s6  }
0xf4: {  	[tilespmem:s0+$0xFFFFFFA0] =	vst v61;
	v25 =	vpop (erf);
	v27 =	vmul.f32 v59, v22;
	v26 =	vsel vm3, v30, v31;
	s29 =	smul.f32 $2.500000000e-01, s20;
	v63 =	vmul.f32 $1.442695020e+00, v62  }
0xf5: {  	s10 =	simm.s32 $0xDAC0;
	s11 =	simm.s32 $0x8;
	s9 =	simm.s32 $0xC620;
	(xrf2) =	vadd.scan.msk.f32 $0xffff, v49;
	v30 =	vnsel vm0, $0x0, v24;
	v16 =	vsel vm2, v16, v25;
	v17 =	vpop (erf);
	(erf) = vpow2.f32 v28  }
0xf6: {  	[tilespmem:s0+$0xFFFFFF90] =	vst v29;
	s7 =	simm.s32 $0xA060;
	v28 =	vmul.f32 v31, v10;
	s6 =	sshll.u32 s30, $0x1;
	v10 =	vpop (erf);
	v23 =	vmov s29;
	s12 =	spop (v2sf);
	v22 =	vbroadcast v63, $0x0  }
.LBB2_5:
0xf7: {  	v31 =	vld [tilespmem:s7+$0x40];
	v29 =	vmul.f32 $1.442695020e+00, v23;
	s12 =	smul.f32 $2.500000000e-01, s12;
	s8 =	sadd.s32 $0x80, s8;
	v34 =	vsel vm1, v30, v3;
	(v2sf) =	vpush v32, $0xF;
	v23 =	vpop (erf);
	[tilespmem:s0+$0xFFFFFFD0] =	vst v27  }
0xf8: {  	v30 =	vld [tilespmem:s8+$0x20];
	v27 =	vunpack.i.l.bf16.f32 v33;
	(erf) = vpow2.f32 v22;
	v35 =	vsel vm2, v34, v23;
	v24 =	vpop (erf);
	[tilespmem:s0+$0xFFFFFFE0] =	vst v28  }
0xf9: {  	v25 =	vmul.f32 v25, v1;
	v28 =	vunpack.i.u.bf16.f32 v33;
	v27 =	vmul.f32 v10, v27;
	s13 =	spop (v2sf)  }
0xfa: {  	v32 =	vld [tilespmem:s8+$0xFFFFFFC0];
	v3 =	vpop (erf);
	v34 =	vsel vm3, v35, v24;
	[tilespmem:s0+$0xFFFFFFF0] =	vst v26;
	v26 =	vbroadcast v29, $0x0;
	v29 =	vmov s12;
	s12 =	smul.f32 $2.500000000e-01, s13  }
0xfb: {  	s10 =	sadd.s32 $0x140, s10;
	v41 =	vmul.f32 v17, v2;
	v36 =	vmul.f32 v3, v28;
	v28 =	vld [tilespmem:s1+$0x70];
	[tilespmem:s4+$0x90] =	vst v34;
	v22, _, _ =	vpop (xrf2);
	s1 =	smov.u32 s14  }
0xfc: {  	v1 =	vmovc v18;
	v35 =	vmul.f32 $1.442695020e+00, v29;
	s14 =	smov.u32 s7;
	v34 =	vld [tilespmem:s7+$0xFFFFFFC0];
	[tilespmem:s10+$0x50] =	vst v27;
	(v2sf) =	vpush v22, $0xF;
	v22 =	vmovc v19;
	v19 =	vmov s12  }
0xfd: {  	v18 =	vld [tilespmem:s8+$0xFFFFFFE0];
	[tilespmem:s10+$0x60] =	vst v36;
	v33 =	vpop (erf);
	(erf) = vpow2.f32 v26;
	v26 =	vunpack.i.l.bf16.f32 v31;
	v42 =	vunpack.i.l.bf16.f32 v30  }
0xfe: {  	[tilespmem:s0+$0x20] =	vst v25;
	v25 =	vmul.f32 v42, v26  }
0xff: {  	v19 =	vmul.f32 $1.442695020e+00, v19;
	v36 =	vld [tilespmem:s1+$0x50];
	s12 =	spop (v2sf);
	v37, _, _ =	vpop (xrf2)  }
0x100: {  	v38 =	vunpack.i.u.bf16.f32 v32;
	v32 =	vunpack.i.l.bf16.f32 v32;
	v39 =	vld [tilespmem:s9+$0x30];
	v29 =	vpop (erf);
	s12 =	smul.f32 $2.500000000e-01, s12;
	[tilespmem:s0+$0x30] =	vst v41;
	v26 =	vbroadcast v35, $0x0  }
0x101: {  	v2 =	vmovc v14;
	v27 =	vmov v21;
	v40 =	vld [tilespmem:s7+$0x0];
	v19 =	vbroadcast v19, $0x0;
	s13 =	spop (v2sf);
	(v2sf) =	vpush v37, $0xF  }
0x102: {  	v30 =	vunpack.i.u.bf16.f32 v30;
	v37 =	vunpack.i.u.bf16.f32 v31;
	v21 =	vunpack.i.u.bf16.f32 v34;
	v35 =	vld [tilespmem:s8+$0x0];
	(xrf2) =	vadd.scan.msk.f32 $0xffff, v25;
	s13 =	smul.f32 $2.500000000e-01, s13;
	v25 =	vmovc v20  }
0x103: {  	v31 =	vunpack.i.l.bf16.f32 v34;
	v30 =	vmul.f32 v30, v37;
	v34 =	vunpack.i.u.bf16.f32 v18;
	v20 =	vld [tilespmem:s7+$0xFFFFFF80];
	v14 =	vpop (erf)  }
0x104: {  	v18 =	vunpack.i.l.bf16.f32 v18;
	v21 =	vmul.f32 v34, v21;
	v37 =	vld [tilespmem:s7+$0xFFFFFFA0];
	(erf) = vpow2.f32 v26;
	v26 =	vmovc v15  }
0x105: {  	v18 =	vmul.f32 v18, v31;
	v43 =	vunpack.i.l.bf16.f32 v36;
	v34 =	vld [tilespmem:s7+$0xFFFFFFE0];
	(xrf2) =	vadd.scan.msk.f32 $0xffff, v30;
	v30 =	vunpack.i.l.bf16.f32 v39;
	s29 =	spop (v2sf)  }
0x106: {  	v41 =	vunpack.i.u.bf16.f32 v40;
	v40 =	vunpack.i.l.bf16.f32 v40;
	v31 =	vld [tilespmem:s7+$0x20];
	v30 =	vmul.f32 v30, v43;
	s29 =	smul.f32 $2.500000000e-01, s29  }
0x107: {  	s11 =	sadd.s32 $0x4, s11;
	v42 =	vunpack.i.u.bf16.f32 v35;
	v35 =	vunpack.i.l.bf16.f32 v35;
	v15 =	vpop (erf);
	(erf) = vpow2.f32 v19  }
0x108: {  	p0 =	slt.u32 s11, $0x4C;
	v36 =	vunpack.i.u.bf16.f32 v36;
	v39 =	vunpack.i.u.bf16.f32 v39;
	v19 =	vunpack.i.u.bf16.f32 v20;
	(xrf2) =	vadd.scan.msk.f32 $0xffff, v30;
	s19 =	spop (v2sf)  }
0x109: {  	v20 =	vunpack.i.l.bf16.f32 v20;
	v30 =	vmul.f32 v39, v36;
	v19 =	vmul.f32 v38, v19;
	s19 =	smul.f32 $2.500000000e-01, s19  }
0x10a: {  	v36 =	vunpack.i.u.bf16.f32 v37;
	v20 =	vmul.f32 v32, v20;
	v32 =	vmul.f32 v35, v40  }
0x10b: {  	v35 =	vunpack.i.l.bf16.f32 v37;
	v38 =	vmul.f32 v42, v41;
	v37 =	vunpack.i.u.bf16.f32 v34;
	(xrf2) =	vadd.scan.msk.f32 $0xffff, v30  }
0x10c: {  	v30 =	vunpack.i.l.bf16.f32 v34;
	v34 =	vunpack.i.u.bf16.f32 v31;
	v31 =	vunpack.i.l.bf16.f32 v31;
	v39, _, _ =	vpop (xrf2);
	s20 =	spop (v2sf)  }
0x10d: {  	v11 =	vmul.f32 v33, v11;
	v44 =	vmul.f32 v29, v7;
	v42 =	vmov s12;
	v41 =	vpop (erf);
	s12 =	smul.f32 $2.500000000e-01, s20  }
0x10e: {  	v12 =	vmul.f32 v14, v12;
	v9 =	vmul.f32 v15, v9;
	v7 =	vmovc v36;
	(xrf2) =	vadd.scan.msk.f32 $0xffff, v20;
	v20 =	vmov s13  }
0x10f: {  	v46 =	vmov s29;
	v43 =	vmov s19;
	v13 =	vmul.f32 v41, v13;
	v36, _, _ =	vpop (xrf2);
	[tilespmem:s10+$0xFFFFFF60] =	vst v11  }
0x110: {  	v42 =	vmul.f32 $1.442695020e+00, v42;
	v20 =	vmul.f32 $1.442695020e+00, v20;
	[tilespmem:s10+$0xFFFFFF70] =	vst v44;
	v40 =	vpop (erf);
	v44 =	vmov s12;
	s12 =	spop (v2sf)  }
0x111: {  	v45 =	vmul.f32 $1.442695020e+00, v46;
	v11 =	vmovc v35;
	(xrf2) =	vadd.scan.msk.f32 $0xffff, v19;
	v19 =	vld [tilespmem:s1+$0xFFFFFF90];
	[tilespmem:s10+$0xFFFFFFB0] =	vst v12;
	v48 =	vmul.f32 v40, v8;
	s12 =	smul.f32 $2.500000000e-01, s12  }
0x112: {  	v33 =	vnsel vm0, $0x0, v33;
	v43 =	vmul.f32 $1.442695020e+00, v43;
	v44 =	vmul.f32 $1.442695020e+00, v44;
	v35 =	vld [tilespmem:s9+$0xFFFFFFD0];
	[tilespmem:s10+$0xFFFFFFC0] =	vst v9;
	v46, _, _ =	vpop (xrf2)  }
0x113: {  	v42 =	vbroadcast v42, $0x0;
	v20 =	vbroadcast v20, $0x0;
	v12 =	vmovc v30;
	v9 =	vmovc v37;
	v47 =	vld [tilespmem:s1+$0xFFFFFFD0];
	[tilespmem:s10+$0x0] =	vst v13;
	v49 =	vmov s12  }
0x114: {  	v8 =	vmovc v34;
	(xrf2) =	vadd.scan.msk.f32 $0xffff, v18;
	(v2sf) =	vpush v39, $0xF;
	v18 =	vld [tilespmem:s9+$0xFFFFFFF0];
	[tilespmem:s10+$0x10] =	vst v48;
	v30 =	vmul.f32 $1.442695020e+00, v49  }
0x115: {  	v37 =	vbroadcast v45, $0x0;
	v39 =	vbroadcast v43, $0x0;
	v34 =	vld [tilespmem:s1+$0x10];
	(v2sf) =	vpush v46, $0xF;
	v13, _, _ =	vpop (xrf2)  }
0x116: {  	v43 =	vunpack.i.u.bf16.f32 v19;
	v19 =	vunpack.i.l.bf16.f32 v19;
	v45 =	vld [tilespmem:s9+$0x10];
	(v2sf) =	vpush v13, $0xF;
	v13 =	vmovc v31;
	s9 =	smov.u32 s8  }
0x117: {  	(xrf2) =	vadd.scan.msk.f32 $0xffff, v21;
	(v2sf) =	vpush v36, $0xF;
	v21 =	vld [tilespmem:s1+$0xFFFFFFB0];
	v31 =	vunpack.i.u.bf16.f32 v35;
	v35 =	vunpack.i.l.bf16.f32 v35  }
0x118: {  	v36, _, _ =	vpop (xrf2);
	v35 =	vmul.f32 v35, v19;
	v46 =	vld [tilespmem:s1+$0xFFFFFFF0];
	v19 =	vunpack.i.u.bf16.f32 v47;
	v47 =	vunpack.i.l.bf16.f32 v47  }
0x119: {  	(v2sf) =	vpush v36, $0xF;
	v36 =	vunpack.i.u.bf16.f32 v18;
	v18 =	vunpack.i.l.bf16.f32 v18;
	v48 =	vld [tilespmem:s1+$0x30]  }
0x11a: {  	v31 =	vmul.f32 v31, v43;
	(xrf2) =	vadd.scan.msk.f32 $0xffff, v32;
	v32 =	vunpack.i.u.bf16.f32 v34;
	v34 =	vunpack.i.l.bf16.f32 v34  }
0x11b: {  	v47 =	vmul.f32 v18, v47;
	v43, _, _ =	vpop (xrf2);
	v18 =	vunpack.i.u.bf16.f32 v45;
	v45 =	vunpack.i.l.bf16.f32 v45  }
0x11c: {  	v36 =	vmul.f32 v36, v19;
	(v2sf) =	vpush v43, $0xF;
	v34 =	vmul.f32 v45, v34  }
0x11d: {  	v32 =	vmul.f32 v18, v32;
	v43 =	vbroadcast v44, $0x0;
	(xrf2) =	vadd.scan.msk.f32 $0xffff, v38;
	v38 =	vnsel vm0, $0x0, v14  }
0x11e: {  	v41 =	vnsel vm0, $0x0, v41;
	v30 =	vbroadcast v30, $0x0;
	v44 =	vunpack.i.u.bf16.f32 v21;
	v14, _, _ =	vpop (xrf2)  }
0x11f: {  	v45 =	vunpack.i.l.bf16.f32 v21;
	(v2sf) =	vpush v14, $0xF;
	(erf) = vpow2.f32 v42  }
0x120: {  	v19 =	vunpack.i.u.bf16.f32 v46;
	v42 =	vunpack.i.l.bf16.f32 v46;
	(xrf2) =	vadd.scan.msk.f32 $0xffff, v35;
	(erf) = vpow2.f32 v20  }
0x121: {  	v18 =	vunpack.i.l.bf16.f32 v48;
	v14 =	vunpack.i.u.bf16.f32 v48;
	v35 =	vunpack.i.u.bf16.f32 v28;
	v20, _, _ =	vpop (xrf2)  }
0x122: {  	v28 =	vunpack.i.l.bf16.f32 v28;
	(v2sf) =	vpush v20, $0xF;
	(erf) = vpow2.f32 v37  }
0x123: {  	v21 =	vsel vm1, v33, v29;
	v20 =	vsel vm1, v38, v15;
	s12 =	spop (v2sf);
	(xrf2) =	vadd.scan.msk.f32 $0xffff, v31;
	(erf) = vpow2.f32 v39  }
0x124: {  	v23 =	vmul.f32 v23, v28;
	v24 =	vmul.f32 v24, v35;
	v15 =	vsel vm1, v41, v40;
	s12 =	smul.f32 $2.500000000e-01, s12;
	v29, _, _ =	vpop (xrf2);
	s13 =	spop (v2sf)  }
0x125: {  	v16 =	vsel vm3, v16, v17;
	(v2sf) =	vpush v29, $0xF;
	s13 =	smul.f32 $2.500000000e-01, s13;
	s19 =	spop (v2sf);
	(erf) = vpow2.f32 v43  }
0x126: {  	v28 =	vmov s12;
	s12 =	spop (v2sf);
	s19 =	smul.f32 $2.500000000e-01, s19;
	(xrf2) =	vadd.scan.msk.f32 $0xffff, v47;
	(erf) = vpow2.f32 v30;
	[tilespmem:s0+$0x40] =	vst v16;
	s0 =	smov.u32 s4  }
0x127: {  	s4 =	smov.u32 s10;
	v16 =	vmul.f32 $1.442695020e+00, v28;
	s12 =	smul.f32 $2.500000000e-01, s12;
	v17, _, _ =	vpop (xrf2);
	v28 =	vmov s13;
	[tilespmem:s0+$0x70] =	vst v23  }
0x128: {  	s13 =	spop (v2sf);
	(v2sf) =	vpush v17, $0xF;
	v17 =	vmul.f32 $1.442695020e+00, v28;
	v23 =	vmov s19;
	[tilespmem:s0+$0x80] =	vst v24;
	v24 =	vpop (erf)  }
0x129: {  	s13 =	smul.f32 $2.500000000e-01, s13;
	v16 =	vbroadcast v16, $0x0;
	v28 =	vmov s12;
	v33 =	vmul.f32 $1.442695020e+00, v23;
	(xrf2) =	vadd.scan.msk.f32 $0xffff, v36;
	v29 =	vpop (erf)  }
0x12a: {  	v27 =	vsel vm2, v27, v24;
	v28 =	vmul.f32 $1.442695020e+00, v28;
	v17 =	vbroadcast v17, $0x0;
	v30, _, _ =	vpop (xrf2)  }
0x12b: {  	v35 =	vmov s13;
	s12 =	spop (v2sf);
	(erf) = vpow2.f32 v16;
	v16 =	vbroadcast v33, $0x0;
	v23 =	vpop (erf)  }
0x12c: {  	s12 =	smul.f32 $2.500000000e-01, s12;
	v28 =	vbroadcast v28, $0x0;
	(v2sf) =	vpush v30, $0xF;
	(erf) = vpow2.f32 v17;
	v30 =	vpop (erf)  }
0x12d: {  	v33 =	vmul.f32 $1.442695020e+00, v35;
	v35 =	vsel vm2, v25, v23;
	v31, _, _ =	vpop (xrf2);
	(erf) = vpow2.f32 v16  }
0x12e: {  	v16 =	vmov s12;
	s12 =	spop (v2sf);
	(erf) = vpow2.f32 v28;
	(v2sf) =	vpush v31, $0xF;
	(xrf2) =	vadd.scan.msk.f32 $0xffff, v34;
	v25 =	vpop (erf)  }
0x12f: {  	v28 =	vbroadcast v33, $0x0;
	v31 =	vmul.f32 $1.442695020e+00, v16;
	s12 =	smul.f32 $2.500000000e-01, s12;
	v16 =	vsel vm2, v26, v25;
	v17 =	vpop (erf)  }
.Ltmp1:
0x130: {  	v36 =	vmul.f32 v24, v6;
	v24 =	vmul.f32 v29, v5;
	v29 =	vsel vm3, v27, v29;
	v26, _, _ =	vpop (xrf2);
	(pc) =	sbr.rel @p0 .LBB2_5-.Ltmp1, $4  }
0x131: {  	v5 =	vmovc v44;
	v31 =	vbroadcast v31, $0x0;
	v27 =	vmov s12;
	v33 =	vld [tilespmem:s7+$0x60];
	(erf) = vpow2.f32 v28;
	s12 =	spop (v2sf);
	(xrf2) =	vadd.scan.msk.f32 $0xffff, v32  }
0x132: {  	v6 =	vmovc v45;
	v34 =	vmul.f32 $1.442695020e+00, v27;
	s12 =	smul.f32 $2.500000000e-01, s12;
	(v2sf) =	vpush v26, $0xF;
	[tilespmem:s0+$0xFFFFFF80] =	vst v36;
	v27 =	vmul.f32 v23, v4;
	v4 =	vmovc v42  }
0x133: {  	v28 =	vmul.f32 v30, v22;
	v26 =	vsel vm3, v35, v30;
	(erf) = vpow2.f32 v31;
	v32, _, _ =	vpop (xrf2);
	[tilespmem:s0+$0xFFFFFF90] =	vst v24  }
0x134: {  	s7 =	sadd.s32 $0x100, s7;
	v30 =	vnsel vm0, $0x0, v10;
	v22 =	vbroadcast v34, $0x0;
	v23 =	vmov s12;
	s12 =	spop (v2sf);
	v10 =	vpop (erf);
	[tilespmem:s0+$0xFFFFFFA0] =	vst v29  }
0x135: {  	_ =	sdelay $0x1  }
0x136: {  	s7 =	smul.f32 $2.500000000e-01, s12;
	v24 =	vunpack.i.l.bf16.f32 v33;
	s8 =	spop (v2sf)  }
0x137: {  	v23 =	vmul.f32 $1.442695020e+00, v23;
	v31 =	vpop (erf);
	(erf) = vpow2.f32 v22;
	s8 =	smul.f32 $2.500000000e-01, s8  }
0x138: {  	v29 =	vpop (erf);
	v22 =	vunpack.i.u.bf16.f32 v33;
	v40 =	vmul.f32 v10, v24;
	v34 =	vmov s7  }
0x139: {  	v23 =	vbroadcast v23, $0x0;
	v34 =	vmul.f32 $1.442695020e+00, v34;
	v24 =	vpop (erf);
	v35 =	vmov s8  }
0x13a: {  	s7 =	sadd.s32 $0x140, s10;
	v22 =	vmul.f32 v24, v22;
	v35 =	vmul.f32 $1.442695020e+00, v35  }
0x13b: {  	[tilespmem:s7+$0x50] =	vst v40;
	(erf) = vpow2.f32 v23;
	v23 =	vbroadcast v34, $0x0  }
0x13c: {  	[tilespmem:s7+$0x60] =	vst v22;
	v22 =	vbroadcast v35, $0x0  }
0x13d: {  	(erf) = vpow2.f32 v23;
	v33 =	vld [tilespmem:s14+$0x50]  }
0x13e: {  	(erf) = vpow2.f32 v22  }
0x13f: {  	v41 =	vld [tilespmem:s9+$0x30]  }
0x140: {  	v23 =	vpop (erf)  }
0x141: {  	v42 =	vmul.f32 v23, v11;
	v22 =	vpop (erf)  }
0x142: {  	v36 =	vmul.f32 v22, v7;
	v11 =	vpop (erf);
	v7 =	vunpack.i.l.bf16.f32 v33  }
0x143: {  	[tilespmem:s7+$0xFFFFFF60] =	vst v42;
	v44 =	vmul.f32 v11, v12;
	v12 =	vunpack.i.u.bf16.f32 v33  }
0x144: {  	v37 =	vunpack.i.l.bf16.f32 v41;
	[tilespmem:s7+$0xFFFFFF70] =	vst v36  }
0x145: {  	v45 =	vunpack.i.u.bf16.f32 v41;
	v43 =	vmul.f32 v37, v7;
	v7 =	vpop (erf);
	v36 =	vld [tilespmem:s14+$0xFFFFFF90]  }
0x146: {  	v33 =	vmul.f32 v45, v12;
	v47 =	vld [tilespmem:s9+$0xFFFFFFD0];
	v46 =	vmul.f32 v7, v9;
	v12 =	vpop (erf)  }
0x147: {  	[tilespmem:s7+$0xFFFFFFB0] =	vst v44;
	v13 =	vmul.f32 v12, v13;
	v9 =	vpop (erf)  }
0x148: {  	(xrf2) =	vadd.scan.msk.f32 $0xffff, v43;
	[tilespmem:s7+$0xFFFFFFC0] =	vst v46;
	v8 =	vmul.f32 v9, v8  }
0x149: {  	(xrf2) =	vadd.scan.msk.f32 $0xffff, v33;
	v48 =	vld [tilespmem:s14+$0xFFFFFFD0];
	[tilespmem:s7+$0x0] =	vst v13  }
0x14a: {  	v13 =	vld [tilespmem:s9+$0xFFFFFFF0];
	[tilespmem:s7+$0x10] =	vst v8  }
0x14b: {  	(v2sf) =	vpush v32, $0xF;
	v49 =	vunpack.i.l.bf16.f32 v36;
	v50 =	vunpack.i.l.bf16.f32 v47;
	v8 =	vld [tilespmem:s14+$0x10]  }
0x14c: {  	v36 =	vunpack.i.u.bf16.f32 v36;
	v35 =	vunpack.i.u.bf16.f32 v47;
	v32 =	vmul.f32 v50, v49;
	v38 =	vld [tilespmem:s9+$0x10]  }
0x14d: {  	v51, _, _ =	vpop (xrf2);
	v35 =	vmul.f32 v35, v36  }
0x14e: {  	(v2sf) =	vpush v51, $0xF;
	v52, _, _ =	vpop (xrf2);
	(xrf2) =	vadd.scan.msk.f32 $0xffff, v32  }
0x14f: {  	(v2sf) =	vpush v52, $0xF;
	v53 =	vunpack.i.l.bf16.f32 v48;
	v54 =	vunpack.i.l.bf16.f32 v13;
	(xrf2) =	vadd.scan.msk.f32 $0xffff, v35  }
0x150: {  	v55 =	vunpack.i.u.bf16.f32 v48;
	v13 =	vunpack.i.u.bf16.f32 v13;
	v56 =	vmul.f32 v54, v53  }
0x151: {  	v13 =	vmul.f32 v13, v55;
	v58 =	vunpack.i.l.bf16.f32 v8;
	v59 =	vunpack.i.l.bf16.f32 v38  }
0x152: {  	v57, _, _ =	vpop (xrf2);
	(xrf2) =	vadd.scan.msk.f32 $0xffff, v56;
	v8 =	vunpack.i.u.bf16.f32 v8;
	v61 =	vunpack.i.u.bf16.f32 v38;
	v32 =	vmul.f32 v59, v58  }
0x153: {  	v60, _, _ =	vpop (xrf2);
	(xrf2) =	vadd.scan.msk.f32 $0xffff, v13;
	v8 =	vmul.f32 v61, v8  }
0x154: {  	s9 =	spop (v2sf);
	(v2sf) =	vpush v57, $0xF;
	(xrf2) =	vadd.scan.msk.f32 $0xffff, v32  }
0x155: {  	s8 =	smul.f32 $2.500000000e-01, s9;
	(v2sf) =	vpush v60, $0xF;
	(xrf2) =	vadd.scan.msk.f32 $0xffff, v8;
	_ =	sdelay $0x1  }
0x156: {  	v13 =	vmov s8  }
0x157: {  	v13 =	vmul.f32 $1.442695020e+00, v13;
	v8, _, _ =	vpop (xrf2)  }
0x158: {  	s10 =	spop (v2sf);
	(v2sf) =	vpush v8, $0xF;
	v8, _, _ =	vpop (xrf2)  }
0x159: {  	s9 =	smul.f32 $2.500000000e-01, s10;
	s11 =	spop (v2sf);
	v13 =	vbroadcast v13, $0x0;
	(v2sf) =	vpush v8, $0xF  }
0x15a: {  	s10 =	smul.f32 $2.500000000e-01, s11  }
0x15b: {  	v62 =	vmov s9;
	v63, _, _ =	vpop (xrf2)  }
0x15c: {  	s12 =	spop (v2sf);
	v32 =	vmul.f32 $1.442695020e+00, v62;
	v8 =	vmov s10;
	(v2sf) =	vpush v63, $0xF;
	v36, _, _ =	vpop (xrf2)  }
0x15d: {  	s13 =	spop (v2sf);
	(erf) = vpow2.f32 v13;
	v8 =	vmul.f32 $1.442695020e+00, v8;
	(v2sf) =	vpush v36, $0xF;
	v13, _, _ =	vpop (xrf2)  }
0x15e: {  	s8 =	smul.f32 $2.500000000e-01, s12;
	v32 =	vbroadcast v32, $0x0;
	(v2sf) =	vpush v13, $0xF;
	v13, _, _ =	vpop (xrf2)  }
0x15f: {  	s9 =	smul.f32 $2.500000000e-01, s13;
	v8 =	vbroadcast v8, $0x0;
	(v2sf) =	vpush v13, $0xF  }
0x160: {  	v1 =	vmul.f32 v25, v1;
	s19 =	spop (v2sf);
	v38 =	vld [tilespmem:s1+$0x70];
	v37 =	vmov s8;
	(erf) = vpow2.f32 v32  }
0x161: {  	s8 =	smul.f32 $2.500000000e-01, s19;
	v33 =	vmul.f32 $1.442695020e+00, v37;
	(erf) = vpow2.f32 v8;
	v8 =	vmov s9  }
0x162: {  	v3 =	vsel vm1, v30, v3;
	v2 =	vmul.f32 v17, v2;
	s20 =	spop (v2sf);
	v8 =	vmul.f32 $1.442695020e+00, v8  }
0x163: {  	v16 =	vsel vm3, v16, v17;
	v25 =	vbroadcast v33, $0x0;
	v13 =	vmov s8;
	s1 =	smul.f32 $2.500000000e-01, s20;
	s29 =	spop (v2sf)  }
0x164: {  	v3 =	vsel vm2, v3, v31;
	v13 =	vmul.f32 $1.442695020e+00, v13;
	s8 =	smul.f32 $2.500000000e-01, s29;
	v8 =	vbroadcast v8, $0x0  }
0x165: {  	v30 =	vunpack.i.l.bf16.f32 v38;
	(erf) = vpow2.f32 v25;
	v25 =	vmov s1  }
0x166: {  	v13 =	vbroadcast v13, $0x0;
	v25 =	vmul.f32 $1.442695020e+00, v25;
	v39 =	vmov s8  }
0x167: {  	[tilespmem:s0+$0xFFFFFFD0] =	vst v27;
	v3 =	vsel vm3, v3, v29;
	v30 =	vmul.f32 v31, v30;
	v31 =	vmul.f32 $1.442695020e+00, v39;
	s8 =	spop (v2sf)  }
0x168: {  	[tilespmem:s0+$0xFFFFFFE0] =	vst v28;
	v27 =	vunpack.i.u.bf16.f32 v38;
	(erf) = vpow2.f32 v8;
	v8 =	vpop (erf);
	v25 =	vbroadcast v25, $0x0;
	s1 =	smul.f32 $2.500000000e-01, s8;
	s9 =	spop (v2sf)  }
0x169: {  	[tilespmem:s4+$0x90] =	vst v3;
	(erf) = vpow2.f32 v13;
	v28 =	vbroadcast v31, $0x0;
	v3 =	vsel vm2, v21, v8;
	s8 =	smul.f32 $2.500000000e-01, s9  }
0x16a: {  	[tilespmem:s0+$0x20] =	vst v1;
	v1 =	vmul.f32 v8, v6;
	v13 =	vpop (erf);
	(erf) = vpow2.f32 v25;
	v6 =	vmov s1  }
0x16b: {  	v17 =	vpop (erf);
	(erf) = vpow2.f32 v28;
	s10 =	spop (v2sf);
	v8 =	vmov s8;
	v6 =	vmul.f32 $1.442695020e+00, v6  }
0x16c: {  	[tilespmem:s0+$0xFFFFFFF0] =	vst v26;
	v26 =	vmul.f32 v29, v27;
	s12 =	spop (v2sf);
	v8 =	vmul.f32 $1.442695020e+00, v8  }
0x16d: {  	[tilespmem:s0+$0x30] =	vst v2;
	v5 =	vmul.f32 v13, v5;
	v3 =	vsel vm3, v3, v13;
	s11 =	smul.f32 $2.500000000e-01, s10;
	v6 =	vbroadcast v6, $0x0;
	s19 =	spop (v2sf)  }
0x16e: {  	[tilespmem:s4+$0xFFFFFF80] =	vst v1;
	v1 =	vnsel vm0, $0x0, v10;
	v20 =	vsel vm2, v20, v17;
	v2 =	vpop (erf);
	s13 =	smul.f32 $2.500000000e-01, s12;
	v8 =	vbroadcast v8, $0x0;
	s29 =	spop (v2sf)  }
0x16f: {  	[tilespmem:s0+$0x40] =	vst v16;
	v4 =	vmul.f32 v17, v4;
	v13 =	vmul.f32 v2, v19;
	v16 =	vmov s11;
	s0 =	smul.f32 $2.500000000e-01, s29  }
0x170: {  	v2 =	vsel vm3, v20, v2;
	s20 =	smul.f32 $2.500000000e-01, s19;
	v17 =	vmov s13;
	v16 =	vmul.f32 $1.442695020e+00, v16  }
0x171: {  	[tilespmem:s4+$0xFFFFFFA0] =	vst v3;
	v3 =	vld [tilespmem:s14+$0x70];
	(erf) = vpow2.f32 v6;
	v10 =	vmul.f32 $1.442695020e+00, v17;
	v6 =	vpop (erf);
	v17 =	vmov s0  }
0x172: {  	[tilespmem:s4+$0xFFFFFF90] =	vst v5;
	v5 =	vmov s20;
	v16 =	vbroadcast v16, $0x0;
	(erf) = vpow2.f32 v8;
	v8 =	vpop (erf)  }
0x173: {  	v1 =	vsel vm1, v1, v24;
	[tilespmem:s4+$0xFFFFFFF0] =	vst v2;
	v5 =	vmul.f32 $1.442695020e+00, v5;
	v2 =	vmul.f32 v6, v18;
	v19 =	vpop (erf)  }
0x174: {  	[tilespmem:s4+$0xFFFFFFD0] =	vst v4;
	v10 =	vbroadcast v10, $0x0;
	v4 =	vmul.f32 $1.442695020e+00, v17;
	v1 =	vsel vm2, v1, v19;
	v17 =	vpop (erf)  }
0x175: {  	(erf) = vpow2.f32 v16;
	v5 =	vbroadcast v5, $0x0;
	[tilespmem:s4+$0x20] =	vst v2;
	v1 =	vsel vm3, v1, v17  }
0x176: {  	v16 =	vld [tilespmem:s14+$0xFFFFFFB0];
	(erf) = vpow2.f32 v10;
	v2 =	vunpack.i.l.bf16.f32 v3;
	[tilespmem:s7+$0x90] =	vst v1;
	v1 =	vmul.f32 v8, v14  }
0x177: {  	[tilespmem:s4+$0x70] =	vst v30;
	v6 =	vsel vm2, v15, v6;
	v4 =	vbroadcast v4, $0x0;
	v2 =	vmul.f32 v19, v2  }
0x178: {  	(erf) = vpow2.f32 v5;
	[tilespmem:s4+$0x30] =	vst v1;
	v1 =	vunpack.i.u.bf16.f32 v3;
	v3 =	vsel vm3, v6, v8  }
0x179: {  	[tilespmem:s4+$0x80] =	vst v26;
	v5 =	vld [tilespmem:s14+$0xFFFFFFF0];
	(erf) = vpow2.f32 v4  }
0x17a: {  	[tilespmem:s4+$0xFFFFFFE0] =	vst v13;
	v6 =	vnsel vm0, $0x0, v23  }
0x17b: {  	v4 =	vunpack.i.l.bf16.f32 v16;
	v1 =	vmul.f32 v17, v1;
	[tilespmem:s4+$0x40] =	vst v3;
	v6 =	vsel vm1, v6, v22;
	v3 =	vpop (erf)  }
0x17c: {  	[tilespmem:s7+$0x70] =	vst v2;
	v10 =	vunpack.i.u.bf16.f32 v16;
	v8 =	vld [tilespmem:s14+$0x30];
	v2 =	vpop (erf);
	v4 =	vmul.f32 v3, v4  }
0x17d: {  	[tilespmem:s7+$0x80] =	vst v1;
	v3 =	vsel vm2, v6, v3;
	v1 =	vmul.f32 v2, v10  }
0x17e: {  	v10 =	vnsel vm0, $0x0, v11;
	v11 =	vunpack.i.l.bf16.f32 v5;
	v6 =	vpop (erf);
	v2 =	vsel vm3, v3, v2;
	[tilespmem:s7+$0xFFFFFF80] =	vst v4  }
0x17f: {  	v4 =	vunpack.i.u.bf16.f32 v5;
	v5 =	vpop (erf);
	v3 =	vmul.f32 v6, v11;
	[tilespmem:s7+$0xFFFFFFA0] =	vst v2  }
0x180: {  	[tilespmem:s7+$0xFFFFFF90] =	vst v1;
	v1 =	vsel vm1, v10, v7;
	v4 =	vmul.f32 v5, v4  }
0x181: {  	v2 =	vnsel vm0, $0x0, v12;
	v7 =	vunpack.i.l.bf16.f32 v8;
	v1 =	vsel vm2, v1, v6;
	v6 =	vpop (erf);
	[tilespmem:s7+$0xFFFFFFD0] =	vst v3  }
0x182: {  	v3 =	vunpack.i.u.bf16.f32 v8;
	v8 =	vpop (erf);
	v1 =	vsel vm3, v1, v5;
	[tilespmem:s7+$0xFFFFFFE0] =	vst v4;
	v4 =	vmul.f32 v6, v7  }
0x183: {  	s1 =	smul.u32 $0x280, s30;
	v2 =	vsel vm1, v2, v9;
	[tilespmem:s7+$0xFFFFFFF0] =	vst v1;
	v1 =	vmul.f32 v8, v3  }
0x184: {  	v2 =	vsel vm2, v2, v6;
	[tilespmem:s7+$0x20] =	vst v4  }
0x185: {  	s0 =	sshra.s32 s1, $0x2;
	[tilespmem:s7+$0x30] =	vst v1;
	v1 =	vsel vm3, v2, v8  }
0x186: {  	s0 =	sadd.s32 $0x4E20, s0;
	[tilespmem:s7+$0x40] =	vst v1  }
0x187: {  	[spmem:s3] =	stream.indirect.scatter.add.f32 [tilespmem:s24], [sflag:$0x5], $0x50, s0, s15, $0xb8;
	[tilespmem:$0x1B9E0] =	vst v63  }
0x188: {  	s4 =	smin.u32 s6, $0xF7;
	_ =	swait.ge [sflag:s25], $0x1900  }
0x189: {  	s0 =	smul.u32 $0x50, s4;
	[sflag:s25] =	ssyncset.done $0x0  }
0x18a: {  	[sflag:s25] =	ssyncadd.s32 $0xFFFFE700  }
0x18b: {  	v1 =	vld [tilespmem:s0+$0x4EC0];
	_ =	sdelay $0x4  }
0x18c: {  	v1 =	vadd.s32 v0, v1  }
0x18d: {  	[tilespmem:$0x9C40] =	vst v1  }
0x18e: {  	v1 =	vld [tilespmem:s0+$0x4ED0];
	_ =	sdelay $0x4  }
0x18f: {  	v1 =	vadd.s32 v0, v1  }
0x190: {  	[tilespmem:$0x9C50] =	vst v1  }
0x191: {  	v1 =	vld [tilespmem:s0+$0x4EE0];
	_ =	sdelay $0x4  }
0x192: {  	v1 =	vadd.s32 v0, v1  }
0x193: {  	[tilespmem:$0x9C60] =	vst v1  }
0x194: {  	v1 =	vld [tilespmem:s0+$0x4EF0];
	_ =	sdelay $0x4  }
0x195: {  	v1 =	vadd.s32 v0, v1  }
0x196: {  	[tilespmem:$0x9C70] =	vst v1  }
0x197: {  	v1 =	vld [tilespmem:s0+$0x4F00];
	_ =	sdelay $0x4  }
0x198: {  	v1 =	vadd.s32 v0, v1  }
0x199: {  	s0 =	sadd.s32 $0xA0, s0;
	[tilespmem:$0x9C80] =	vst v1  }
0x19a: {  	[tilespmem:s16], [sflag:$0x1] =	stream.indirect.gather [hbm4b:s2+s15], $0x40, s0, s15, $0xb8;
	[tilespmem:$0x1B9E0] =	vst v63  }
0x19b: {  	_ = 	snop  }
0x19c: {  	[tilespmem:s18], [sflag:$0x3] =	stream.indirect.gather [hbm4b:s5+s15], $0x20, s17, s15, $0xb8;
	[tilespmem:$0x1B9E0] =	vst v63  }
0x19d: {  	_ =	swait.ge [sflag:s26], $0x1400  }
0x19e: {  	[sflag:s26] =	ssyncset.done $0x0  }
0x19f: {  	[sflag:s26] =	ssyncadd.s32 $0xFFFFEC00  }
0x1a0: {  	_ =	swait.ge [sflag:s28], $0xA00  }
0x1a1: {  	[sflag:s28] =	ssyncset.done $0x0  }
0x1a2: {  	s8 =	simm.s32 $0xB160;
	[sflag:s28] =	ssyncadd.s32 $0xFFFFF600  }
0x1a3: {  	s4 =	simm.s32 $0xCF20;
	v1 =	vld [tilespmem:s8+$0x40]  }
0x1a4: {  	v2 =	vld [tilespmem:s4+$0x20];
	_ =	sdelay $0x4  }
0x1a5: {  	v3 =	vunpack.i.l.bf16.f32 v1;
	v4 =	vunpack.i.l.bf16.f32 v2  }
0x1a6: {  	v1 =	vunpack.i.u.bf16.f32 v1;
	v2 =	vunpack.i.u.bf16.f32 v2;
	v3 =	vmul.f32 v4, v3  }
0x1a7: {  	v1 =	vmul.f32 v2, v1  }
0x1a8: {  	(xrf2) =	vadd.scan.msk.f32 $0xffff, v3  }
0x1a9: {  	(xrf2) =	vadd.scan.msk.f32 $0xffff, v1;
	_ =	sdelay $0x6  }
0x1aa: {  	v2 =	vld [tilespmem:s8+$0xFFFFFF80]  }
0x1ab: {  	v1 =	vld [tilespmem:s4+$0xFFFFFFC0]  }
0x1ac: {  	v3, _, _ =	vpop (xrf2)  }
0x1ad: {  	v4, _, _ =	vpop (xrf2);
	(v2sf) =	vpush v3, $0xF  }
0x1ae: {  	v3 =	vld [tilespmem:s8+$0xFFFFFFC0];
	(v2sf) =	vpush v4, $0xF  }
0x1af: {  	v4 =	vld [tilespmem:s4+$0xFFFFFFE0]  }
0x1b0: {  	v6 =	vunpack.i.l.bf16.f32 v2;
	v5 =	vunpack.i.l.bf16.f32 v1  }
0x1b1: {  	v2 =	vunpack.i.u.bf16.f32 v2;
	v1 =	vunpack.i.u.bf16.f32 v1;
	v5 =	vmul.f32 v5, v6  }
0x1b2: {  	v1 =	vmul.f32 v1, v2  }
0x1b3: {  	(xrf2) =	vadd.scan.msk.f32 $0xffff, v5  }
0x1b4: {  	(xrf2) =	vadd.scan.msk.f32 $0xffff, v1;
	v2 =	vunpack.i.l.bf16.f32 v3;
	v5 =	vunpack.i.l.bf16.f32 v4  }
0x1b5: {  	v1 =	vmul.f32 v5, v2;
	v5 =	vld [tilespmem:s4+$0x0]  }
0x1b6: {  	v3 =	vunpack.i.u.bf16.f32 v3;
	v4 =	vunpack.i.u.bf16.f32 v4;
	v2 =	vld [tilespmem:s8+$0x0]  }
0x1b7: {  	v3 =	vmul.f32 v4, v3  }
0x1b8: {  	(xrf2) =	vadd.scan.msk.f32 $0xffff, v1  }
0x1b9: {  	(xrf2) =	vadd.scan.msk.f32 $0xffff, v3  }
0x1ba: {  	v3 =	vunpack.i.l.bf16.f32 v5  }
0x1bb: {  	v1 =	vunpack.i.l.bf16.f32 v2  }
0x1bc: {  	v2 =	vunpack.i.u.bf16.f32 v2;
	v4 =	vunpack.i.u.bf16.f32 v5;
	v1 =	vmul.f32 v3, v1;
	s6 =	spop (v2sf)  }
0x1bd: {  	v2 =	vmul.f32 v4, v2;
	v3, _, _ =	vpop (xrf2);
	s0 =	smul.f32 $2.500000000e-01, s6;
	s7 =	spop (v2sf)  }
0x1be: {  	(xrf2) =	vadd.scan.msk.f32 $0xffff, v1;
	(v2sf) =	vpush v3, $0xF;
	v3, _, _ =	vpop (xrf2);
	s1 =	smul.f32 $2.500000000e-01, s7  }
0x1bf: {  	(xrf2) =	vadd.scan.msk.f32 $0xffff, v2;
	(v2sf) =	vpush v3, $0xF;
	v1 =	vmov s0  }
0x1c0: {  	v1 =	vmul.f32 $1.442695020e+00, v1;
	v2 =	vmov s1  }
0x1c1: {  	v2 =	vmul.f32 $1.442695020e+00, v2  }
0x1c2: {  	v3, _, _ =	vpop (xrf2);
	v1 =	vbroadcast v1, $0x0  }
0x1c3: {  	(v2sf) =	vpush v3, $0xF;
	v3, _, _ =	vpop (xrf2);
	v2 =	vbroadcast v2, $0x0  }
0x1c4: {  	(v2sf) =	vpush v3, $0xF;
	(erf) = vpow2.f32 v1  }
0x1c5: {  	(erf) = vpow2.f32 v2;
	_ =	sdelay $0x2  }
0x1c6: {  	v1 =	vld [tilespmem:s8+$0x60];
	v2, _, _ =	vpop (xrf2)  }
0x1c7: {  	(v2sf) =	vpush v2, $0xF;
	v2, _, _ =	vpop (xrf2)  }
0x1c8: {  	s7 =	simm.s32 $0xCFA0;
	(v2sf) =	vpush v2, $0xF  }
0x1c9: {  	v7 =	vld [tilespmem:s7+$0x20];
	s1 =	simm.s32 $0xB260  }
0x1ca: {  	v6 =	vld [tilespmem:s1+$0x40]  }
0x1cb: {  	v2 =	vunpack.i.l.bf16.f32 v1;
	s9 =	spop (v2sf);
	v3 =	vpop (erf)  }
0x1cc: {  	v1 =	vunpack.i.u.bf16.f32 v1;
	s10 =	smul.f32 $2.500000000e-01, s9;
	s11 =	spop (v2sf);
	v2 =	vmul.f32 v3, v2;
	v4 =	vpop (erf)  }
0x1cd: {  	s0 =	simm.s32 $0xD980;
	s12 =	smul.f32 $2.500000000e-01, s11;
	v1 =	vmul.f32 v4, v1  }
0x1ce: {  	v11 =	vunpack.i.l.bf16.f32 v7;
	v5 =	vmov s10;
	[tilespmem:s0+$0x50] =	vst v2  }
0x1cf: {  	v10 =	vunpack.i.l.bf16.f32 v6;
	v2 =	vmul.f32 $1.442695020e+00, v5;
	v5 =	vmov s12;
	[tilespmem:s0+$0x60] =	vst v1  }
0x1d0: {  	v10 =	vmul.f32 v11, v10;
	s13 =	spop (v2sf);
	v1 =	vmul.f32 $1.442695020e+00, v5;
	v5 =	vld [tilespmem:s8+$0x50]  }
0x1d1: {  	s6 =	smul.f32 $2.500000000e-01, s13;
	s14 =	spop (v2sf);
	v8 =	vld [tilespmem:s4+$0x30]  }
0x1d2: {  	v7 =	vunpack.i.u.bf16.f32 v7;
	v6 =	vunpack.i.u.bf16.f32 v6;
	(xrf2) =	vadd.scan.msk.f32 $0xffff, v10;
	v2 =	vbroadcast v2, $0x0;
	s19 =	smul.f32 $2.500000000e-01, s14  }
0x1d3: {  	v6 =	vmul.f32 v7, v6;
	v9 =	vmov s6  }
0x1d4: {  	(erf) = vpow2.f32 v2;
	v2 =	vmul.f32 $1.442695020e+00, v9;
	v9 =	vmov s19  }
0x1d5: {  	v12 =	vld [tilespmem:s7+$0xFFFFFFC0];
	v1 =	vbroadcast v1, $0x0;
	v9 =	vmul.f32 $1.442695020e+00, v9  }
0x1d6: {  	v10 =	vld [tilespmem:s1+$0xFFFFFF80];
	v2 =	vbroadcast v2, $0x0;
	v7 =	vunpack.i.l.bf16.f32 v5;
	v11 =	vunpack.i.l.bf16.f32 v8;
	s20 =	spop (v2sf)  }
0x1d7: {  	v5 =	vunpack.i.u.bf16.f32 v5;
	v8 =	vunpack.i.u.bf16.f32 v8;
	v7 =	vmul.f32 v11, v7;
	s6 =	smul.f32 $2.500000000e-01, s20;
	s29 =	spop (v2sf)  }
0x1d8: {  	(xrf2) =	vadd.scan.msk.f32 $0xffff, v6;
	(erf) = vpow2.f32 v1;
	v5 =	vmul.f32 v8, v5;
	s9 =	smul.f32 $2.500000000e-01, s29  }
0x1d9: {  	v1 =	vbroadcast v9, $0x0;
	(erf) = vpow2.f32 v2;
	v2 =	vld [tilespmem:s1+$0xFFFFFFC0];
	(xrf2) =	vadd.scan.msk.f32 $0xffff, v7;
	v6 =	vmov s6  }
0x1da: {  	v9 =	vunpack.i.l.bf16.f32 v12;
	v7 =	vld [tilespmem:s7+$0xFFFFFFE0];
	(xrf2) =	vadd.scan.msk.f32 $0xffff, v5;
	v5 =	vmul.f32 $1.442695020e+00, v6;
	v6 =	vmov s9  }
0x1db: {  	v11 =	vunpack.i.l.bf16.f32 v10;
	(erf) = vpow2.f32 v1;
	v1 =	vmul.f32 $1.442695020e+00, v6  }
0x1dc: {  	v13, _, _ =	vpop (xrf2);
	v8 =	vld [tilespmem:s8+$0xFFFFFFA0];
	v9 =	vmul.f32 v9, v11;
	v5 =	vbroadcast v5, $0x0  }
0x1dd: {  	v14 =	vld [tilespmem:s7+$0x0];
	(v2sf) =	vpush v13, $0xF;
	v10 =	vunpack.i.u.bf16.f32 v10;
	v1 =	vbroadcast v1, $0x0  }
0x1de: {  	v11 =	vld [tilespmem:s8+$0xFFFFFFE0];
	v6 =	vunpack.i.u.bf16.f32 v12;
	(xrf2) =	vadd.scan.msk.f32 $0xffff, v9;
	v9 =	vunpack.i.l.bf16.f32 v2;
	(erf) = vpow2.f32 v5  }
0x1df: {  	v5 =	vmul.f32 v6, v10;
	v6 =	vld [tilespmem:s8+$0x20];
	v12 =	vunpack.i.l.bf16.f32 v7;
	(erf) = vpow2.f32 v1  }
0x1e0: {  	v2 =	vunpack.i.u.bf16.f32 v2;
	v10 =	vpop (erf);
	v7 =	vunpack.i.u.bf16.f32 v7;
	v1 =	vld [tilespmem:s1+$0x0];
	v9 =	vmul.f32 v12, v9  }
0x1e1: {  	v2 =	vmul.f32 v7, v2;
	v13 =	vpop (erf);
	(xrf2) =	vadd.scan.msk.f32 $0xffff, v5;
	v5 =	vunpack.i.u.bf16.f32 v8;
	v8 =	vunpack.i.l.bf16.f32 v8  }
0x1e2: {  	v12, _, _ =	vpop (xrf2);
	(xrf2) =	vadd.scan.msk.f32 $0xffff, v9;
	v8 =	vmul.f32 v10, v8  }
0x1e3: {  	v17 =	vunpack.i.l.bf16.f32 v14;
	v9 =	vunpack.i.u.bf16.f32 v11;
	v5 =	vmul.f32 v13, v5;
	(xrf2) =	vadd.scan.msk.f32 $0xffff, v2;
	v15, _, _ =	vpop (xrf2)  }
0x1e4: {  	v2 =	vunpack.i.u.bf16.f32 v6;
	[tilespmem:s0+$0xFFFFFF60] =	vst v8;
	v6 =	vunpack.i.l.bf16.f32 v6;
	v8 =	vld [tilespmem:s1+$0x20];
	(v2sf) =	vpush v15, $0xF;
	v7, _, _ =	vpop (xrf2)  }
0x1e5: {  	[tilespmem:s0+$0xFFFFFF70] =	vst v5;
	v15 =	vld [tilespmem:s1+$0xFFFFFFA0];
	v16 =	vunpack.i.l.bf16.f32 v1;
	(v2sf) =	vpush v7, $0xF;
	v7 =	vunpack.i.l.bf16.f32 v11;
	v11 =	vpop (erf)  }
0x1e6: {  	v16 =	vmul.f32 v17, v16;
	v17 =	vld [tilespmem:s8+$0xFFFFFF90];
	(v2sf) =	vpush v12, $0xF;
	v20 =	vpop (erf);
	v7 =	vmul.f32 v11, v7  }
0x1e7: {  	v5 =	vunpack.i.u.bf16.f32 v14;
	v1 =	vunpack.i.u.bf16.f32 v1;
	v12 =	vld [tilespmem:s1+$0xFFFFFFE0];
	v21 =	vpop (erf);
	v9 =	vmul.f32 v20, v9  }
0x1e8: {  	v1 =	vmul.f32 v5, v1;
	v24 =	vpop (erf);
	v5 =	vmul.f32 v21, v6;
	[tilespmem:s0+$0xFFFFFFB0] =	vst v7;
	v7 =	vld [tilespmem:s4+$0xFFFFFFD0]  }
0x1e9: {  	(xrf2) =	vadd.scan.msk.f32 $0xffff, v16;
	v6, _, _ =	vpop (xrf2);
	v2 =	vmul.f32 v24, v2;
	[tilespmem:s0+$0xFFFFFFC0] =	vst v9  }
0x1ea: {  	(xrf2) =	vadd.scan.msk.f32 $0xffff, v1;
	(v2sf) =	vpush v6, $0xF;
	v6 =	vunpack.i.u.bf16.f32 v15;
	v16 =	vld [tilespmem:s8+$0xFFFFFFD0];
	[tilespmem:s0+$0x0] =	vst v5  }
0x1eb: {  	v19 =	vunpack.i.l.bf16.f32 v15;
	v15 =	vunpack.i.l.bf16.f32 v8;
	v1 =	vld [tilespmem:s4+$0xFFFFFFF0];
	v5 =	vunpack.i.u.bf16.f32 v8;
	[tilespmem:s0+$0x10] =	vst v2  }
0x1ec: {  	v8 =	vnsel vm0, $0x0, v10;
	v10 =	vunpack.i.l.bf16.f32 v17;
	v9, _, _ =	vpop (xrf2);
	v14 =	vunpack.i.u.bf16.f32 v12;
	v2 =	vld [tilespmem:s8+$0x10]  }
0x1ed: {  	v18 =	vunpack.i.l.bf16.f32 v12;
	(v2sf) =	vpush v9, $0xF;
	v9, _, _ =	vpop (xrf2);
	v12 =	vld [tilespmem:s4+$0x10];
	v22 =	vunpack.i.l.bf16.f32 v7  }
0x1ee: {  	(v2sf) =	vpush v9, $0xF;
	v9 =	vunpack.i.u.bf16.f32 v17;
	v7 =	vunpack.i.u.bf16.f32 v7;
	v17, _, _ =	vpop (xrf2)  }
0x1ef: {  	v10 =	vmul.f32 v22, v10;
	(v2sf) =	vpush v17, $0xF;
	v22 =	vunpack.i.u.bf16.f32 v16  }
0x1f0: {  	s10 =	spop (v2sf);
	v16 =	vunpack.i.l.bf16.f32 v16;
	v17 =	vunpack.i.u.bf16.f32 v1;
	v1 =	vunpack.i.l.bf16.f32 v1  }
0x1f1: {  	s4 =	smul.f32 $2.500000000e-01, s10;
	v7 =	vmul.f32 v7, v9;
	v1 =	vmul.f32 v1, v16;
	v9 =	vunpack.i.u.bf16.f32 v2  }
0x1f2: {  	v2 =	vunpack.i.l.bf16.f32 v2;
	v16 =	vunpack.i.u.bf16.f32 v12;
	v12 =	vunpack.i.l.bf16.f32 v12  }
0x1f3: {  	(xrf2) =	vadd.scan.msk.f32 $0xffff, v10;
	v12 =	vmul.f32 v12, v2;
	v2 =	vmov s4;
	s11 =	spop (v2sf)  }
0x1f4: {  	v17 =	vmul.f32 v17, v22;
	v22, _, _ =	vpop (xrf2);
	v2 =	vmul.f32 $1.442695020e+00, v2;
	s6 =	smul.f32 $2.500000000e-01, s11;
	s12 =	spop (v2sf)  }
0x1f5: {  	v3 =	vnsel vm0, $0x0, v3;
	(v2sf) =	vpush v22, $0xF;
	s13 =	spop (v2sf);
	s9 =	smul.f32 $2.500000000e-01, s12  }
0x1f6: {  	(xrf2) =	vadd.scan.msk.f32 $0xffff, v7;
	v9 =	vmul.f32 v16, v9;
	v7, _, _ =	vpop (xrf2);
	v2 =	vbroadcast v2, $0x0;
	s4 =	smul.f32 $2.500000000e-01, s13;
	v10 =	vmov s6  }
0x1f7: {  	v23 =	vld [tilespmem:s8+$0xFFFFFFB0];
	(xrf2) =	vadd.scan.msk.f32 $0xffff, v1;
	(v2sf) =	vpush v7, $0xF;
	v1 =	vmul.f32 $1.442695020e+00, v10;
	v7 =	vmov s9  }
0x1f8: {  	v16 =	vld [tilespmem:s8+$0xFFFFFFF0];
	(erf) = vpow2.f32 v2;
	v10 =	vmov s4;
	v7 =	vmul.f32 $1.442695020e+00, v7  }
0x1f9: {  	v3 =	vsel vm1, v3, v4;
	v25 =	vld [tilespmem:s8+$0x30];
	(xrf2) =	vadd.scan.msk.f32 $0xffff, v17;
	v10 =	vmul.f32 $1.442695020e+00, v10;
	v1 =	vbroadcast v1, $0x0  }
0x1fa: {  	v11 =	vnsel vm0, $0x0, v11;
	v26 =	vsel vm1, v8, v13;
	s14 =	spop (v2sf);
	v2 =	vbroadcast v7, $0x0  }
0x1fb: {  	s4 =	smul.f32 $2.500000000e-01, s14;
	s14 =	simm.s32 $0xB360;
	v7 =	vnsel vm0, $0x0, v21;
	v21 =	vbroadcast v10, $0x0;
	(erf) = vpow2.f32 v1  }
0x1fc: {  	v17 =	vunpack.i.u.bf16.f32 v23;
	v23 =	vunpack.i.l.bf16.f32 v23;
	v41 =	vld [tilespmem:s14+$0x0];
	s19 =	spop (v2sf);
	(erf) = vpow2.f32 v2  }
0x1fd: {  	v22 =	vunpack.i.l.bf16.f32 v16;
	v8, _, _ =	vpop (xrf2);
	v10 =	vunpack.i.u.bf16.f32 v16;
	s6 =	smul.f32 $2.500000000e-01, s19;
	(erf) = vpow2.f32 v21  }
0x1fe: {  	(xrf2) =	vadd.scan.msk.f32 $0xffff, v12;
	v1 =	vmov s4;
	(v2sf) =	vpush v8, $0xF;
	v2 =	vunpack.i.u.bf16.f32 v25;
	s20 =	spop (v2sf)  }
0x1ff: {  	v21 =	vmul.f32 $1.442695020e+00, v1;
	v1 =	vunpack.i.l.bf16.f32 v25;
	s4 =	smul.f32 $2.500000000e-01, s20;
	v16 =	vmov s6  }
0x200: {  	v13 =	vld [tilespmem:s1+$0x60];
	v25 =	vsel vm1, v11, v20;
	s29 =	spop (v2sf);
	v12 =	vmul.f32 $1.442695020e+00, v16;
	v16 =	vsel vm1, v7, v24;
	v7, _, _ =	vpop (xrf2)  }
0x201: {  	s9 =	smul.f32 $2.500000000e-01, s29;
	v11 =	vbroadcast v21, $0x0;
	v20 =	vmov s4;
	v46 =	vunpack.i.u.bf16.f32 v41;
	v8, _, _ =	vpop (xrf2)  }
0x202: {  	s6 =	simm.s32 $0xD020;
	(xrf2) =	vadd.scan.msk.f32 $0xffff, v9;
	(v2sf) =	vpush v7, $0xF;
	v7 =	vmul.f32 $1.442695020e+00, v20;
	v24 =	vpop (erf);
	v12 =	vbroadcast v12, $0x0  }
0x203: {  	v20 =	vld [tilespmem:s6+$0xFFFFFFC0];
	(erf) = vpow2.f32 v11;
	v9, _, _ =	vpop (xrf2);
	(v2sf) =	vpush v8, $0xF;
	v8 =	vmov s9  }
0x204: {  	v33 =	vunpack.i.l.bf16.f32 v41;
	v11 =	vld [tilespmem:s14+$0x40];
	v7 =	vbroadcast v7, $0x0;
	v8 =	vmul.f32 $1.442695020e+00, v8;
	s10 =	spop (v2sf);
	v28 =	vpop (erf)  }
0x205: {  	v4 =	vld [tilespmem:s6+$0x20];
	(v2sf) =	vpush v9, $0xF;
	v9 =	vunpack.i.l.bf16.f32 v13;
	v13 =	vunpack.i.u.bf16.f32 v13;
	s4 =	smul.f32 $2.500000000e-01, s10;
	v29 =	vpop (erf)  }
0x206: {  	(erf) = vpow2.f32 v12;
	v9 =	vmul.f32 v24, v9;
	v12 =	vsel vm2, v3, v28;
	v3 =	vpop (erf)  }
0x207: {  	s11 =	spop (v2sf);
	v8 =	vbroadcast v8, $0x0;
	v21 =	vmov s4;
	s4 =	simm.s32 $0xDAC0;
	v13 =	vmul.f32 v3, v13  }
0x208: {  	(erf) = vpow2.f32 v7;
	s9 =	smul.f32 $2.500000000e-01, s11;
	v40 =	vunpack.i.u.bf16.f32 v20;
	v27 =	vsel vm3, v12, v29;
	v7, _, _ =	vpop (xrf2);
	v12 =	vld [tilespmem:s14+$0xFFFFFFC0];
	[tilespmem:s4+$0x50] =	vst v9  }
0x209: {  	(erf) = vpow2.f32 v8;
	v8 =	vunpack.i.l.bf16.f32 v11;
	(v2sf) =	vpush v7, $0xF;
	v7 =	vld [tilespmem:s6+$0xFFFFFFE0];
	[tilespmem:s4+$0x60] =	vst v13  }
0x20a: {  	v21 =	vmul.f32 $1.442695020e+00, v21;
	v9 =	vmov s9;
	v13 =	vunpack.i.l.bf16.f32 v4;
	v30 =	vld [tilespmem:s1+$0x50]  }
0x20b: {  	v20 =	vunpack.i.l.bf16.f32 v20;
	v9 =	vmul.f32 $1.442695020e+00, v9;
	v8 =	vmul.f32 v13, v8;
	v13 =	vld [tilespmem:s7+$0x30]  }
0x20c: {  	v11 =	vunpack.i.u.bf16.f32 v11;
	v21 =	vbroadcast v21, $0x0;
	v4 =	vunpack.i.u.bf16.f32 v4;
	v31, _, _ =	vpop (xrf2)  }
0x20d: {  	v43 =	vld [tilespmem:s14+$0xFFFFFF80];
	v9 =	vbroadcast v9, $0x0;
	v4 =	vmul.f32 v4, v11;
	(v2sf) =	vpush v31, $0xF  }
0x20e: {  	v42 =	vld [tilespmem:s6+$0x0];
	v31 =	vunpack.i.u.bf16.f32 v12;
	v12 =	vunpack.i.l.bf16.f32 v12;
	(erf) = vpow2.f32 v21  }
0x20f: {  	v44 =	vunpack.i.u.bf16.f32 v7;
	v7 =	vunpack.i.l.bf16.f32 v7;
	(erf) = vpow2.f32 v9  }
0x210: {  	(xrf2) =	vadd.scan.msk.f32 $0xffff, v8;
	v21 =	vmul.f32 v7, v12;
	v7 =	vunpack.i.l.bf16.f32 v30;
	v12 =	vunpack.i.l.bf16.f32 v13  }
0x211: {  	s12 =	spop (v2sf);
	v48 =	vpop (erf);
	v8 =	vunpack.i.u.bf16.f32 v30;
	v9 =	vunpack.i.u.bf16.f32 v13;
	v7 =	vmul.f32 v12, v7  }
0x212: {  	v47 =	vld [tilespmem:s14+$0x20];
	s9 =	smul.f32 $2.500000000e-01, s12;
	v19 =	vmul.f32 v48, v19;
	v32 =	vnsel vm0, $0x0, v48;
	(xrf2) =	vadd.scan.msk.f32 $0xffff, v4;
	v8 =	vmul.f32 v9, v8  }
0x213: {  	v45 =	vld [tilespmem:s14+$0xFFFFFFE0];
	v34 =	vpop (erf);
	v31 =	vmul.f32 v44, v31;
	v4 =	vunpack.i.u.bf16.f32 v42;
	v13 =	vunpack.i.l.bf16.f32 v43;
	(xrf2) =	vadd.scan.msk.f32 $0xffff, v7  }
0x214: {  	v11 =	vld [tilespmem:s14+$0xFFFFFFA0];
	v35 =	vpop (erf);
	v6 =	vmul.f32 v34, v6;
	v49 =	vmov s9;
	v20 =	vmul.f32 v20, v13;
	(xrf2) =	vadd.scan.msk.f32 $0xffff, v8  }
0x215: {  	v4 =	vmul.f32 v4, v46;
	v18 =	vmul.f32 v35, v18;
	s13 =	spop (v2sf);
	v12 =	vunpack.i.u.bf16.f32 v43  }
0x216: {  	v35 =	vnsel vm0, $0x0, v35;
	v36 =	vpop (erf);
	[tilespmem:s4+$0xFFFFFF70] =	vst v6;
	v6 =	vmul.f32 $1.442695020e+00, v49;
	s11 =	spop (v2sf);
	v30 =	vmul.f32 v40, v12  }
0x217: {  	v48 =	vld [tilespmem:s8+$0x70];
	v9 =	vunpack.i.l.bf16.f32 v42;
	v13 =	vunpack.i.l.bf16.f32 v47;
	v14 =	vmul.f32 v36, v14;
	s11 =	smul.f32 $2.500000000e-01, s11;
	(xrf2) =	vadd.scan.msk.f32 $0xffff, v20  }
0x218: {  	[tilespmem:s4+$0xFFFFFF60] =	vst v19;
	s10 =	smul.f32 $2.500000000e-01, s13;
	v33 =	vmul.f32 v9, v33;
	v9 =	vunpack.i.u.bf16.f32 v45;
	v12 =	vunpack.i.l.bf16.f32 v45;
	v20 =	vpop (erf)  }
0x219: {  	v42 =	vld [tilespmem:s7+$0xFFFFFFD0];
	v6 =	vbroadcast v6, $0x0;
	v7 =	vunpack.i.u.bf16.f32 v11;
	v19 =	vmov s11;
	v40 =	vpop (erf);
	(xrf2) =	vadd.scan.msk.f32 $0xffff, v30  }
0x21a: {  	v59 =	vld [tilespmem:s1+$0xFFFFFFB0];
	s19 =	spop (v2sf);
	v11 =	vunpack.i.l.bf16.f32 v11;
	v50 =	vmov s10;
	v30, _, _ =	vpop (xrf2);
	v5 =	vmul.f32 v40, v5  }
0x21b: {  	[tilespmem:s4+$0xFFFFFFB0] =	vst v18;
	s12 =	smul.f32 $2.500000000e-01, s19;
	v8 =	vunpack.i.u.bf16.f32 v47;
	v51 =	vmul.f32 $1.442695020e+00, v50;
	(v2sf) =	vpush v30, $0xF  }
0x21c: {  	[tilespmem:s4+$0xFFFFFFC0] =	vst v14;
	(erf) = vpow2.f32 v6;
	v50 =	vunpack.i.u.bf16.f32 v48;
	v18 =	vmul.f32 $1.442695020e+00, v19;
	v19, _, _ =	vpop (xrf2)  }
0x21d: {  	v39 =	vmov s12;
	v29 =	vmul.f32 v29, v50;
	v15 =	vmul.f32 v20, v15;
	s20 =	spop (v2sf);
	v53, _, _ =	vpop (xrf2);
	(xrf2) =	vadd.scan.msk.f32 $0xffff, v21  }
0x21e: {  	v43 =	vld [tilespmem:s1+$0xFFFFFFD0];
	v14 =	vmul.f32 $1.442695020e+00, v39;
	v56 =	vunpack.i.l.bf16.f32 v42;
	[tilespmem:s4+$0x10] =	vst v5;
	s29 =	spop (v2sf);
	(v2sf) =	vpush v53, $0xF;
	v5, _, _ =	vpop (xrf2)  }
0x21f: {  	v46 =	vnsel vm0, $0x0, v20;
	v6 =	vunpack.i.l.bf16.f32 v59;
	(v2sf) =	vpush v5, $0xF  }
0x220: {  	v20 =	vsel vm1, v35, v36;
	s9 =	smul.f32 $2.500000000e-01, s20;
	[tilespmem:s4+$0x0] =	vst v15;
	v15 =	vbroadcast v51, $0x0;
	v30 =	vld [tilespmem:s7+$0xFFFFFFF0];
	(xrf2) =	vadd.scan.msk.f32 $0xffff, v31  }
0x221: {  	v41 =	vld [tilespmem:s1+$0xFFFFFF90];
	v18 =	vbroadcast v18, $0x0;
	v55 =	vbroadcast v14, $0x0;
	v57, _, _ =	vpop (xrf2);
	(v2sf) =	vpush v19, $0xF  }
0x222: {  	v52 =	vmov s9;
	v54 =	vld [tilespmem:s1+$0x10];
	(erf) = vpow2.f32 v15;
	(v2sf) =	vpush v57, $0xF  }
0x223: {  	v58 =	vunpack.i.u.bf16.f32 v43;
	v14 =	vld [tilespmem:s7+$0x10];
	v38 =	vmul.f32 $1.442695020e+00, v52;
	(erf) = vpow2.f32 v18;
	(xrf2) =	vadd.scan.msk.f32 $0xffff, v33;
	v61, _, _ =	vpop (xrf2)  }
0x224: {  	v43 =	vunpack.i.l.bf16.f32 v43;
	v63 =	vld [tilespmem:s1+$0x30];
	s9 =	smul.f32 $2.500000000e-01, s29;
	(erf) = vpow2.f32 v55;
	(v2sf) =	vpush v61, $0xF  }
0x225: {  	v44 =	vunpack.i.u.bf16.f32 v30;
	v30 =	vunpack.i.l.bf16.f32 v30;
	v38 =	vbroadcast v38, $0x0  }
0x226: {  	v21 =	vmov s9;
	v31 =	vunpack.i.u.bf16.f32 v42;
	v30 =	vmul.f32 v30, v43;
	(xrf2) =	vadd.scan.msk.f32 $0xffff, v4  }
0x227: {  	v21 =	vmul.f32 $1.442695020e+00, v21;
	v5 =	vunpack.i.u.bf16.f32 v41;
	v60 =	vunpack.i.l.bf16.f32 v54;
	v4, _, _ =	vpop (xrf2)  }
0x228: {  	v62 =	vunpack.i.l.bf16.f32 v14;
	v19 =	vunpack.i.l.bf16.f32 v41;
	(v2sf) =	vpush v4, $0xF  }
0x229: {  	v14 =	vunpack.i.u.bf16.f32 v14;
	v18 =	vunpack.i.l.bf16.f32 v63;
	v19 =	vmul.f32 v56, v19  }
0x22a: {  	(erf) = vpow2.f32 v38;
	v31 =	vmul.f32 v31, v5;
	v5 =	vunpack.i.u.bf16.f32 v54;
	s8 =	spop (v2sf);
	v15, _, _ =	vpop (xrf2)  }
0x22b: {  	v41 =	vmul.f32 v44, v58;
	v33 =	vmul.f32 v62, v60;
	(xrf2) =	vadd.scan.msk.f32 $0xffff, v19;
	s7 =	smul.f32 $2.500000000e-01, s8;
	(v2sf) =	vpush v15, $0xF  }
0x22c: {  	v49 =	vmul.f32 v14, v5;
	v5 =	vunpack.i.u.bf16.f32 v59;
	(xrf2) =	vadd.scan.msk.f32 $0xffff, v31;
	v31 =	vunpack.i.l.bf16.f32 v48  }
0x22d: {  	v47 =	vbroadcast v21, $0x0;
	v51, _, _ =	vpop (xrf2);
	v28 =	vmul.f32 v28, v31;
	v31 =	vmov s7;
	s9 =	spop (v2sf)  }
0x22e: {  	v54 =	vpop (erf);
	v14 =	vunpack.i.u.bf16.f32 v63;
	(xrf2) =	vadd.scan.msk.f32 $0xffff, v30;
	v30 =	vmul.f32 $1.442695020e+00, v31;
	(v2sf) =	vpush v51, $0xF;
	s8 =	smul.f32 $2.500000000e-01, s9;
	s10 =	spop (v2sf)  }
0x22f: {  	v21 =	vsel vm1, v32, v34;
	v26 =	vsel vm2, v26, v54;
	v23 =	vmul.f32 v54, v23;
	s9 =	smul.f32 $2.500000000e-01, s10  }
0x230: {  	v45 =	vld [tilespmem:s1+$0xFFFFFFF0];
	(erf) = vpow2.f32 v47;
	v31, _, _ =	vpop (xrf2);
	v30 =	vbroadcast v30, $0x0;
	(xrf2) =	vadd.scan.msk.f32 $0xffff, v41;
	s11 =	spop (v2sf);
	v52 =	vmov s8  }
0x231: {  	v56 =	vpop (erf);
	(v2sf) =	vpush v31, $0xF;
	s7 =	smul.f32 $2.500000000e-01, s11;
	s12 =	spop (v2sf);
	v31 =	vmul.f32 $1.442695020e+00, v52;
	v53 =	vmov s9  }
0x232: {  	[tilespmem:s0+$0x80] =	vst v29;
	v29 =	vmul.f32 v56, v17;
	v61 =	vsel vm3, v26, v56;
	s8 =	smul.f32 $2.500000000e-01, s12;
	v32 =	vmul.f32 $1.442695020e+00, v53  }
0x233: {  	(erf) = vpow2.f32 v30;
	s13 =	spop (v2sf);
	v55 =	vmov s7;
	v31 =	vbroadcast v31, $0x0  }
0x234: {  	s7 =	smul.f32 $2.500000000e-01, s13;
	v35 =	vmul.f32 $1.442695020e+00, v55;
	v58 =	vmov s8;
	v30 =	vbroadcast v32, $0x0  }
0x235: {  	[tilespmem:s0+$0x90] =	vst v27;
	v59 =	vpop (erf);
	v19 =	vunpack.i.u.bf16.f32 v45;
	v27 =	vmul.f32 $1.442695020e+00, v58;
	(erf) = vpow2.f32 v31  }
0x236: {  	[tilespmem:s0+$0x70] =	vst v28;
	v57, _, _ =	vpop (xrf2);
	v28 =	vmov s7;
	v35 =	vbroadcast v35, $0x0;
	(erf) = vpow2.f32 v30  }
0x237: {  	v4 =	vunpack.i.l.bf16.f32 v45;
	(v2sf) =	vpush v57, $0xF;
	v60, _, _ =	vpop (xrf2);
	v28 =	vmul.f32 $1.442695020e+00, v28;
	s19 =	spop (v2sf)  }
0x238: {  	(xrf2) =	vadd.scan.msk.f32 $0xffff, v33;
	(v2sf) =	vpush v60, $0xF;
	v26, _, _ =	vpop (xrf2);
	v27 =	vbroadcast v27, $0x0;
	(erf) = vpow2.f32 v35;
	s7 =	smul.f32 $2.500000000e-01, s19  }
0x239: {  	v15 =	vsel vm1, v46, v40;
	(v2sf) =	vpush v26, $0xF;
	v30 =	vsel vm2, v25, v59;
	v31 =	vpop (erf)  }
0x23a: {  	[tilespmem:s0+$0xFFFFFF80] =	vst v23;
	v33 =	vld [tilespmem:s14+$0x60];
	v62 =	vbroadcast v28, $0x0;
	v32, _, _ =	vpop (xrf2);
	(erf) = vpow2.f32 v27;
	s20 =	spop (v2sf);
	v28 =	vmov s7  }
0x23b: {  	[tilespmem:s0+$0xFFFFFFA0] =	vst v61;
	v25 =	vpop (erf);
	v27 =	vmul.f32 v31, v10;
	v26 =	vsel vm3, v30, v31;
	s29 =	smul.f32 $2.500000000e-01, s20;
	v63 =	vmul.f32 $1.442695020e+00, v28  }
0x23c: {  	s10 =	simm.s32 $0x8;
	s9 =	simm.s32 $0xDAC0;
	(xrf2) =	vadd.scan.msk.f32 $0xffff, v49;
	v30 =	vnsel vm0, $0x0, v24;
	v16 =	vsel vm2, v16, v25;
	v17 =	vpop (erf);
	v28 =	vmul.f32 v59, v22  }
0x23d: {  	[tilespmem:s0+$0xFFFFFF90] =	vst v29;
	s8 =	simm.s32 $0xD020;
	(erf) = vpow2.f32 v62;
	s7 =	simm.s32 $0xB460;
	v10 =	vpop (erf);
	v23 =	vmov s29;
	s11 =	spop (v2sf);
	v22 =	vbroadcast v63, $0x0  }
.LBB2_7:
0x23e: {  	v31 =	vld [tilespmem:s7+$0x40];
	v29 =	vmul.f32 $1.442695020e+00, v23;
	s11 =	smul.f32 $2.500000000e-01, s11;
	s6 =	sadd.s32 $0x80, s6;
	v34 =	vsel vm1, v30, v3;
	(v2sf) =	vpush v32, $0xF;
	v23 =	vpop (erf);
	[tilespmem:s0+$0xFFFFFFD0] =	vst v28  }
0x23f: {  	v30 =	vld [tilespmem:s6+$0x20];
	v28 =	vunpack.i.l.bf16.f32 v33;
	(erf) = vpow2.f32 v22;
	v35 =	vsel vm2, v34, v23;
	v24 =	vpop (erf);
	[tilespmem:s0+$0xFFFFFFE0] =	vst v27  }
0x240: {  	v25 =	vmul.f32 v25, v1;
	v32 =	vunpack.i.u.bf16.f32 v33;
	v33 =	vmul.f32 v10, v28;
	s12 =	spop (v2sf)  }
0x241: {  	v27 =	vld [tilespmem:s6+$0xFFFFFFC0];
	v3 =	vpop (erf);
	v34 =	vsel vm3, v35, v24;
	[tilespmem:s0+$0xFFFFFFF0] =	vst v26;
	v26 =	vbroadcast v29, $0x0;
	v29 =	vmov s11;
	s11 =	smul.f32 $2.500000000e-01, s12  }
0x242: {  	s9 =	sadd.s32 $0x140, s9;
	v41 =	vmul.f32 v17, v2;
	v37 =	vmul.f32 v3, v32;
	v28 =	vld [tilespmem:s1+$0x70];
	[tilespmem:s4+$0x90] =	vst v34;
	v22, _, _ =	vpop (xrf2);
	s1 =	smov.u32 s14  }
0x243: {  	v1 =	vmovc v18;
	v35 =	vmul.f32 $1.442695020e+00, v29;
	s14 =	smov.u32 s7;
	v34 =	vld [tilespmem:s7+$0xFFFFFFC0];
	[tilespmem:s9+$0x50] =	vst v33;
	(v2sf) =	vpush v22, $0xF;
	v22 =	vmovc v19;
	v19 =	vmov s11  }
0x244: {  	v18 =	vld [tilespmem:s6+$0xFFFFFFE0];
	[tilespmem:s9+$0x60] =	vst v37;
	v32 =	vpop (erf);
	(erf) = vpow2.f32 v26;
	v26 =	vunpack.i.l.bf16.f32 v31;
	v40 =	vunpack.i.l.bf16.f32 v30  }
0x245: {  	[tilespmem:s0+$0x20] =	vst v25;
	v25 =	vmul.f32 v40, v26  }
0x246: {  	v19 =	vmul.f32 $1.442695020e+00, v19;
	v33 =	vld [tilespmem:s1+$0x50];
	s11 =	spop (v2sf);
	v36, _, _ =	vpop (xrf2)  }
0x247: {  	v37 =	vunpack.i.u.bf16.f32 v27;
	v38 =	vunpack.i.l.bf16.f32 v27;
	v39 =	vld [tilespmem:s8+$0x30];
	v29 =	vpop (erf);
	s11 =	smul.f32 $2.500000000e-01, s11;
	[tilespmem:s0+$0x30] =	vst v41;
	v26 =	vbroadcast v35, $0x0  }
0x248: {  	v2 =	vmovc v14;
	v27 =	vmov v21;
	v40 =	vld [tilespmem:s7+$0x0];
	v19 =	vbroadcast v19, $0x0;
	s12 =	spop (v2sf);
	(v2sf) =	vpush v36, $0xF  }
0x249: {  	v30 =	vunpack.i.u.bf16.f32 v30;
	v36 =	vunpack.i.u.bf16.f32 v31;
	v21 =	vunpack.i.u.bf16.f32 v34;
	v35 =	vld [tilespmem:s6+$0x0];
	(xrf2) =	vadd.scan.msk.f32 $0xffff, v25;
	s12 =	smul.f32 $2.500000000e-01, s12;
	v25 =	vmovc v20  }
0x24a: {  	v31 =	vunpack.i.l.bf16.f32 v34;
	v30 =	vmul.f32 v30, v36;
	v34 =	vunpack.i.u.bf16.f32 v18;
	v20 =	vld [tilespmem:s7+$0xFFFFFF80];
	v14 =	vpop (erf)  }
0x24b: {  	v18 =	vunpack.i.l.bf16.f32 v18;
	v21 =	vmul.f32 v34, v21;
	v36 =	vld [tilespmem:s7+$0xFFFFFFA0];
	(erf) = vpow2.f32 v26;
	v26 =	vmovc v15  }
0x24c: {  	v18 =	vmul.f32 v18, v31;
	v43 =	vunpack.i.l.bf16.f32 v33;
	v34 =	vld [tilespmem:s7+$0xFFFFFFE0];
	(xrf2) =	vadd.scan.msk.f32 $0xffff, v30;
	v30 =	vunpack.i.l.bf16.f32 v39;
	s13 =	spop (v2sf)  }
0x24d: {  	v41 =	vunpack.i.u.bf16.f32 v40;
	v40 =	vunpack.i.l.bf16.f32 v40;
	v31 =	vld [tilespmem:s7+$0x20];
	v30 =	vmul.f32 v30, v43;
	s13 =	smul.f32 $2.500000000e-01, s13  }
0x24e: {  	s10 =	sadd.s32 $0x4, s10;
	v42 =	vunpack.i.u.bf16.f32 v35;
	v35 =	vunpack.i.l.bf16.f32 v35;
	v15 =	vpop (erf);
	(erf) = vpow2.f32 v19  }
0x24f: {  	p0 =	slt.u32 s10, $0x4C;
	v33 =	vunpack.i.u.bf16.f32 v33;
	v39 =	vunpack.i.u.bf16.f32 v39;
	v19 =	vunpack.i.u.bf16.f32 v20;
	(xrf2) =	vadd.scan.msk.f32 $0xffff, v30;
	s19 =	spop (v2sf)  }
0x250: {  	v20 =	vunpack.i.l.bf16.f32 v20;
	v30 =	vmul.f32 v39, v33;
	v19 =	vmul.f32 v37, v19;
	s19 =	smul.f32 $2.500000000e-01, s19  }
0x251: {  	v35 =	vmul.f32 v35, v40;
	v33 =	vunpack.i.u.bf16.f32 v36;
	v20 =	vmul.f32 v38, v20  }
0x252: {  	v36 =	vunpack.i.l.bf16.f32 v36;
	v38 =	vmul.f32 v42, v41;
	v37 =	vunpack.i.u.bf16.f32 v34;
	(xrf2) =	vadd.scan.msk.f32 $0xffff, v30  }
0x253: {  	v30 =	vunpack.i.l.bf16.f32 v34;
	v34 =	vunpack.i.u.bf16.f32 v31;
	v31 =	vunpack.i.l.bf16.f32 v31;
	v39, _, _ =	vpop (xrf2);
	s20 =	spop (v2sf)  }
0x254: {  	v11 =	vmul.f32 v32, v11;
	v44 =	vmul.f32 v29, v7;
	v42 =	vmov s11;
	v41 =	vpop (erf);
	s11 =	smul.f32 $2.500000000e-01, s20  }
0x255: {  	v12 =	vmul.f32 v14, v12;
	v9 =	vmul.f32 v15, v9;
	v7 =	vmovc v33;
	(xrf2) =	vadd.scan.msk.f32 $0xffff, v20;
	v20 =	vmov s12  }
0x256: {  	v46 =	vmov s13;
	v43 =	vmov s19;
	v13 =	vmul.f32 v41, v13;
	v33, _, _ =	vpop (xrf2);
	[tilespmem:s9+$0xFFFFFF60] =	vst v11  }
0x257: {  	v42 =	vmul.f32 $1.442695020e+00, v42;
	v20 =	vmul.f32 $1.442695020e+00, v20;
	[tilespmem:s9+$0xFFFFFF70] =	vst v44;
	v40 =	vpop (erf);
	v44 =	vmov s11;
	s11 =	spop (v2sf)  }
0x258: {  	v45 =	vmul.f32 $1.442695020e+00, v46;
	v11 =	vmovc v36;
	(xrf2) =	vadd.scan.msk.f32 $0xffff, v19;
	v19 =	vld [tilespmem:s1+$0xFFFFFF90];
	[tilespmem:s9+$0xFFFFFFB0] =	vst v12;
	v48 =	vmul.f32 v40, v8;
	s11 =	smul.f32 $2.500000000e-01, s11  }
0x259: {  	v32 =	vnsel vm0, $0x0, v32;
	v43 =	vmul.f32 $1.442695020e+00, v43;
	v44 =	vmul.f32 $1.442695020e+00, v44;
	v36 =	vld [tilespmem:s8+$0xFFFFFFD0];
	[tilespmem:s9+$0xFFFFFFC0] =	vst v9;
	v46, _, _ =	vpop (xrf2)  }
0x25a: {  	v42 =	vbroadcast v42, $0x0;
	v20 =	vbroadcast v20, $0x0;
	v12 =	vmovc v30;
	v9 =	vmovc v37;
	v47 =	vld [tilespmem:s1+$0xFFFFFFD0];
	[tilespmem:s9+$0x0] =	vst v13;
	v49 =	vmov s11  }
0x25b: {  	v8 =	vmovc v34;
	(xrf2) =	vadd.scan.msk.f32 $0xffff, v18;
	(v2sf) =	vpush v39, $0xF;
	v18 =	vld [tilespmem:s8+$0xFFFFFFF0];
	[tilespmem:s9+$0x10] =	vst v48;
	v30 =	vmul.f32 $1.442695020e+00, v49  }
0x25c: {  	v37 =	vbroadcast v45, $0x0;
	v39 =	vbroadcast v43, $0x0;
	v34 =	vld [tilespmem:s1+$0x10];
	(v2sf) =	vpush v46, $0xF;
	v13, _, _ =	vpop (xrf2)  }
0x25d: {  	v43 =	vunpack.i.u.bf16.f32 v19;
	v19 =	vunpack.i.l.bf16.f32 v19;
	v45 =	vld [tilespmem:s8+$0x10];
	(v2sf) =	vpush v13, $0xF;
	v13 =	vmovc v31;
	s8 =	smov.u32 s6  }
0x25e: {  	(xrf2) =	vadd.scan.msk.f32 $0xffff, v21;
	(v2sf) =	vpush v33, $0xF;
	v21 =	vld [tilespmem:s1+$0xFFFFFFB0];
	v31 =	vunpack.i.u.bf16.f32 v36;
	v33 =	vunpack.i.l.bf16.f32 v36  }
0x25f: {  	v36, _, _ =	vpop (xrf2);
	v33 =	vmul.f32 v33, v19;
	v46 =	vld [tilespmem:s1+$0xFFFFFFF0];
	v19 =	vunpack.i.u.bf16.f32 v47;
	v47 =	vunpack.i.l.bf16.f32 v47  }
0x260: {  	(v2sf) =	vpush v36, $0xF;
	v36 =	vunpack.i.u.bf16.f32 v18;
	v18 =	vunpack.i.l.bf16.f32 v18;
	v48 =	vld [tilespmem:s1+$0x30]  }
0x261: {  	v31 =	vmul.f32 v31, v43;
	(xrf2) =	vadd.scan.msk.f32 $0xffff, v35;
	v35 =	vunpack.i.u.bf16.f32 v34;
	v34 =	vunpack.i.l.bf16.f32 v34  }
0x262: {  	v47 =	vmul.f32 v18, v47;
	v43, _, _ =	vpop (xrf2);
	v18 =	vunpack.i.u.bf16.f32 v45;
	v45 =	vunpack.i.l.bf16.f32 v45  }
0x263: {  	v36 =	vmul.f32 v36, v19;
	(v2sf) =	vpush v43, $0xF;
	v34 =	vmul.f32 v45, v34  }
0x264: {  	v35 =	vmul.f32 v18, v35;
	v43 =	vbroadcast v44, $0x0;
	(xrf2) =	vadd.scan.msk.f32 $0xffff, v38;
	v38 =	vnsel vm0, $0x0, v14  }
0x265: {  	v41 =	vnsel vm0, $0x0, v41;
	v30 =	vbroadcast v30, $0x0;
	v44 =	vunpack.i.u.bf16.f32 v21;
	v14, _, _ =	vpop (xrf2)  }
0x266: {  	v45 =	vunpack.i.l.bf16.f32 v21;
	(v2sf) =	vpush v14, $0xF;
	(erf) = vpow2.f32 v42  }
0x267: {  	v19 =	vunpack.i.u.bf16.f32 v46;
	v42 =	vunpack.i.l.bf16.f32 v46;
	(xrf2) =	vadd.scan.msk.f32 $0xffff, v33;
	(erf) = vpow2.f32 v20  }
0x268: {  	v18 =	vunpack.i.l.bf16.f32 v48;
	v14 =	vunpack.i.u.bf16.f32 v48;
	v33 =	vunpack.i.u.bf16.f32 v28;
	v20, _, _ =	vpop (xrf2)  }
0x269: {  	v28 =	vunpack.i.l.bf16.f32 v28;
	(v2sf) =	vpush v20, $0xF;
	(erf) = vpow2.f32 v37  }
0x26a: {  	v21 =	vsel vm1, v32, v29;
	v20 =	vsel vm1, v38, v15;
	s11 =	spop (v2sf);
	(xrf2) =	vadd.scan.msk.f32 $0xffff, v31;
	(erf) = vpow2.f32 v39  }
0x26b: {  	v23 =	vmul.f32 v23, v28;
	v24 =	vmul.f32 v24, v33;
	v15 =	vsel vm1, v41, v40;
	s11 =	smul.f32 $2.500000000e-01, s11;
	v29, _, _ =	vpop (xrf2);
	s12 =	spop (v2sf)  }
0x26c: {  	v16 =	vsel vm3, v16, v17;
	(v2sf) =	vpush v29, $0xF;
	s12 =	smul.f32 $2.500000000e-01, s12;
	s13 =	spop (v2sf);
	(erf) = vpow2.f32 v43  }
0x26d: {  	v28 =	vmov s11;
	s11 =	spop (v2sf);
	s13 =	smul.f32 $2.500000000e-01, s13;
	(xrf2) =	vadd.scan.msk.f32 $0xffff, v47;
	(erf) = vpow2.f32 v30;
	[tilespmem:s0+$0x40] =	vst v16;
	s0 =	smov.u32 s4  }
0x26e: {  	s4 =	smov.u32 s9;
	v16 =	vmul.f32 $1.442695020e+00, v28;
	s11 =	smul.f32 $2.500000000e-01, s11;
	v17, _, _ =	vpop (xrf2);
	v28 =	vmov s12;
	[tilespmem:s0+$0x70] =	vst v23  }
0x26f: {  	s12 =	spop (v2sf);
	(v2sf) =	vpush v17, $0xF;
	v17 =	vmul.f32 $1.442695020e+00, v28;
	v23 =	vmov s13;
	[tilespmem:s0+$0x80] =	vst v24;
	v24 =	vpop (erf)  }
0x270: {  	s12 =	smul.f32 $2.500000000e-01, s12;
	v16 =	vbroadcast v16, $0x0;
	v28 =	vmov s11;
	v32 =	vmul.f32 $1.442695020e+00, v23;
	(xrf2) =	vadd.scan.msk.f32 $0xffff, v36;
	v29 =	vpop (erf)  }
0x271: {  	v27 =	vsel vm2, v27, v24;
	v28 =	vmul.f32 $1.442695020e+00, v28;
	v17 =	vbroadcast v17, $0x0;
	v30, _, _ =	vpop (xrf2)  }
0x272: {  	v33 =	vmov s12;
	s11 =	spop (v2sf);
	(erf) = vpow2.f32 v16;
	v16 =	vbroadcast v32, $0x0;
	v23 =	vpop (erf)  }
0x273: {  	s11 =	smul.f32 $2.500000000e-01, s11;
	v28 =	vbroadcast v28, $0x0;
	(v2sf) =	vpush v30, $0xF;
	(erf) = vpow2.f32 v17;
	v30 =	vpop (erf)  }
0x274: {  	v32 =	vmul.f32 $1.442695020e+00, v33;
	v36 =	vsel vm2, v25, v23;
	v31, _, _ =	vpop (xrf2);
	(erf) = vpow2.f32 v16  }
0x275: {  	v16 =	vmov s11;
	s11 =	spop (v2sf);
	(erf) = vpow2.f32 v28;
	(v2sf) =	vpush v31, $0xF;
	(xrf2) =	vadd.scan.msk.f32 $0xffff, v34;
	v25 =	vpop (erf)  }
0x276: {  	v28 =	vbroadcast v32, $0x0;
	v31 =	vmul.f32 $1.442695020e+00, v16;
	s11 =	smul.f32 $2.500000000e-01, s11;
	v16 =	vsel vm2, v26, v25;
	v17 =	vpop (erf)  }
.Ltmp2:
0x277: {  	v34 =	vmul.f32 v24, v6;
	v24 =	vmul.f32 v29, v5;
	v29 =	vsel vm3, v27, v29;
	v26, _, _ =	vpop (xrf2);
	(pc) =	sbr.rel @p0 .LBB2_7-.Ltmp2, $4  }
0x278: {  	v5 =	vmovc v44;
	v27 =	vbroadcast v31, $0x0;
	v31 =	vmov s11;
	v33 =	vld [tilespmem:s7+$0x60];
	(erf) = vpow2.f32 v28;
	s11 =	spop (v2sf);
	(xrf2) =	vadd.scan.msk.f32 $0xffff, v35  }
0x279: {  	v6 =	vmovc v45;
	v28 =	vmul.f32 v23, v4;
	v4 =	vmovc v42;
	v31 =	vmul.f32 $1.442695020e+00, v31;
	s11 =	smul.f32 $2.500000000e-01, s11;
	(v2sf) =	vpush v26, $0xF;
	[tilespmem:s0+$0xFFFFFF80] =	vst v34  }
0x27a: {  	v26 =	vsel vm3, v36, v30;
	(erf) = vpow2.f32 v27;
	v32, _, _ =	vpop (xrf2);
	[tilespmem:s0+$0xFFFFFF90] =	vst v24;
	v27 =	vmul.f32 v30, v22  }
0x27b: {  	s7 =	sadd.s32 $0x100, s7;
	v30 =	vnsel vm0, $0x0, v10;
	v22 =	vbroadcast v31, $0x0;
	v23 =	vmov s11;
	s11 =	spop (v2sf);
	v10 =	vpop (erf);
	[tilespmem:s0+$0xFFFFFFA0] =	vst v29  }
0x27c: {  	_ = 	snop  }
0x27d: {  	s6 =	smul.f32 $2.500000000e-01, s11;
	v23 =	vmul.f32 $1.442695020e+00, v23;
	v24 =	vunpack.i.l.bf16.f32 v33  }
0x27e: {  	v31 =	vpop (erf);
	s7 =	spop (v2sf)  }
0x27f: {  	(erf) = vpow2.f32 v22;
	v29 =	vpop (erf);
	v34 =	vmov s6;
	v23 =	vbroadcast v23, $0x0;
	s7 =	smul.f32 $2.500000000e-01, s7  }
0x280: {  	v42 =	vunpack.i.u.bf16.f32 v33;
	v43 =	vmul.f32 v10, v24;
	v34 =	vmul.f32 $1.442695020e+00, v34;
	v24 =	vpop (erf)  }
0x281: {  	s6 =	sadd.s32 $0x140, s9;
	(erf) = vpow2.f32 v23;
	v35 =	vmov s7;
	v22 =	vmul.f32 v24, v42  }
0x282: {  	[tilespmem:s6+$0x50] =	vst v43;
	v35 =	vmul.f32 $1.442695020e+00, v35  }
0x283: {  	v44 =	vbroadcast v34, $0x0;
	[tilespmem:s6+$0x60] =	vst v22  }
0x284: {  	v45 =	vbroadcast v35, $0x0;
	v33 =	vld [tilespmem:s14+$0x50]  }
0x285: {  	(erf) = vpow2.f32 v44;
	v46 =	vld [tilespmem:s8+$0x30]  }
0x286: {  	v23 =	vpop (erf);
	(erf) = vpow2.f32 v45  }
0x287: {  	v47 =	vmul.f32 v23, v11;
	v22 =	vpop (erf)  }
0x288: {  	v36 =	vmul.f32 v22, v7  }
0x289: {  	[tilespmem:s6+$0xFFFFFF60] =	vst v47;
	v11 =	vpop (erf)  }
0x28a: {  	v50 =	vmul.f32 v11, v12;
	[tilespmem:s6+$0xFFFFFF70] =	vst v36;
	v48 =	vunpack.i.l.bf16.f32 v33;
	v37 =	vunpack.i.l.bf16.f32 v46;
	v7 =	vpop (erf)  }
0x28b: {  	v36 =	vld [tilespmem:s14+$0xFFFFFF90];
	v49 =	vmul.f32 v37, v48;
	v53 =	vmul.f32 v7, v9  }
0x28c: {  	v51 =	vunpack.i.u.bf16.f32 v33;
	v52 =	vunpack.i.u.bf16.f32 v46;
	[tilespmem:s6+$0xFFFFFFB0] =	vst v50;
	v54 =	vld [tilespmem:s8+$0xFFFFFFD0]  }
0x28d: {  	v33 =	vmul.f32 v52, v51;
	(xrf2) =	vadd.scan.msk.f32 $0xffff, v49;
	[tilespmem:s6+$0xFFFFFFC0] =	vst v53  }
0x28e: {  	v12 =	vpop (erf);
	v55 =	vld [tilespmem:s14+$0xFFFFFFD0]  }
0x28f: {  	v13 =	vmul.f32 v12, v13;
	(xrf2) =	vadd.scan.msk.f32 $0xffff, v33;
	v56 =	vld [tilespmem:s8+$0xFFFFFFF0];
	v9 =	vpop (erf)  }
0x290: {  	v8 =	vmul.f32 v9, v8  }
0x291: {  	v57 =	vunpack.i.l.bf16.f32 v36;
	v58 =	vunpack.i.l.bf16.f32 v54;
	[tilespmem:s6+$0x0] =	vst v13  }
0x292: {  	(v2sf) =	vpush v32, $0xF;
	v32 =	vmul.f32 v58, v57;
	[tilespmem:s6+$0x10] =	vst v8  }
0x293: {  	v59, _, _ =	vpop (xrf2);
	v36 =	vunpack.i.u.bf16.f32 v36;
	v35 =	vunpack.i.u.bf16.f32 v54;
	v8 =	vld [tilespmem:s14+$0x10]  }
0x294: {  	v60, _, _ =	vpop (xrf2);
	v35 =	vmul.f32 v35, v36;
	(xrf2) =	vadd.scan.msk.f32 $0xffff, v32;
	v61 =	vunpack.i.l.bf16.f32 v55;
	v62 =	vunpack.i.l.bf16.f32 v56;
	v38 =	vld [tilespmem:s8+$0x10]  }
0x295: {  	v37 =	vmul.f32 v62, v61  }
0x296: {  	(v2sf) =	vpush v59, $0xF;
	v63 =	vunpack.i.u.bf16.f32 v55;
	v13 =	vunpack.i.u.bf16.f32 v56;
	(xrf2) =	vadd.scan.msk.f32 $0xffff, v35  }
0x297: {  	(v2sf) =	vpush v60, $0xF;
	v13 =	vmul.f32 v13, v63;
	v39, _, _ =	vpop (xrf2);
	(xrf2) =	vadd.scan.msk.f32 $0xffff, v37  }
0x298: {  	(v2sf) =	vpush v39, $0xF  }
0x299: {  	v42, _, _ =	vpop (xrf2);
	(xrf2) =	vadd.scan.msk.f32 $0xffff, v13;
	v40 =	vunpack.i.l.bf16.f32 v8;
	v41 =	vunpack.i.l.bf16.f32 v38;
	v8 =	vunpack.i.u.bf16.f32 v8  }
0x29a: {  	v43 =	vunpack.i.u.bf16.f32 v38;
	(v2sf) =	vpush v42, $0xF;
	v32 =	vmul.f32 v41, v40  }
0x29b: {  	v8 =	vmul.f32 v43, v8  }
0x29c: {  	(xrf2) =	vadd.scan.msk.f32 $0xffff, v32  }
0x29d: {  	(xrf2) =	vadd.scan.msk.f32 $0xffff, v8  }
0x29e: {  	s9 =	spop (v2sf);
	v44, _, _ =	vpop (xrf2)  }
0x29f: {  	s7 =	smul.f32 $2.500000000e-01, s9;
	s10 =	spop (v2sf);
	(v2sf) =	vpush v44, $0xF  }
0x2a0: {  	s8 =	smul.f32 $2.500000000e-01, s10;
	v45, _, _ =	vpop (xrf2)  }
0x2a1: {  	v1 =	vmul.f32 v25, v1;
	s11 =	spop (v2sf);
	v46 =	vmov s7;
	(v2sf) =	vpush v45, $0xF;
	v49, _, _ =	vpop (xrf2)  }
0x2a2: {  	s9 =	smul.f32 $2.500000000e-01, s11;
	s12 =	spop (v2sf);
	v47 =	vmov s8;
	v32 =	vmul.f32 $1.442695020e+00, v46;
	(v2sf) =	vpush v49, $0xF  }
0x2a3: {  	v2 =	vmul.f32 v17, v2;
	s7 =	smul.f32 $2.500000000e-01, s12;
	v8 =	vmul.f32 $1.442695020e+00, v47;
	v50, _, _ =	vpop (xrf2)  }
0x2a4: {  	v48 =	vmov s9;
	v54 =	vld [tilespmem:s1+$0x70];
	v32 =	vbroadcast v32, $0x0;
	(v2sf) =	vpush v50, $0xF  }
0x2a5: {  	v51 =	vmov s7;
	v13 =	vmul.f32 $1.442695020e+00, v48;
	v8 =	vbroadcast v8, $0x0  }
0x2a6: {  	v3 =	vsel vm1, v30, v3;
	s13 =	spop (v2sf);
	v33 =	vmul.f32 $1.442695020e+00, v51;
	(erf) = vpow2.f32 v32;
	v52, _, _ =	vpop (xrf2)  }
0x2a7: {  	s19 =	spop (v2sf);
	s8 =	smul.f32 $2.500000000e-01, s13;
	v13 =	vbroadcast v13, $0x0;
	(erf) = vpow2.f32 v8;
	(v2sf) =	vpush v52, $0xF;
	v53, _, _ =	vpop (xrf2)  }
0x2a8: {  	v16 =	vsel vm3, v16, v17;
	s7 =	smul.f32 $2.500000000e-01, s19;
	v57 =	vbroadcast v33, $0x0;
	s20 =	spop (v2sf);
	(v2sf) =	vpush v53, $0xF  }
0x2a9: {  	v59 =	vunpack.i.l.bf16.f32 v54;
	v55 =	vmov s8;
	(erf) = vpow2.f32 v13;
	s29 =	spop (v2sf);
	s1 =	smul.f32 $2.500000000e-01, s20  }
0x2aa: {  	v30 =	vmul.f32 v31, v59;
	v56 =	vmov s7;
	v8 =	vmul.f32 $1.442695020e+00, v55;
	s7 =	smul.f32 $2.500000000e-01, s29  }
0x2ab: {  	v13 =	vmul.f32 $1.442695020e+00, v56;
	(erf) = vpow2.f32 v57;
	v58 =	vmov s1  }
0x2ac: {  	v8 =	vbroadcast v8, $0x0;
	v25 =	vmul.f32 $1.442695020e+00, v58;
	v60 =	vmov s7  }
0x2ad: {  	v3 =	vsel vm2, v3, v31;
	v13 =	vbroadcast v13, $0x0;
	v61 =	vmul.f32 $1.442695020e+00, v60  }
0x2ae: {  	v3 =	vsel vm3, v3, v29;
	(erf) = vpow2.f32 v8;
	s8 =	spop (v2sf);
	v25 =	vbroadcast v25, $0x0  }
0x2af: {  	[tilespmem:s0+$0xFFFFFFD0] =	vst v28;
	v63 =	vunpack.i.u.bf16.f32 v54;
	v62 =	vpop (erf);
	(erf) = vpow2.f32 v13;
	s1 =	smul.f32 $2.500000000e-01, s8;
	v33 =	vbroadcast v61, $0x0  }
0x2b0: {  	[tilespmem:s4+$0x90] =	vst v3;
	v34 =	vmul.f32 v29, v63;
	v32 =	vpop (erf);
	v3 =	vsel vm2, v21, v62;
	s9 =	spop (v2sf);
	(erf) = vpow2.f32 v25  }
0x2b1: {  	[tilespmem:s0+$0x20] =	vst v1;
	v1 =	vmul.f32 v62, v6;
	s7 =	smul.f32 $2.500000000e-01, s9;
	v36 =	vmov s1;
	(erf) = vpow2.f32 v33;
	s10 =	spop (v2sf)  }
0x2b2: {  	[tilespmem:s0+$0xFFFFFFE0] =	vst v27;
	v35 =	vpop (erf);
	v5 =	vmul.f32 v32, v5;
	v3 =	vsel vm3, v3, v32;
	v6 =	vmul.f32 $1.442695020e+00, v36;
	s11 =	smul.f32 $2.500000000e-01, s10  }
0x2b3: {  	[tilespmem:s0+$0x40] =	vst v16;
	v20 =	vsel vm2, v20, v35;
	v4 =	vmul.f32 v35, v4;
	v37 =	vmov s7;
	s12 =	spop (v2sf)  }
0x2b4: {  	[tilespmem:s0+$0x30] =	vst v2;
	v2 =	vpop (erf);
	v8 =	vmul.f32 $1.442695020e+00, v37;
	v6 =	vbroadcast v6, $0x0;
	s13 =	smul.f32 $2.500000000e-01, s12;
	v39 =	vmov s11  }
0x2b5: {  	[tilespmem:s4+$0xFFFFFF80] =	vst v1;
	v1 =	vnsel vm0, $0x0, v10;
	v38 =	vmul.f32 v2, v19;
	v16 =	vmul.f32 $1.442695020e+00, v39  }
0x2b6: {  	[tilespmem:s0+$0xFFFFFFF0] =	vst v26;
	v8 =	vbroadcast v8, $0x0;
	(erf) = vpow2.f32 v6;
	v40 =	vmov s13;
	s19 =	spop (v2sf)  }
0x2b7: {  	[tilespmem:s4+$0xFFFFFFA0] =	vst v3;
	v2 =	vsel vm3, v20, v2;
	v42 =	vpop (erf);
	v41 =	vmul.f32 $1.442695020e+00, v40;
	s20 =	smul.f32 $2.500000000e-01, s19;
	s29 =	spop (v2sf);
	v16 =	vbroadcast v16, $0x0  }
0x2b8: {  	v3 =	vld [tilespmem:s14+$0x70];
	v1 =	vsel vm1, v1, v24;
	[tilespmem:s4+$0xFFFFFFF0] =	vst v2;
	v2 =	vmul.f32 v42, v18;
	v44 =	vpop (erf);
	(erf) = vpow2.f32 v8;
	s0 =	smul.f32 $2.500000000e-01, s29  }
0x2b9: {  	[tilespmem:s4+$0x70] =	vst v30;
	v10 =	vbroadcast v41, $0x0;
	v46 =	vpop (erf);
	v43 =	vmov s20;
	(erf) = vpow2.f32 v16  }
0x2ba: {  	[tilespmem:s4+$0xFFFFFF90] =	vst v5;
	v1 =	vsel vm2, v1, v46;
	v49 =	vpop (erf);
	v5 =	vmul.f32 $1.442695020e+00, v43;
	v45 =	vmov s0  }
0x2bb: {  	[tilespmem:s4+$0xFFFFFFD0] =	vst v4;
	(erf) = vpow2.f32 v10;
	v1 =	vsel vm3, v1, v49;
	v47 =	vmul.f32 $1.442695020e+00, v45  }
0x2bc: {  	v48 =	vld [tilespmem:s14+$0xFFFFFFB0];
	[tilespmem:s6+$0x90] =	vst v1;
	v1 =	vmul.f32 v44, v14;
	v5 =	vbroadcast v5, $0x0  }
0x2bd: {  	[tilespmem:s4+$0x20] =	vst v2;
	v2 =	vunpack.i.l.bf16.f32 v3;
	v6 =	vsel vm2, v15, v42;
	v4 =	vbroadcast v47, $0x0  }
0x2be: {  	[tilespmem:s4+$0x30] =	vst v1;
	v1 =	vunpack.i.u.bf16.f32 v3;
	v3 =	vsel vm3, v6, v44;
	(erf) = vpow2.f32 v5  }
0x2bf: {  	[tilespmem:s4+$0x80] =	vst v34;
	v50 =	vld [tilespmem:s14+$0xFFFFFFF0];
	v2 =	vmul.f32 v46, v2;
	(erf) = vpow2.f32 v4  }
0x2c0: {  	[tilespmem:s4+$0xFFFFFFE0] =	vst v38  }
0x2c1: {  	v51 =	vunpack.i.l.bf16.f32 v48;
	v52 =	vnsel vm0, $0x0, v23;
	v1 =	vmul.f32 v49, v1;
	[tilespmem:s4+$0x40] =	vst v3;
	v3 =	vpop (erf)  }
0x2c2: {  	v53 =	vld [tilespmem:s14+$0x30];
	[tilespmem:s6+$0x70] =	vst v2;
	v6 =	vsel vm1, v52, v22;
	v4 =	vmul.f32 v3, v51  }
0x2c3: {  	v54 =	vunpack.i.u.bf16.f32 v48;
	[tilespmem:s6+$0x80] =	vst v1;
	v2 =	vpop (erf);
	v3 =	vsel vm2, v6, v3  }
0x2c4: {  	v56 =	vunpack.i.l.bf16.f32 v50;
	v1 =	vmul.f32 v2, v54;
	v57 =	vpop (erf);
	v2 =	vsel vm3, v3, v2;
	[tilespmem:s6+$0xFFFFFF80] =	vst v4  }
0x2c5: {  	v55 =	vnsel vm0, $0x0, v11;
	v58 =	vunpack.i.u.bf16.f32 v50;
	v59 =	vpop (erf);
	v3 =	vmul.f32 v57, v56;
	[tilespmem:s6+$0xFFFFFFA0] =	vst v2  }
0x2c6: {  	[tilespmem:s6+$0xFFFFFF90] =	vst v1;
	v1 =	vsel vm1, v55, v7;
	v4 =	vmul.f32 v59, v58  }
0x2c7: {  	v60 =	vunpack.i.l.bf16.f32 v53;
	v2 =	vnsel vm0, $0x0, v12;
	v1 =	vsel vm2, v1, v57;
	[tilespmem:s6+$0xFFFFFFD0] =	vst v3;
	v61 =	vpop (erf)  }
0x2c8: {  	v3 =	vunpack.i.u.bf16.f32 v53;
	v1 =	vsel vm3, v1, v59;
	[tilespmem:s6+$0xFFFFFFE0] =	vst v4;
	v62 =	vpop (erf);
	v63 =	vmul.f32 v61, v60  }
0x2c9: {  	s31 =	smul.u32 $0x140, s31;
	v2 =	vsel vm1, v2, v9;
	[tilespmem:s6+$0xFFFFFFF0] =	vst v1;
	v1 =	vmul.f32 v62, v3  }
0x2ca: {  	s30 =	sadd.s32 $0x1, s30;
	v2 =	vsel vm2, v2, v61;
	[tilespmem:s6+$0x20] =	vst v63  }
0x2cb: {  	p0 =	sne.s32 s30, $0x7D;
	s0 =	sshra.s32 s31, $0x2;
	[tilespmem:s6+$0x30] =	vst v1;
	v1 =	vsel vm3, v2, v62  }
.Ltmp3:
0x2cc: {  	s0 =	sadd.s32 $0x4E20, s0;
	[tilespmem:s6+$0x40] =	vst v1;
	(pc) =	sbr.rel @p0 .LBB2_4-.Ltmp3, $4  }
0x2cd: {  	[spmem:s3] =	stream.indirect.scatter.add.f32 [tilespmem:s24], [sflag:$0x5], $0x50, s0, s15, $0xb8;
	[tilespmem:$0x1B9E0] =	vst v63  }
0x2ce: {  	_ =	swait.ge [sflag:s25], $0x1900  }
0x2cf: {  	[sflag:s25] =	ssyncset.done $0x0  }
0x2d0: {  	[sflag:s25] =	ssyncadd.s32 $0xFFFFE700  }
0x2d1: {  	_ =	swait.ge [sflag:s22], $0x1400  }
0x2d2: {  	[sflag:s22] =	ssyncset.done $0x0  }
0x2d3: {  	[sflag:s22] =	ssyncadd.s32 $0xFFFFEC00  }
0x2d4: {  	_ =	swait.ge [sflag:s23], $0xA00  }
0x2d5: {  	[sflag:s23] =	ssyncset.done $0x0  }
0x2d6: {  	[sflag:s23] =	ssyncadd.s32 $0xFFFFF600  }
0x2d7: {  	[bflag:$0x0] =	sbarrier.arrive $0xFFFF  }
0x2d8: {  	s8 =	rddreg [dreg:$0x5]  }
0x2d9: {  	s0 =	rddreg [dreg:$0x8]  }
0x2da: {  	s6 =	simm.s32 $0x6;
	s4 =	rddreg [dreg:$0xa]  }
0x2db: {  	[hbm:s0], [sflag:s8] =	dma.local [spmem:s4], $0x1900  }
0x2dc: {  	_ =	swait.ge [sflag:s6], $0x1900  }
0x2dd: {  	s1 =	rddreg [dreg:$0xb]  }
0x2de: {  	s31 =	rddreg [dreg:$0x9];
	s1 =	sadd.s32 $0x1, s1  }
0x2df: {  	p0 =	sne.s32 s1, s31  }
.Ltmp4:
0x2e0: {  	_ = 	snop;
	(pc) =	sbr.rel @p0 .LBB2_1-.Ltmp4, $3  }
0x2e1: {  	_ =	sdelay $0x1  }
0x2e2: {  	[sflag:s6] =	ssyncset.done $0x0  }
0x2e3: {  	[sflag:s6] =	ssyncadd.s32 $0xFFFFE700  }
0x2e4: {  	_ =	sfence.sel $0x180000  }
0x2e5: {  	[bflag:$0x0] =	sbarrier.arrive $0xFFFF  }
0x2e6: {  	_ =	strace $0x90000047  }
0x2e7: {  	s0 =	stileid.u32;
	[bflag:$0x2] =	sbarrier.arrive $0xFFFF  }
0x2e8: {  	p0 =	sne.s32 s0, $0x0;
	s0 =	rddreg [dreg:$0x3]  }
0x2e9: {  	s0 =	sadd.s32 @!p0 $0x100000, s0  }
0x2ea: {  	[sflag:s0] =	ssyncadd.tile.s32 @!p0 $0x1;
	_ =	shalt  }
.Lfunc_end2:
_tile_overlayer_lowered:
.L_overlay_start_2:
0x2eb: {  	(tag) =	ssettag $0x2  }
0x2ec: {  	s0 =	rddreg [dreg:$0x0];
	s2 =	stileid.u32  }
0x2ed: {  	s1 =	rddreg [dreg:$0x1];
	p0 =	sne.s32 s2, $0x0  }
0x2ee: {  	s3 =	rddreg [dreg:$0x2];
	[bflag:$0x3] =	sbarrier.arrive $0xFFFF;
	s2 =	simm.s32 @!p0 $0x1C06  }
0x2ef: {  	[timem:s3], [sflag:s2] =	dma.local @!p0 [hbm:s0], s1  }
0x2f0: {  	s0 =	simm.s32 @!p0 $0x6  }
0x2f1: {  	_ =	swait.ge @!p0 [sflag:s0], s1  }
0x2f2: {  	s1 =	ssub.s32 @!p0 $0x0, s1;
	[sflag:s0] =	ssyncset.done @!p0 $0x0  }
0x2f3: {  	[sflag:s0] =	ssyncadd.s32 @!p0 s1  }
0x2f4: {  	[bflag:$0x3] =	sbarrier.arrive $0xFFFF  }
0x2f5: {  	_ =	shalt  }

</sc_bundles>
